<compile_context>
chip_gen: v7x
topology: tpu7x:2x2x1
jax: 0.10.2.dev20260603
libtpu: 0.0.44.dev20260713+nightly
codegen_flags: <defaults>
</compile_context>

<pallas_src>
import jax
import jax.numpy as jnp
from jax import lax
from jax.experimental import pallas as pl
from jax.experimental.pallas import tpu as pltpu
from jax.experimental.pallas import tpu_sc as plsc

_DEPTH = 8
_NUM_LEAVES = 256
_SIZE = 511
_GCOLS = 512
_NDIMS = 2048
_BATCH = 4096
_NW = 32
_BPW = _BATCH // _NW
_LANES = 16
_NPATH = _DEPTH + 1


def _g_matmul_body(w_ref, g_ref):
    w_bf = w_ref[...].astype(jnp.bfloat16)
    leaf = lax.slice(w_bf, (_SIZE - _NUM_LEAVES, 0), (_SIZE, _NDIMS))
    g = lax.dot_general(
        leaf, w_bf,
        dimension_numbers=(((1,), (1,)), ((), ())),
        preferred_element_type=jnp.float32,
    )
    g_ref[...] = g.reshape(_NUM_LEAVES * _GCOLS)


def _sc_probs_body(c0_hbm, c1_hbm, g_hbm, out_hbm,
                   c0_v, c1_v, idx_v, vals_v, out_v, sem):
    wid = lax.axis_index("s") * 2 + lax.axis_index("c")
    base = wid * _BPW
    pltpu.sync_copy(c0_hbm.at[pl.ds(base, _BPW)], c0_v)
    pltpu.sync_copy(c1_hbm.at[pl.ds(base, _BPW)], c1_v)
    for g in range(_BPW // _LANES):
        c0g = c0_v[pl.ds(g * _LANES, _LANES)]
        t = c1_v[pl.ds(g * _LANES, _LANES)] + 256
        for d in range(_NPATH):
            node = jnp.right_shift(t, _DEPTH - d) - 1
            idx_v[d, pl.ds(g * _LANES, _LANES)] = c0g * _GCOLS + node
    copies = [
        pltpu.async_copy(g_hbm.at[idx_v.at[d]], vals_v.at[d], sem)
        for d in range(_NPATH)
    ]
    for c in copies:
        c.wait()
    for g in range(_BPW // _LANES):
        acc = jnp.ones((_LANES,), jnp.float32)
        for d in range(_NPATH):
            v = vals_v[d, pl.ds(g * _LANES, _LANES)]
            acc = acc * (1.0 / (1.0 + jnp.exp(-v)))
        out_v[pl.ds(g * _LANES, _LANES)] = acc
    pltpu.sync_copy(out_v, out_hbm.at[pl.ds(base, _BPW)])


def kernel(collocation, W):
    coll = collocation.astype(jnp.int32)
    c0 = coll[:, 0]
    c1 = coll[:, 1]
    g_flat = pl.pallas_call(
        _g_matmul_body,
        grid=(1,),
        in_specs=[pl.BlockSpec((_GCOLS, _NDIMS), lambda i: (0, 0))],
        out_specs=pl.BlockSpec((_NUM_LEAVES * _GCOLS,), lambda i: (0,)),
        out_shape=jax.ShapeDtypeStruct((_NUM_LEAVES * _GCOLS,), jnp.float32),
    )(W)

    mesh = plsc.VectorSubcoreMesh(core_axis_name="c", subcore_axis_name="s")
    sc_probs = pl.kernel(
        _sc_probs_body,
        out_type=jax.ShapeDtypeStruct((_BATCH,), jnp.float32),
        mesh=mesh,
        scratch_types=[
            pltpu.VMEM((_BPW,), jnp.int32),
            pltpu.VMEM((_BPW,), jnp.int32),
            pltpu.VMEM((_NPATH, _BPW), jnp.int32),
            pltpu.VMEM((_NPATH, _BPW), jnp.float32),
            pltpu.VMEM((_BPW,), jnp.float32),
            pltpu.SemaphoreType.DMA,
        ],
        compiler_params=pltpu.CompilerParams(use_tc_tiling_on_sc=False),
    )
    return sc_probs(c0, c1, g_flat)

# --- scband reference (transcript-rebuilt; emitter-appended) ---
"""Pipeline reference for scband-binary-tree-65927747993695 (READ-ONLY COPY).

The authoritative reference and input builder live on the scoring server;
editing this copy changes nothing except your own understanding.
"""

import jax, jax.numpy as jnp
import numpy as np

NUM_VERTICES = 256
DEPTH = 8                      # len(bin(255)) - 2
SIZE = (1 << (DEPTH + 1)) - 1  # 511
N_DIMS = 2048
BATCH = 4096


def find_path(coll):
    # coll: [B, 2] already offset-added tree indices
    B = coll.shape[0]
    mask = (2 ** jnp.arange(DEPTH + 1)).astype(jnp.int32)           # [DEPTH+1]
    tgt = (coll[:, 1].astype(jnp.int32) + 1)[:, None]               # [B, 1]
    binary = ((tgt & mask) != 0).astype(jnp.int32)                  # [B, DEPTH+1]
    binary = jnp.flip(binary, axis=-1)
    path0 = jnp.zeros((B, 1), dtype=jnp.int32)
    path = jnp.concatenate([path0, binary[:, 1:]], axis=-1)         # [B, DEPTH+1]
    cols = [path[:, 0]]
    for i in range(1, DEPTH + 1):
        cols.append((cols[-1] << 1) + (path[:, i] + 1))
    return jnp.stack(cols, axis=-1)                                 # [B, DEPTH+1]


def setup_inputs(seed: int = 0) -> dict:
    key = jax.random.key(seed)
    k1, k2 = jax.random.split(key)
    collocation = jax.random.randint(k1, (BATCH, 2), 0, NUM_VERTICES).astype(jnp.int32)
    # nodes[i] is Linear(n_dims, 1, bias=False); stack all weights -> [SIZE, N_DIMS]
    W = jax.random.normal(k2, (SIZE, N_DIMS), dtype=jnp.float32) * (1.0 / np.sqrt(N_DIMS))
    return {"collocation": collocation, "W": W}


def reference(collocation, W):
    offset = (1 << DEPTH) - 1                        # 255
    coll = collocation.astype(jnp.int32) + offset
    paths = find_path(coll)                          # [B, DEPTH+1]
    v_j = coll[:, 0]                                 # leaf indices in tree
    # torch uses weight.data.clone() -> detached copy of the leaf weight as the input vector
    x = jax.lax.stop_gradient(W)[v_j]                # [B, N_DIMS]
    Wp = W[paths]                                    # [B, DEPTH+1, N_DIMS]
    logits = jnp.einsum('bd,bpd->bp', x, Wp)         # [B, DEPTH+1]
    probs = jnp.prod(jax.nn.sigmoid(logits), axis=-1)  # [B]
    return probs

if __name__ == "__main__":
    import jax
    _d = setup_inputs()
    print(jax.jit(kernel)(*tuple(_d.values())))

</pallas_src>

<mosaic_0001>
#map = affine_map<(d0, d1) -> (0)>
module attributes {stable_mosaic.version = 14 : i64} {
  func.func @_sc_probs_body(%arg0: i32, %arg1: i32, %arg2: memref<4096xi32, #tpu.memory_space<hbm>>, %arg3: memref<4096xi32, #tpu.memory_space<hbm>>, %arg4: memref<131072xf32, #tpu.memory_space<hbm>>, %arg5: memref<4096xf32, #tpu.memory_space<hbm>>, %arg6: memref<128xi32, #tpu.memory_space<vmem>>, %arg7: memref<128xi32, #tpu.memory_space<vmem>>, %arg8: memref<9x128xi32, #tpu.memory_space<vmem>>, %arg9: memref<9x128xf32, #tpu.memory_space<vmem>>, %arg10: memref<128xf32, #tpu.memory_space<vmem>>, %arg11: memref<!tpu.dma_semaphore, #tpu.memory_space<semaphore_mem>>) attributes {dimension_semantics = [#tpu.dimension_semantics<core_parallel>, #tpu.dimension_semantics<subcore_parallel>], iteration_bounds = array<i64: 2, 16>, scalar_prefetch = 0 : i64, scratch_operands = 6 : i64, tpu.core_type = #tpu.core_type<sc_vector_subcore>, window_params = [{transform_indices = #map}, {transform_indices = #map}, {transform_indices = #map}, {transform_indices = #map}]} {
    %mul3A = arith.constant 2 : i32
    %mul3A_0 = arith.muli %arg1, %mul3A : i32
    %add3A = arith.addi %mul3A_0, %arg0 : i32
    %mul3A_1 = arith.constant 128 : i32
    %mul3A_2 = arith.muli %add3A, %mul3A_1 : i32
    "tpu.region"() ({
      %run_scoped3A = tpu.sem_alloc : memref<!tpu.dma_semaphore, #tpu.memory_space<semaphore_mem>>
      %dma_start3A_2597 = tpu.memref_slice %arg2[%mul3A_2] : memref<4096xi32, #tpu.memory_space<hbm>> -> memref<128xi32, #tpu.memory_space<hbm>>
      %dma_start3A_2598 = tpu.memref_slice %arg2[%mul3A_2] : memref<4096xi32, #tpu.memory_space<hbm>> -> memref<128xi32, #tpu.memory_space<hbm>>
      tpu.enqueue_dma source(%dma_start3A_2598 : memref<128xi32, #tpu.memory_space<hbm>>) target(%arg6 : memref<128xi32, #tpu.memory_space<vmem>>) target_semaphore(%run_scoped3A : memref<!tpu.dma_semaphore, #tpu.memory_space<semaphore_mem>>)
      %dma_wait3A_2599 = tpu.memref_slice %arg2[%mul3A_2] : memref<4096xi32, #tpu.memory_space<hbm>> -> memref<128xi32, #tpu.memory_space<hbm>>
      %dma_wait3A_2600 = tpu.memref_slice %arg2[%mul3A_2] : memref<4096xi32, #tpu.memory_space<hbm>> -> memref<128xi32, #tpu.memory_space<hbm>>
      tpu.wait_dma2 semaphore(%run_scoped3A : memref<!tpu.dma_semaphore, #tpu.memory_space<semaphore_mem>>) src(%dma_wait3A_2600 : memref<128xi32, #tpu.memory_space<hbm>>) dst(%arg6 : memref<128xi32, #tpu.memory_space<vmem>>)
      tpu.yield
    }) : () -> ()
    "tpu.region"() ({
      %run_scoped3A = tpu.sem_alloc : memref<!tpu.dma_semaphore, #tpu.memory_space<semaphore_mem>>
      %dma_start3A_2597 = tpu.memref_slice %arg3[%mul3A_2] : memref<4096xi32, #tpu.memory_space<hbm>> -> memref<128xi32, #tpu.memory_space<hbm>>
      %dma_start3A_2598 = tpu.memref_slice %arg3[%mul3A_2] : memref<4096xi32, #tpu.memory_space<hbm>> -> memref<128xi32, #tpu.memory_space<hbm>>
      tpu.enqueue_dma source(%dma_start3A_2598 : memref<128xi32, #tpu.memory_space<hbm>>) target(%arg7 : memref<128xi32, #tpu.memory_space<vmem>>) target_semaphore(%run_scoped3A : memref<!tpu.dma_semaphore, #tpu.memory_space<semaphore_mem>>)
      %dma_wait3A_2599 = tpu.memref_slice %arg3[%mul3A_2] : memref<4096xi32, #tpu.memory_space<hbm>> -> memref<128xi32, #tpu.memory_space<hbm>>
      %dma_wait3A_2600 = tpu.memref_slice %arg3[%mul3A_2] : memref<4096xi32, #tpu.memory_space<hbm>> -> memref<128xi32, #tpu.memory_space<hbm>>
      tpu.wait_dma2 semaphore(%run_scoped3A : memref<!tpu.dma_semaphore, #tpu.memory_space<semaphore_mem>>) src(%dma_wait3A_2600 : memref<128xi32, #tpu.memory_space<hbm>>) dst(%arg7 : memref<128xi32, #tpu.memory_space<vmem>>)
      tpu.yield
    }) : () -> ()
    %get3A = arith.constant 0 : index
    %get3A_3 = tpu.vector_load %arg6[%get3A] {strides = array<i32>} : memref<128xi32, #tpu.memory_space<vmem>>, vector<16xi32>,
    %get3A_4 = vector.shape_cast %get3A_3 : vector<16xi32> to vector<16xi32>
    %get3A_5 = arith.constant 0 : index
    %get3A_6 = tpu.vector_load %arg7[%get3A_5] {strides = array<i32>} : memref<128xi32, #tpu.memory_space<vmem>>, vector<16xi32>,
    %get3A_7 = vector.shape_cast %get3A_6 : vector<16xi32> to vector<16xi32>
    %add3A_8 = arith.constant 256 : i32
    %add3A_9 = vector.broadcast %add3A_8 : i32 to vector<16xi32>
    %add3A_10 = arith.addi %get3A_7, %add3A_9 : vector<16xi32>
    %shift_right_arithmetic3A = arith.constant 8 : i32
    %shift_right_arithmetic3A_11 = vector.broadcast %shift_right_arithmetic3A : i32 to vector<16xi32>
    %shift_right_arithmetic3A_12 = arith.shrsi %add3A_10, %shift_right_arithmetic3A_11 : vector<16xi32>
    %sub3A = arith.constant 1 : i32
    %sub3A_13 = vector.broadcast %sub3A : i32 to vector<16xi32>
    %sub3A_14 = arith.subi %shift_right_arithmetic3A_12, %sub3A_13 : vector<16xi32>
    %mul3A_15 = arith.constant 512 : i32
    %mul3A_16 = vector.broadcast %mul3A_15 : i32 to vector<16xi32>
    %mul3A_17 = arith.muli %get3A_4, %mul3A_16 : vector<16xi32>
    %add3A_18 = arith.addi %mul3A_17, %sub3A_14 : vector<16xi32>
    %swap3A = arith.constant 0 : i32
    %swap3A_19 = arith.index_cast %swap3A : i32 to index
    %swap3A_20 = arith.constant 0 : index
    %swap3A_21 = tpu.vector_load %arg8[%swap3A_19, %swap3A_20] {strides = array<i32>} : memref<9x128xi32, #tpu.memory_space<vmem>>, vector<1x16xi32>,
    %swap3A_22 = vector.shape_cast %swap3A_21 : vector<1x16xi32> to vector<16xi32>
    %swap3A_23 = vector.shape_cast %add3A_18 : vector<16xi32> to vector<1x16xi32>
    tpu.vector_store %arg8[%swap3A_19, %swap3A_20], %swap3A_23 {strides = array<i32>} : memref<9x128xi32, #tpu.memory_space<vmem>>, vector<1x16xi32>,
    %shift_right_arithmetic3A_24 = arith.constant 7 : i32
    %shift_right_arithmetic3A_25 = vector.broadcast %shift_right_arithmetic3A_24 : i32 to vector<16xi32>
    %shift_right_arithmetic3A_26 = arith.shrsi %add3A_10, %shift_right_arithmetic3A_25 : vector<16xi32>
    %sub3A_27 = arith.constant 1 : i32
    %sub3A_28 = vector.broadcast %sub3A_27 : i32 to vector<16xi32>
    %sub3A_29 = arith.subi %shift_right_arithmetic3A_26, %sub3A_28 : vector<16xi32>
    %mul3A_30 = arith.constant 512 : i32
    %mul3A_31 = vector.broadcast %mul3A_30 : i32 to vector<16xi32>
    %mul3A_32 = arith.muli %get3A_4, %mul3A_31 : vector<16xi32>
    %add3A_33 = arith.addi %mul3A_32, %sub3A_29 : vector<16xi32>
    %swap3A_34 = arith.constant 1 : i32
    %swap3A_35 = arith.index_cast %swap3A_34 : i32 to index
    %swap3A_36 = arith.constant 0 : index
    %swap3A_37 = tpu.vector_load %arg8[%swap3A_35, %swap3A_36] {strides = array<i32>} : memref<9x128xi32, #tpu.memory_space<vmem>>, vector<1x16xi32>,
    %swap3A_38 = vector.shape_cast %swap3A_37 : vector<1x16xi32> to vector<16xi32>
    %swap3A_39 = vector.shape_cast %add3A_33 : vector<16xi32> to vector<1x16xi32>
    tpu.vector_store %arg8[%swap3A_35, %swap3A_36], %swap3A_39 {strides = array<i32>} : memref<9x128xi32, #tpu.memory_space<vmem>>, vector<1x16xi32>,
    %shift_right_arithmetic3A_40 = arith.constant 6 : i32
    %shift_right_arithmetic3A_41 = vector.broadcast %shift_right_arithmetic3A_40 : i32 to vector<16xi32>
    %shift_right_arithmetic3A_42 = arith.shrsi %add3A_10, %shift_right_arithmetic3A_41 : vector<16xi32>
    %sub3A_43 = arith.constant 1 : i32
    %sub3A_44 = vector.broadcast %sub3A_43 : i32 to vector<16xi32>
    %sub3A_45 = arith.subi %shift_right_arithmetic3A_42, %sub3A_44 : vector<16xi32>
    %mul3A_46 = arith.constant 512 : i32
    %mul3A_47 = vector.broadcast %mul3A_46 : i32 to vector<16xi32>
    %mul3A_48 = arith.muli %get3A_4, %mul3A_47 : vector<16xi32>
    %add3A_49 = arith.addi %mul3A_48, %sub3A_45 : vector<16xi32>
    %swap3A_50 = arith.constant 2 : i32
    %swap3A_51 = arith.index_cast %swap3A_50 : i32 to index
    %swap3A_52 = arith.constant 0 : index
    %swap3A_53 = tpu.vector_load %arg8[%swap3A_51, %swap3A_52] {strides = array<i32>} : memref<9x128xi32, #tpu.memory_space<vmem>>, vector<1x16xi32>,
    %swap3A_54 = vector.shape_cast %swap3A_53 : vector<1x16xi32> to vector<16xi32>
    %swap3A_55 = vector.shape_cast %add3A_49 : vector<16xi32> to vector<1x16xi32>
    tpu.vector_store %arg8[%swap3A_51, %swap3A_52], %swap3A_55 {strides = array<i32>} : memref<9x128xi32, #tpu.memory_space<vmem>>, vector<1x16xi32>,
    %shift_right_arithmetic3A_56 = arith.constant 5 : i32
    %shift_right_arithmetic3A_57 = vector.broadcast %shift_right_arithmetic3A_56 : i32 to vector<16xi32>
    %shift_right_arithmetic3A_58 = arith.shrsi %add3A_10, %shift_right_arithmetic3A_57 : vector<16xi32>
    %sub3A_59 = arith.constant 1 : i32
    %sub3A_60 = vector.broadcast %sub3A_59 : i32 to vector<16xi32>
    %sub3A_61 = arith.subi %shift_right_arithmetic3A_58, %sub3A_60 : vector<16xi32>
    %mul3A_62 = arith.constant 512 : i32
    %mul3A_63 = vector.broadcast %mul3A_62 : i32 to vector<16xi32>
    %mul3A_64 = arith.muli %get3A_4, %mul3A_63 : vector<16xi32>
    %add3A_65 = arith.addi %mul3A_64, %sub3A_61 : vector<16xi32>
    %swap3A_66 = arith.constant 3 : i32
    %swap3A_67 = arith.index_cast %swap3A_66 : i32 to index
    %swap3A_68 = arith.constant 0 : index
    %swap3A_69 = tpu.vector_load %arg8[%swap3A_67, %swap3A_68] {strides = array<i32>} : memref<9x128xi32, #tpu.memory_space<vmem>>, vector<1x16xi32>,
    %swap3A_70 = vector.shape_cast %swap3A_69 : vector<1x16xi32> to vector<16xi32>
    %swap3A_71 = vector.shape_cast %add3A_65 : vector<16xi32> to vector<1x16xi32>
    tpu.vector_store %arg8[%swap3A_67, %swap3A_68], %swap3A_71 {strides = array<i32>} : memref<9x128xi32, #tpu.memory_space<vmem>>, vector<1x16xi32>,
    %shift_right_arithmetic3A_72 = arith.constant 4 : i32
    %shift_right_arithmetic3A_73 = vector.broadcast %shift_right_arithmetic3A_72 : i32 to vector<16xi32>
    %shift_right_arithmetic3A_74 = arith.shrsi %add3A_10, %shift_right_arithmetic3A_73 : vector<16xi32>
    %sub3A_75 = arith.constant 1 : i32
    %sub3A_76 = vector.broadcast %sub3A_75 : i32 to vector<16xi32>
    %sub3A_77 = arith.subi %shift_right_arithmetic3A_74, %sub3A_76 : vector<16xi32>
    %mul3A_78 = arith.constant 512 : i32
    %mul3A_79 = vector.broadcast %mul3A_78 : i32 to vector<16xi32>
    %mul3A_80 = arith.muli %get3A_4, %mul3A_79 : vector<16xi32>
    %add3A_81 = arith.addi %mul3A_80, %sub3A_77 : vector<16xi32>
    %swap3A_82 = arith.constant 4 : i32
    %swap3A_83 = arith.index_cast %swap3A_82 : i32 to index
    %swap3A_84 = arith.constant 0 : index
    %swap3A_85 = tpu.vector_load %arg8[%swap3A_83, %swap3A_84] {strides = array<i32>} : memref<9x128xi32, #tpu.memory_space<vmem>>, vector<1x16xi32>,
    %swap3A_86 = vector.shape_cast %swap3A_85 : vector<1x16xi32> to vector<16xi32>
    %swap3A_87 = vector.shape_cast %add3A_81 : vector<16xi32> to vector<1x16xi32>
    tpu.vector_store %arg8[%swap3A_83, %swap3A_84], %swap3A_87 {strides = array<i32>} : memref<9x128xi32, #tpu.memory_space<vmem>>, vector<1x16xi32>,
    %shift_right_arithmetic3A_88 = arith.constant 3 : i32
    %shift_right_arithmetic3A_89 = vector.broadcast %shift_right_arithmetic3A_88 : i32 to vector<16xi32>
    %shift_right_arithmetic3A_90 = arith.shrsi %add3A_10, %shift_right_arithmetic3A_89 : vector<16xi32>
    %sub3A_91 = arith.constant 1 : i32
    %sub3A_92 = vector.broadcast %sub3A_91 : i32 to vector<16xi32>
    %sub3A_93 = arith.subi %shift_right_arithmetic3A_90, %sub3A_92 : vector<16xi32>
    %mul3A_94 = arith.constant 512 : i32
    %mul3A_95 = vector.broadcast %mul3A_94 : i32 to vector<16xi32>
    %mul3A_96 = arith.muli %get3A_4, %mul3A_95 : vector<16xi32>
    %add3A_97 = arith.addi %mul3A_96, %sub3A_93 : vector<16xi32>
    %swap3A_98 = arith.constant 5 : i32
    %swap3A_99 = arith.index_cast %swap3A_98 : i32 to index
    %swap3A_100 = arith.constant 0 : index
    %swap3A_101 = tpu.vector_load %arg8[%swap3A_99, %swap3A_100] {strides = array<i32>} : memref<9x128xi32, #tpu.memory_space<vmem>>, vector<1x16xi32>,
    %swap3A_102 = vector.shape_cast %swap3A_101 : vector<1x16xi32> to vector<16xi32>
    %swap3A_103 = vector.shape_cast %add3A_97 : vector<16xi32> to vector<1x16xi32>
    tpu.vector_store %arg8[%swap3A_99, %swap3A_100], %swap3A_103 {strides = array<i32>} : memref<9x128xi32, #tpu.memory_space<vmem>>, vector<1x16xi32>,
    %shift_right_arithmetic3A_104 = arith.constant 2 : i32
    %shift_right_arithmetic3A_105 = vector.broadcast %shift_right_arithmetic3A_104 : i32 to vector<16xi32>
    %shift_right_arithmetic3A_106 = arith.shrsi %add3A_10, %shift_right_arithmetic3A_105 : vector<16xi32>
    %sub3A_107 = arith.constant 1 : i32
    %sub3A_108 = vector.broadcast %sub3A_107 : i32 to vector<16xi32>
    %sub3A_109 = arith.subi %shift_right_arithmetic3A_106, %sub3A_108 : vector<16xi32>
    %mul3A_110 = arith.constant 512 : i32
    %mul3A_111 = vector.broadcast %mul3A_110 : i32 to vector<16xi32>
    %mul3A_112 = arith.muli %get3A_4, %mul3A_111 : vector<16xi32>
    %add3A_113 = arith.addi %mul3A_112, %sub3A_109 : vector<16xi32>
    %swap3A_114 = arith.constant 6 : i32
    %swap3A_115 = arith.index_cast %swap3A_114 : i32 to index
    %swap3A_116 = arith.constant 0 : index
    %swap3A_117 = tpu.vector_load %arg8[%swap3A_115, %swap3A_116] {strides = array<i32>} : memref<9x128xi32, #tpu.memory_space<vmem>>, vector<1x16xi32>,
    %swap3A_118 = vector.shape_cast %swap3A_117 : vector<1x16xi32> to vector<16xi32>
    %swap3A_119 = vector.shape_cast %add3A_113 : vector<16xi32> to vector<1x16xi32>
    tpu.vector_store %arg8[%swap3A_115, %swap3A_116], %swap3A_119 {strides = array<i32>} : memref<9x128xi32, #tpu.memory_space<vmem>>, vector<1x16xi32>,
    %shift_right_arithmetic3A_120 = arith.constant 1 : i32
    %shift_right_arithmetic3A_121 = vector.broadcast %shift_right_arithmetic3A_120 : i32 to vector<16xi32>
    %shift_right_arithmetic3A_122 = arith.shrsi %add3A_10, %shift_right_arithmetic3A_121 : vector<16xi32>
    %sub3A_123 = arith.constant 1 : i32
    %sub3A_124 = vector.broadcast %sub3A_123 : i32 to vector<16xi32>
    %sub3A_125 = arith.subi %shift_right_arithmetic3A_122, %sub3A_124 : vector<16xi32>
    %mul3A_126 = arith.constant 512 : i32
    %mul3A_127 = vector.broadcast %mul3A_126 : i32 to vector<16xi32>
    %mul3A_128 = arith.muli %get3A_4, %mul3A_127 : vector<16xi32>
    %add3A_129 = arith.addi %mul3A_128, %sub3A_125 : vector<16xi32>
    %swap3A_130 = arith.constant 7 : i32
    %swap3A_131 = arith.index_cast %swap3A_130 : i32 to index
    %swap3A_132 = arith.constant 0 : index
    %swap3A_133 = tpu.vector_load %arg8[%swap3A_131, %swap3A_132] {strides = array<i32>} : memref<9x128xi32, #tpu.memory_space<vmem>>, vector<1x16xi32>,
    %swap3A_134 = vector.shape_cast %swap3A_133 : vector<1x16xi32> to vector<16xi32>
    %swap3A_135 = vector.shape_cast %add3A_129 : vector<16xi32> to vector<1x16xi32>
    tpu.vector_store %arg8[%swap3A_131, %swap3A_132], %swap3A_135 {strides = array<i32>} : memref<9x128xi32, #tpu.memory_space<vmem>>, vector<1x16xi32>,
    %shift_right_arithmetic3A_136 = arith.constant 0 : i32
    %shift_right_arithmetic3A_137 = vector.broadcast %shift_right_arithmetic3A_136 : i32 to vector<16xi32>
    %shift_right_arithmetic3A_138 = arith.shrsi %add3A_10, %shift_right_arithmetic3A_137 : vector<16xi32>
    %sub3A_139 = arith.constant 1 : i32
    %sub3A_140 = vector.broadcast %sub3A_139 : i32 to vector<16xi32>
    %sub3A_141 = arith.subi %shift_right_arithmetic3A_138, %sub3A_140 : vector<16xi32>
    %mul3A_142 = arith.constant 512 : i32
    %mul3A_143 = vector.broadcast %mul3A_142 : i32 to vector<16xi32>
    %mul3A_144 = arith.muli %get3A_4, %mul3A_143 : vector<16xi32>
    %add3A_145 = arith.addi %mul3A_144, %sub3A_141 : vector<16xi32>
    %swap3A_146 = arith.constant 8 : i32
    %swap3A_147 = arith.index_cast %swap3A_146 : i32 to index
    %swap3A_148 = arith.constant 0 : index
    %swap3A_149 = tpu.vector_load %arg8[%swap3A_147, %swap3A_148] {strides = array<i32>} : memref<9x128xi32, #tpu.memory_space<vmem>>, vector<1x16xi32>,
    %swap3A_150 = vector.shape_cast %swap3A_149 : vector<1x16xi32> to vector<16xi32>
    %swap3A_151 = vector.shape_cast %add3A_145 : vector<16xi32> to vector<1x16xi32>
    tpu.vector_store %arg8[%swap3A_147, %swap3A_148], %swap3A_151 {strides = array<i32>} : memref<9x128xi32, #tpu.memory_space<vmem>>, vector<1x16xi32>,
    %get3A_152 = arith.constant 16 : index
    %get3A_153 = tpu.vector_load %arg6[%get3A_152] {strides = array<i32>} : memref<128xi32, #tpu.memory_space<vmem>>, vector<16xi32>,
    %get3A_154 = vector.shape_cast %get3A_153 : vector<16xi32> to vector<16xi32>
    %get3A_155 = arith.constant 16 : index
    %get3A_156 = tpu.vector_load %arg7[%get3A_155] {strides = array<i32>} : memref<128xi32, #tpu.memory_space<vmem>>, vector<16xi32>,
    %get3A_157 = vector.shape_cast %get3A_156 : vector<16xi32> to vector<16xi32>
    %add3A_158 = arith.constant 256 : i32
    %add3A_159 = vector.broadcast %add3A_158 : i32 to vector<16xi32>
    %add3A_160 = arith.addi %get3A_157, %add3A_159 : vector<16xi32>
    %shift_right_arithmetic3A_161 = arith.constant 8 : i32
    %shift_right_arithmetic3A_162 = vector.broadcast %shift_right_arithmetic3A_161 : i32 to vector<16xi32>
    %shift_right_arithmetic3A_163 = arith.shrsi %add3A_160, %shift_right_arithmetic3A_162 : vector<16xi32>
    %sub3A_164 = arith.constant 1 : i32
    %sub3A_165 = vector.broadcast %sub3A_164 : i32 to vector<16xi32>
    %sub3A_166 = arith.subi %shift_right_arithmetic3A_163, %sub3A_165 : vector<16xi32>
    %mul3A_167 = arith.constant 512 : i32
    %mul3A_168 = vector.broadcast %mul3A_167 : i32 to vector<16xi32>
    %mul3A_169 = arith.muli %get3A_154, %mul3A_168 : vector<16xi32>
    %add3A_170 = arith.addi %mul3A_169, %sub3A_166 : vector<16xi32>
    %swap3A_171 = arith.constant 0 : i32
    %swap3A_172 = arith.index_cast %swap3A_171 : i32 to index
    %swap3A_173 = arith.constant 16 : index
    %swap3A_174 = tpu.vector_load %arg8[%swap3A_172, %swap3A_173] {strides = array<i32>} : memref<9x128xi32, #tpu.memory_space<vmem>>, vector<1x16xi32>,
    %swap3A_175 = vector.shape_cast %swap3A_174 : vector<1x16xi32> to vector<16xi32>
    %swap3A_176 = vector.shape_cast %add3A_170 : vector<16xi32> to vector<1x16xi32>
    tpu.vector_store %arg8[%swap3A_172, %swap3A_173], %swap3A_176 {strides = array<i32>} : memref<9x128xi32, #tpu.memory_space<vmem>>, vector<1x16xi32>,
    %shift_right_arithmetic3A_177 = arith.constant 7 : i32
    %shift_right_arithmetic3A_178 = vector.broadcast %shift_right_arithmetic3A_177 : i32 to vector<16xi32>
    %shift_right_arithmetic3A_179 = arith.shrsi %add3A_160, %shift_right_arithmetic3A_178 : vector<16xi32>
    %sub3A_180 = arith.constant 1 : i32
    %sub3A_181 = vector.broadcast %sub3A_180 : i32 to vector<16xi32>
    %sub3A_182 = arith.subi %shift_right_arithmetic3A_179, %sub3A_181 : vector<16xi32>
    %mul3A_183 = arith.constant 512 : i32
    %mul3A_184 = vector.broadcast %mul3A_183 : i32 to vector<16xi32>
    %mul3A_185 = arith.muli %get3A_154, %mul3A_184 : vector<16xi32>
    %add3A_186 = arith.addi %mul3A_185, %sub3A_182 : vector<16xi32>
    %swap3A_187 = arith.constant 1 : i32
    %swap3A_188 = arith.index_cast %swap3A_187 : i32 to index
    %swap3A_189 = arith.constant 16 : index
    %swap3A_190 = tpu.vector_load %arg8[%swap3A_188, %swap3A_189] {strides = array<i32>} : memref<9x128xi32, #tpu.memory_space<vmem>>, vector<1x16xi32>,
    %swap3A_191 = vector.shape_cast %swap3A_190 : vector<1x16xi32> to vector<16xi32>
    %swap3A_192 = vector.shape_cast %add3A_186 : vector<16xi32> to vector<1x16xi32>
    tpu.vector_store %arg8[%swap3A_188, %swap3A_189], %swap3A_192 {strides = array<i32>} : memref<9x128xi32, #tpu.memory_space<vmem>>, vector<1x16xi32>,
    %shift_right_arithmetic3A_193 = arith.constant 6 : i32
    %shift_right_arithmetic3A_194 = vector.broadcast %shift_right_arithmetic3A_193 : i32 to vector<16xi32>
    %shift_right_arithmetic3A_195 = arith.shrsi %add3A_160, %shift_right_arithmetic3A_194 : vector<16xi32>
    %sub3A_196 = arith.constant 1 : i32
    %sub3A_197 = vector.broadcast %sub3A_196 : i32 to vector<16xi32>
    %sub3A_198 = arith.subi %shift_right_arithmetic3A_195, %sub3A_197 : vector<16xi32>
    %mul3A_199 = arith.constant 512 : i32
    %mul3A_200 = vector.broadcast %mul3A_199 : i32 to vector<16xi32>
    %mul3A_201 = arith.muli %get3A_154, %mul3A_200 : vector<16xi32>
    %add3A_202 = arith.addi %mul3A_201, %sub3A_198 : vector<16xi32>
    %swap3A_203 = arith.constant 2 : i32
    %swap3A_204 = arith.index_cast %swap3A_203 : i32 to index
    %swap3A_205 = arith.constant 16 : index
    %swap3A_206 = tpu.vector_load %arg8[%swap3A_204, %swap3A_205] {strides = array<i32>} : memref<9x128xi32, #tpu.memory_space<vmem>>, vector<1x16xi32>,
    %swap3A_207 = vector.shape_cast %swap3A_206 : vector<1x16xi32> to vector<16xi32>
    %swap3A_208 = vector.shape_cast %add3A_202 : vector<16xi32> to vector<1x16xi32>
    tpu.vector_store %arg8[%swap3A_204, %swap3A_205], %swap3A_208 {strides = array<i32>} : memref<9x128xi32, #tpu.memory_space<vmem>>, vector<1x16xi32>,
    %shift_right_arithmetic3A_209 = arith.constant 5 : i32
    %shift_right_arithmetic3A_210 = vector.broadcast %shift_right_arithmetic3A_209 : i32 to vector<16xi32>
    %shift_right_arithmetic3A_211 = arith.shrsi %add3A_160, %shift_right_arithmetic3A_210 : vector<16xi32>
    %sub3A_212 = arith.constant 1 : i32
    %sub3A_213 = vector.broadcast %sub3A_212 : i32 to vector<16xi32>
    %sub3A_214 = arith.subi %shift_right_arithmetic3A_211, %sub3A_213 : vector<16xi32>
    %mul3A_215 = arith.constant 512 : i32
    %mul3A_216 = vector.broadcast %mul3A_215 : i32 to vector<16xi32>
    %mul3A_217 = arith.muli %get3A_154, %mul3A_216 : vector<16xi32>
    %add3A_218 = arith.addi %mul3A_217, %sub3A_214 : vector<16xi32>
    %swap3A_219 = arith.constant 3 : i32
    %swap3A_220 = arith.index_cast %swap3A_219 : i32 to index
    %swap3A_221 = arith.constant 16 : index
    %swap3A_222 = tpu.vector_load %arg8[%swap3A_220, %swap3A_221] {strides = array<i32>} : memref<9x128xi32, #tpu.memory_space<vmem>>, vector<1x16xi32>,
    %swap3A_223 = vector.shape_cast %swap3A_222 : vector<1x16xi32> to vector<16xi32>
    %swap3A_224 = vector.shape_cast %add3A_218 : vector<16xi32> to vector<1x16xi32>
    tpu.vector_store %arg8[%swap3A_220, %swap3A_221], %swap3A_224 {strides = array<i32>} : memref<9x128xi32, #tpu.memory_space<vmem>>, vector<1x16xi32>,
    %shift_right_arithmetic3A_225 = arith.constant 4 : i32
    %shift_right_arithmetic3A_226 = vector.broadcast %shift_right_arithmetic3A_225 : i32 to vector<16xi32>
    %shift_right_arithmetic3A_227 = arith.shrsi %add3A_160, %shift_right_arithmetic3A_226 : vector<16xi32>
    %sub3A_228 = arith.constant 1 : i32
    %sub3A_229 = vector.broadcast %sub3A_228 : i32 to vector<16xi32>
    %sub3A_230 = arith.subi %shift_right_arithmetic3A_227, %sub3A_229 : vector<16xi32>
    %mul3A_231 = arith.constant 512 : i32
    %mul3A_232 = vector.broadcast %mul3A_231 : i32 to vector<16xi32>
    %mul3A_233 = arith.muli %get3A_154, %mul3A_232 : vector<16xi32>
    %add3A_234 = arith.addi %mul3A_233, %sub3A_230 : vector<16xi32>
    %swap3A_235 = arith.constant 4 : i32
    %swap3A_236 = arith.index_cast %swap3A_235 : i32 to index
    %swap3A_237 = arith.constant 16 : index
    %swap3A_238 = tpu.vector_load %arg8[%swap3A_236, %swap3A_237] {strides = array<i32>} : memref<9x128xi32, #tpu.memory_space<vmem>>, vector<1x16xi32>,
    %swap3A_239 = vector.shape_cast %swap3A_238 : vector<1x16xi32> to vector<16xi32>
    %swap3A_240 = vector.shape_cast %add3A_234 : vector<16xi32> to vector<1x16xi32>
    tpu.vector_store %arg8[%swap3A_236, %swap3A_237], %swap3A_240 {strides = array<i32>} : memref<9x128xi32, #tpu.memory_space<vmem>>, vector<1x16xi32>,
    %shift_right_arithmetic3A_241 = arith.constant 3 : i32
    %shift_right_arithmetic3A_242 = vector.broadcast %shift_right_arithmetic3A_241 : i32 to vector<16xi32>
    %shift_right_arithmetic3A_243 = arith.shrsi %add3A_160, %shift_right_arithmetic3A_242 : vector<16xi32>
    %sub3A_244 = arith.constant 1 : i32
    %sub3A_245 = vector.broadcast %sub3A_244 : i32 to vector<16xi32>
    %sub3A_246 = arith.subi %shift_right_arithmetic3A_243, %sub3A_245 : vector<16xi32>
    %mul3A_247 = arith.constant 512 : i32
    %mul3A_248 = vector.broadcast %mul3A_247 : i32 to vector<16xi32>
    %mul3A_249 = arith.muli %get3A_154, %mul3A_248 : vector<16xi32>
    %add3A_250 = arith.addi %mul3A_249, %sub3A_246 : vector<16xi32>
    %swap3A_251 = arith.constant 5 : i32
    %swap3A_252 = arith.index_cast %swap3A_251 : i32 to index
    %swap3A_253 = arith.constant 16 : index
    %swap3A_254 = tpu.vector_load %arg8[%swap3A_252, %swap3A_253] {strides = array<i32>} : memref<9x128xi32, #tpu.memory_space<vmem>>, vector<1x16xi32>,
    %swap3A_255 = vector.shape_cast %swap3A_254 : vector<1x16xi32> to vector<16xi32>
    %swap3A_256 = vector.shape_cast %add3A_250 : vector<16xi32> to vector<1x16xi32>
    tpu.vector_store %arg8[%swap3A_252, %swap3A_253], %swap3A_256 {strides = array<i32>} : memref<9x128xi32, #tpu.memory_space<vmem>>, vector<1x16xi32>,
    %shift_right_arithmetic3A_257 = arith.constant 2 : i32
    %shift_right_arithmetic3A_258 = vector.broadcast %shift_right_arithmetic3A_257 : i32 to vector<16xi32>
    %shift_right_arithmetic3A_259 = arith.shrsi %add3A_160, %shift_right_arithmetic3A_258 : vector<16xi32>
    %sub3A_260 = arith.constant 1 : i32
    %sub3A_261 = vector.broadcast %sub3A_260 : i32 to vector<16xi32>
    %sub3A_262 = arith.subi %shift_right_arithmetic3A_259, %sub3A_261 : vector<16xi32>
    %mul3A_263 = arith.constant 512 : i32
    %mul3A_264 = vector.broadcast %mul3A_263 : i32 to vector<16xi32>
    %mul3A_265 = arith.muli %get3A_154, %mul3A_264 : vector<16xi32>
    %add3A_266 = arith.addi %mul3A_265, %sub3A_262 : vector<16xi32>
    %swap3A_267 = arith.constant 6 : i32
    %swap3A_268 = arith.index_cast %swap3A_267 : i32 to index
    %swap3A_269 = arith.constant 16 : index
    %swap3A_270 = tpu.vector_load %arg8[%swap3A_268, %swap3A_269] {strides = array<i32>} : memref<9x128xi32, #tpu.memory_space<vmem>>, vector<1x16xi32>,
    %swap3A_271 = vector.shape_cast %swap3A_270 : vector<1x16xi32> to vector<16xi32>
    %swap3A_272 = vector.shape_cast %add3A_266 : vector<16xi32> to vector<1x16xi32>
    tpu.vector_store %arg8[%swap3A_268, %swap3A_269], %swap3A_272 {strides = array<i32>} : memref<9x128xi32, #tpu.memory_space<vmem>>, vector<1x16xi32>,
    %shift_right_arithmetic3A_273 = arith.constant 1 : i32
    %shift_right_arithmetic3A_274 = vector.broadcast %shift_right_arithmetic3A_273 : i32 to vector<16xi32>
    %shift_right_arithmetic3A_275 = arith.shrsi %add3A_160, %shift_right_arithmetic3A_274 : vector<16xi32>
    %sub3A_276 = arith.constant 1 : i32
    %sub3A_277 = vector.broadcast %sub3A_276 : i32 to vector<16xi32>
    %sub3A_278 = arith.subi %shift_right_arithmetic3A_275, %sub3A_277 : vector<16xi32>
    %mul3A_279 = arith.constant 512 : i32
    %mul3A_280 = vector.broadcast %mul3A_279 : i32 to vector<16xi32>
    %mul3A_281 = arith.muli %get3A_154, %mul3A_280 : vector<16xi32>
    %add3A_282 = arith.addi %mul3A_281, %sub3A_278 : vector<16xi32>
    %swap3A_283 = arith.constant 7 : i32
    %swap3A_284 = arith.index_cast %swap3A_283 : i32 to index
    %swap3A_285 = arith.constant 16 : index
    %swap3A_286 = tpu.vector_load %arg8[%swap3A_284, %swap3A_285] {strides = array<i32>} : memref<9x128xi32, #tpu.memory_space<vmem>>, vector<1x16xi32>,
    %swap3A_287 = vector.shape_cast %swap3A_286 : vector<1x16xi32> to vector<16xi32>
    %swap3A_288 = vector.shape_cast %add3A_282 : vector<16xi32> to vector<1x16xi32>
    tpu.vector_store %arg8[%swap3A_284, %swap3A_285], %swap3A_288 {strides = array<i32>} : memref<9x128xi32, #tpu.memory_space<vmem>>, vector<1x16xi32>,
    %shift_right_arithmetic3A_289 = arith.constant 0 : i32
    %shift_right_arithmetic3A_290 = vector.broadcast %shift_right_arithmetic3A_289 : i32 to vector<16xi32>
    %shift_right_arithmetic3A_291 = arith.shrsi %add3A_160, %shift_right_arithmetic3A_290 : vector<16xi32>
    %sub3A_292 = arith.constant 1 : i32
    %sub3A_293 = vector.broadcast %sub3A_292 : i32 to vector<16xi32>
    %sub3A_294 = arith.subi %shift_right_arithmetic3A_291, %sub3A_293 : vector<16xi32>
    %mul3A_295 = arith.constant 512 : i32
    %mul3A_296 = vector.broadcast %mul3A_295 : i32 to vector<16xi32>
    %mul3A_297 = arith.muli %get3A_154, %mul3A_296 : vector<16xi32>
    %add3A_298 = arith.addi %mul3A_297, %sub3A_294 : vector<16xi32>
    %swap3A_299 = arith.constant 8 : i32
    %swap3A_300 = arith.index_cast %swap3A_299 : i32 to index
    %swap3A_301 = arith.constant 16 : index
    %swap3A_302 = tpu.vector_load %arg8[%swap3A_300, %swap3A_301] {strides = array<i32>} : memref<9x128xi32, #tpu.memory_space<vmem>>, vector<1x16xi32>,
    %swap3A_303 = vector.shape_cast %swap3A_302 : vector<1x16xi32> to vector<16xi32>
    %swap3A_304 = vector.shape_cast %add3A_298 : vector<16xi32> to vector<1x16xi32>
    tpu.vector_store %arg8[%swap3A_300, %swap3A_301], %swap3A_304 {strides = array<i32>} : memref<9x128xi32, #tpu.memory_space<vmem>>, vector<1x16xi32>,
    %get3A_305 = arith.constant 32 : index
    %get3A_306 = tpu.vector_load %arg6[%get3A_305] {strides = array<i32>} : memref<128xi32, #tpu.memory_space<vmem>>, vector<16xi32>,
    %get3A_307 = vector.shape_cast %get3A_306 : vector<16xi32> to vector<16xi32>
    %get3A_308 = arith.constant 32 : index
    %get3A_309 = tpu.vector_load %arg7[%get3A_308] {strides = array<i32>} : memref<128xi32, #tpu.memory_space<vmem>>, vector<16xi32>,
    %get3A_310 = vector.shape_cast %get3A_309 : vector<16xi32> to vector<16xi32>
    %add3A_311 = arith.constant 256 : i32
    %add3A_312 = vector.broadcast %add3A_311 : i32 to vector<16xi32>
    %add3A_313 = arith.addi %get3A_310, %add3A_312 : vector<16xi32>
    %shift_right_arithmetic3A_314 = arith.constant 8 : i32
    %shift_right_arithmetic3A_315 = vector.broadcast %shift_right_arithmetic3A_314 : i32 to vector<16xi32>
    %shift_right_arithmetic3A_316 = arith.shrsi %add3A_313, %shift_right_arithmetic3A_315 : vector<16xi32>
    %sub3A_317 = arith.constant 1 : i32
    %sub3A_318 = vector.broadcast %sub3A_317 : i32 to vector<16xi32>
    %sub3A_319 = arith.subi %shift_right_arithmetic3A_316, %sub3A_318 : vector<16xi32>
    %mul3A_320 = arith.constant 512 : i32
    %mul3A_321 = vector.broadcast %mul3A_320 : i32 to vector<16xi32>
    %mul3A_322 = arith.muli %get3A_307, %mul3A_321 : vector<16xi32>
    %add3A_323 = arith.addi %mul3A_322, %sub3A_319 : vector<16xi32>
    %swap3A_324 = arith.constant 0 : i32
    %swap3A_325 = arith.index_cast %swap3A_324 : i32 to index
    %swap3A_326 = arith.constant 32 : index
    %swap3A_327 = tpu.vector_load %arg8[%swap3A_325, %swap3A_326] {strides = array<i32>} : memref<9x128xi32, #tpu.memory_space<vmem>>, vector<1x16xi32>,
    %swap3A_328 = vector.shape_cast %swap3A_327 : vector<1x16xi32> to vector<16xi32>
    %swap3A_329 = vector.shape_cast %add3A_323 : vector<16xi32> to vector<1x16xi32>
    tpu.vector_store %arg8[%swap3A_325, %swap3A_326], %swap3A_329 {strides = array<i32>} : memref<9x128xi32, #tpu.memory_space<vmem>>, vector<1x16xi32>,
    %shift_right_arithmetic3A_330 = arith.constant 7 : i32
    %shift_right_arithmetic3A_331 = vector.broadcast %shift_right_arithmetic3A_330 : i32 to vector<16xi32>
    %shift_right_arithmetic3A_332 = arith.shrsi %add3A_313, %shift_right_arithmetic3A_331 : vector<16xi32>
    %sub3A_333 = arith.constant 1 : i32
    %sub3A_334 = vector.broadcast %sub3A_333 : i32 to vector<16xi32>
    %sub3A_335 = arith.subi %shift_right_arithmetic3A_332, %sub3A_334 : vector<16xi32>
    %mul3A_336 = arith.constant 512 : i32
    %mul3A_337 = vector.broadcast %mul3A_336 : i32 to vector<16xi32>
    %mul3A_338 = arith.muli %get3A_307, %mul3A_337 : vector<16xi32>
    %add3A_339 = arith.addi %mul3A_338, %sub3A_335 : vector<16xi32>
    %swap3A_340 = arith.constant 1 : i32
    %swap3A_341 = arith.index_cast %swap3A_340 : i32 to index
    %swap3A_342 = arith.constant 32 : index
    %swap3A_343 = tpu.vector_load %arg8[%swap3A_341, %swap3A_342] {strides = array<i32>} : memref<9x128xi32, #tpu.memory_space<vmem>>, vector<1x16xi32>,
    %swap3A_344 = vector.shape_cast %swap3A_343 : vector<1x16xi32> to vector<16xi32>
    %swap3A_345 = vector.shape_cast %add3A_339 : vector<16xi32> to vector<1x16xi32>
    tpu.vector_store %arg8[%swap3A_341, %swap3A_342], %swap3A_345 {strides = array<i32>} : memref<9x128xi32, #tpu.memory_space<vmem>>, vector<1x16xi32>,
    %shift_right_arithmetic3A_346 = arith.constant 6 : i32
    %shift_right_arithmetic3A_347 = vector.broadcast %shift_right_arithmetic3A_346 : i32 to vector<16xi32>
    %shift_right_arithmetic3A_348 = arith.shrsi %add3A_313, %shift_right_arithmetic3A_347 : vector<16xi32>
    %sub3A_349 = arith.constant 1 : i32
    %sub3A_350 = vector.broadcast %sub3A_349 : i32 to vector<16xi32>
    %sub3A_351 = arith.subi %shift_right_arithmetic3A_348, %sub3A_350 : vector<16xi32>
    %mul3A_352 = arith.constant 512 : i32
    %mul3A_353 = vector.broadcast %mul3A_352 : i32 to vector<16xi32>
    %mul3A_354 = arith.muli %get3A_307, %mul3A_353 : vector<16xi32>
    %add3A_355 = arith.addi %mul3A_354, %sub3A_351 : vector<16xi32>
    %swap3A_356 = arith.constant 2 : i32
    %swap3A_357 = arith.index_cast %swap3A_356 : i32 to index
    %swap3A_358 = arith.constant 32 : index
    %swap3A_359 = tpu.vector_load %arg8[%swap3A_357, %swap3A_358] {strides = array<i32>} : memref<9x128xi32, #tpu.memory_space<vmem>>, vector<1x16xi32>,
    %swap3A_360 = vector.shape_cast %swap3A_359 : vector<1x16xi32> to vector<16xi32>
    %swap3A_361 = vector.shape_cast %add3A_355 : vector<16xi32> to vector<1x16xi32>
    tpu.vector_store %arg8[%swap3A_357, %swap3A_358], %swap3A_361 {strides = array<i32>} : memref<9x128xi32, #tpu.memory_space<vmem>>, vector<1x16xi32>,
    %shift_right_arithmetic3A_362 = arith.constant 5 : i32
    %shift_right_arithmetic3A_363 = vector.broadcast %shift_right_arithmetic3A_362 : i32 to vector<16xi32>
    %shift_right_arithmetic3A_364 = arith.shrsi %add3A_313, %shift_right_arithmetic3A_363 : vector<16xi32>
    %sub3A_365 = arith.constant 1 : i32
    %sub3A_366 = vector.broadcast %sub3A_365 : i32 to vector<16xi32>
    %sub3A_367 = arith.subi %shift_right_arithmetic3A_364, %sub3A_366 : vector<16xi32>
    %mul3A_368 = arith.constant 512 : i32
    %mul3A_369 = vector.broadcast %mul3A_368 : i32 to vector<16xi32>
    %mul3A_370 = arith.muli %get3A_307, %mul3A_369 : vector<16xi32>
    %add3A_371 = arith.addi %mul3A_370, %sub3A_367 : vector<16xi32>
    %swap3A_372 = arith.constant 3 : i32
    %swap3A_373 = arith.index_cast %swap3A_372 : i32 to index
    %swap3A_374 = arith.constant 32 : index
    %swap3A_375 = tpu.vector_load %arg8[%swap3A_373, %swap3A_374] {strides = array<i32>} : memref<9x128xi32, #tpu.memory_space<vmem>>, vector<1x16xi32>,
    %swap3A_376 = vector.shape_cast %swap3A_375 : vector<1x16xi32> to vector<16xi32>
    %swap3A_377 = vector.shape_cast %add3A_371 : vector<16xi32> to vector<1x16xi32>
    tpu.vector_store %arg8[%swap3A_373, %swap3A_374], %swap3A_377 {strides = array<i32>} : memref<9x128xi32, #tpu.memory_space<vmem>>, vector<1x16xi32>,
    %shift_right_arithmetic3A_378 = arith.constant 4 : i32
    %shift_right_arithmetic3A_379 = vector.broadcast %shift_right_arithmetic3A_378 : i32 to vector<16xi32>
    %shift_right_arithmetic3A_380 = arith.shrsi %add3A_313, %shift_right_arithmetic3A_379 : vector<16xi32>
    %sub3A_381 = arith.constant 1 : i32
    %sub3A_382 = vector.broadcast %sub3A_381 : i32 to vector<16xi32>
    %sub3A_383 = arith.subi %shift_right_arithmetic3A_380, %sub3A_382 : vector<16xi32>
    %mul3A_384 = arith.constant 512 : i32
    %mul3A_385 = vector.broadcast %mul3A_384 : i32 to vector<16xi32>
    %mul3A_386 = arith.muli %get3A_307, %mul3A_385 : vector<16xi32>
    %add3A_387 = arith.addi %mul3A_386, %sub3A_383 : vector<16xi32>
    %swap3A_388 = arith.constant 4 : i32
    %swap3A_389 = arith.index_cast %swap3A_388 : i32 to index
    %swap3A_390 = arith.constant 32 : index
    %swap3A_391 = tpu.vector_load %arg8[%swap3A_389, %swap3A_390] {strides = array<i32>} : memref<9x128xi32, #tpu.memory_space<vmem>>, vector<1x16xi32>,
    %swap3A_392 = vector.shape_cast %swap3A_391 : vector<1x16xi32> to vector<16xi32>
    %swap3A_393 = vector.shape_cast %add3A_387 : vector<16xi32> to vector<1x16xi32>
    tpu.vector_store %arg8[%swap3A_389, %swap3A_390], %swap3A_393 {strides = array<i32>} : memref<9x128xi32, #tpu.memory_space<vmem>>, vector<1x16xi32>,
    %shift_right_arithmetic3A_394 = arith.constant 3 : i32
    %shift_right_arithmetic3A_395 = vector.broadcast %shift_right_arithmetic3A_394 : i32 to vector<16xi32>
    %shift_right_arithmetic3A_396 = arith.shrsi %add3A_313, %shift_right_arithmetic3A_395 : vector<16xi32>
    %sub3A_397 = arith.constant 1 : i32
    %sub3A_398 = vector.broadcast %sub3A_397 : i32 to vector<16xi32>
    %sub3A_399 = arith.subi %shift_right_arithmetic3A_396, %sub3A_398 : vector<16xi32>
    %mul3A_400 = arith.constant 512 : i32
    %mul3A_401 = vector.broadcast %mul3A_400 : i32 to vector<16xi32>
    %mul3A_402 = arith.muli %get3A_307, %mul3A_401 : vector<16xi32>
    %add3A_403 = arith.addi %mul3A_402, %sub3A_399 : vector<16xi32>
    %swap3A_404 = arith.constant 5 : i32
    %swap3A_405 = arith.index_cast %swap3A_404 : i32 to index
    %swap3A_406 = arith.constant 32 : index
    %swap3A_407 = tpu.vector_load %arg8[%swap3A_405, %swap3A_406] {strides = array<i32>} : memref<9x128xi32, #tpu.memory_space<vmem>>, vector<1x16xi32>,
    %swap3A_408 = vector.shape_cast %swap3A_407 : vector<1x16xi32> to vector<16xi32>
    %swap3A_409 = vector.shape_cast %add3A_403 : vector<16xi32> to vector<1x16xi32>
    tpu.vector_store %arg8[%swap3A_405, %swap3A_406], %swap3A_409 {strides = array<i32>} : memref<9x128xi32, #tpu.memory_space<vmem>>, vector<1x16xi32>,
    %shift_right_arithmetic3A_410 = arith.constant 2 : i32
    %shift_right_arithmetic3A_411 = vector.broadcast %shift_right_arithmetic3A_410 : i32 to vector<16xi32>
    %shift_right_arithmetic3A_412 = arith.shrsi %add3A_313, %shift_right_arithmetic3A_411 : vector<16xi32>
    %sub3A_413 = arith.constant 1 : i32
    %sub3A_414 = vector.broadcast %sub3A_413 : i32 to vector<16xi32>
    %sub3A_415 = arith.subi %shift_right_arithmetic3A_412, %sub3A_414 : vector<16xi32>
    %mul3A_416 = arith.constant 512 : i32
    %mul3A_417 = vector.broadcast %mul3A_416 : i32 to vector<16xi32>
    %mul3A_418 = arith.muli %get3A_307, %mul3A_417 : vector<16xi32>
    %add3A_419 = arith.addi %mul3A_418, %sub3A_415 : vector<16xi32>
    %swap3A_420 = arith.constant 6 : i32
    %swap3A_421 = arith.index_cast %swap3A_420 : i32 to index
    %swap3A_422 = arith.constant 32 : index
    %swap3A_423 = tpu.vector_load %arg8[%swap3A_421, %swap3A_422] {strides = array<i32>} : memref<9x128xi32, #tpu.memory_space<vmem>>, vector<1x16xi32>,
    %swap3A_424 = vector.shape_cast %swap3A_423 : vector<1x16xi32> to vector<16xi32>
    %swap3A_425 = vector.shape_cast %add3A_419 : vector<16xi32> to vector<1x16xi32>
    tpu.vector_store %arg8[%swap3A_421, %swap3A_422], %swap3A_425 {strides = array<i32>} : memref<9x128xi32, #tpu.memory_space<vmem>>, vector<1x16xi32>,
    %shift_right_arithmetic3A_426 = arith.constant 1 : i32
    %shift_right_arithmetic3A_427 = vector.broadcast %shift_right_arithmetic3A_426 : i32 to vector<16xi32>
    %shift_right_arithmetic3A_428 = arith.shrsi %add3A_313, %shift_right_arithmetic3A_427 : vector<16xi32>
    %sub3A_429 = arith.constant 1 : i32
    %sub3A_430 = vector.broadcast %sub3A_429 : i32 to vector<16xi32>
    %sub3A_431 = arith.subi %shift_right_arithmetic3A_428, %sub3A_430 : vector<16xi32>
    %mul3A_432 = arith.constant 512 : i32
    %mul3A_433 = vector.broadcast %mul3A_432 : i32 to vector<16xi32>
    %mul3A_434 = arith.muli %get3A_307, %mul3A_433 : vector<16xi32>
    %add3A_435 = arith.addi %mul3A_434, %sub3A_431 : vector<16xi32>
    %swap3A_436 = arith.constant 7 : i32
    %swap3A_437 = arith.index_cast %swap3A_436 : i32 to index
    %swap3A_438 = arith.constant 32 : index
    %swap3A_439 = tpu.vector_load %arg8[%swap3A_437, %swap3A_438] {strides = array<i32>} : memref<9x128xi32, #tpu.memory_space<vmem>>, vector<1x16xi32>,
    %swap3A_440 = vector.shape_cast %swap3A_439 : vector<1x16xi32> to vector<16xi32>
    %swap3A_441 = vector.shape_cast %add3A_435 : vector<16xi32> to vector<1x16xi32>
    tpu.vector_store %arg8[%swap3A_437, %swap3A_438], %swap3A_441 {strides = array<i32>} : memref<9x128xi32, #tpu.memory_space<vmem>>, vector<1x16xi32>,
    %shift_right_arithmetic3A_442 = arith.constant 0 : i32
    %shift_right_arithmetic3A_443 = vector.broadcast %shift_right_arithmetic3A_442 : i32 to vector<16xi32>
    %shift_right_arithmetic3A_444 = arith.shrsi %add3A_313, %shift_right_arithmetic3A_443 : vector<16xi32>
    %sub3A_445 = arith.constant 1 : i32
    %sub3A_446 = vector.broadcast %sub3A_445 : i32 to vector<16xi32>
    %sub3A_447 = arith.subi %shift_right_arithmetic3A_444, %sub3A_446 : vector<16xi32>
    %mul3A_448 = arith.constant 512 : i32
    %mul3A_449 = vector.broadcast %mul3A_448 : i32 to vector<16xi32>
    %mul3A_450 = arith.muli %get3A_307, %mul3A_449 : vector<16xi32>
    %add3A_451 = arith.addi %mul3A_450, %sub3A_447 : vector<16xi32>
    %swap3A_452 = arith.constant 8 : i32
    %swap3A_453 = arith.index_cast %swap3A_452 : i32 to index
    %swap3A_454 = arith.constant 32 : index
    %swap3A_455 = tpu.vector_load %arg8[%swap3A_453, %swap3A_454] {strides = array<i32>} : memref<9x128xi32, #tpu.memory_space<vmem>>, vector<1x16xi32>,
    %swap3A_456 = vector.shape_cast %swap3A_455 : vector<1x16xi32> to vector<16xi32>
    %swap3A_457 = vector.shape_cast %add3A_451 : vector<16xi32> to vector<1x16xi32>
    tpu.vector_store %arg8[%swap3A_453, %swap3A_454], %swap3A_457 {strides = array<i32>} : memref<9x128xi32, #tpu.memory_space<vmem>>, vector<1x16xi32>,
    %get3A_458 = arith.constant 48 : index
    %get3A_459 = tpu.vector_load %arg6[%get3A_458] {strides = array<i32>} : memref<128xi32, #tpu.memory_space<vmem>>, vector<16xi32>,
    %get3A_460 = vector.shape_cast %get3A_459 : vector<16xi32> to vector<16xi32>
    %get3A_461 = arith.constant 48 : index
    %get3A_462 = tpu.vector_load %arg7[%get3A_461] {strides = array<i32>} : memref<128xi32, #tpu.memory_space<vmem>>, vector<16xi32>,
    %get3A_463 = vector.shape_cast %get3A_462 : vector<16xi32> to vector<16xi32>
    %add3A_464 = arith.constant 256 : i32
    %add3A_465 = vector.broadcast %add3A_464 : i32 to vector<16xi32>
    %add3A_466 = arith.addi %get3A_463, %add3A_465 : vector<16xi32>
    %shift_right_arithmetic3A_467 = arith.constant 8 : i32
    %shift_right_arithmetic3A_468 = vector.broadcast %shift_right_arithmetic3A_467 : i32 to vector<16xi32>
    %shift_right_arithmetic3A_469 = arith.shrsi %add3A_466, %shift_right_arithmetic3A_468 : vector<16xi32>
    %sub3A_470 = arith.constant 1 : i32
    %sub3A_471 = vector.broadcast %sub3A_470 : i32 to vector<16xi32>
    %sub3A_472 = arith.subi %shift_right_arithmetic3A_469, %sub3A_471 : vector<16xi32>
    %mul3A_473 = arith.constant 512 : i32
    %mul3A_474 = vector.broadcast %mul3A_473 : i32 to vector<16xi32>
    %mul3A_475 = arith.muli %get3A_460, %mul3A_474 : vector<16xi32>
    %add3A_476 = arith.addi %mul3A_475, %sub3A_472 : vector<16xi32>
    %swap3A_477 = arith.constant 0 : i32
    %swap3A_478 = arith.index_cast %swap3A_477 : i32 to index
    %swap3A_479 = arith.constant 48 : index
    %swap3A_480 = tpu.vector_load %arg8[%swap3A_478, %swap3A_479] {strides = array<i32>} : memref<9x128xi32, #tpu.memory_space<vmem>>, vector<1x16xi32>,
    %swap3A_481 = vector.shape_cast %swap3A_480 : vector<1x16xi32> to vector<16xi32>
    %swap3A_482 = vector.shape_cast %add3A_476 : vector<16xi32> to vector<1x16xi32>
    tpu.vector_store %arg8[%swap3A_478, %swap3A_479], %swap3A_482 {strides = array<i32>} : memref<9x128xi32, #tpu.memory_space<vmem>>, vector<1x16xi32>,
    %shift_right_arithmetic3A_483 = arith.constant 7 : i32
    %shift_right_arithmetic3A_484 = vector.broadcast %shift_right_arithmetic3A_483 : i32 to vector<16xi32>
    %shift_right_arithmetic3A_485 = arith.shrsi %add3A_466, %shift_right_arithmetic3A_484 : vector<16xi32>
    %sub3A_486 = arith.constant 1 : i32
    %sub3A_487 = vector.broadcast %sub3A_486 : i32 to vector<16xi32>
    %sub3A_488 = arith.subi %shift_right_arithmetic3A_485, %sub3A_487 : vector<16xi32>
    %mul3A_489 = arith.constant 512 : i32
    %mul3A_490 = vector.broadcast %mul3A_489 : i32 to vector<16xi32>
    %mul3A_491 = arith.muli %get3A_460, %mul3A_490 : vector<16xi32>
    %add3A_492 = arith.addi %mul3A_491, %sub3A_488 : vector<16xi32>
    %swap3A_493 = arith.constant 1 : i32
    %swap3A_494 = arith.index_cast %swap3A_493 : i32 to index
    %swap3A_495 = arith.constant 48 : index
    %swap3A_496 = tpu.vector_load %arg8[%swap3A_494, %swap3A_495] {strides = array<i32>} : memref<9x128xi32, #tpu.memory_space<vmem>>, vector<1x16xi32>,
    %swap3A_497 = vector.shape_cast %swap3A_496 : vector<1x16xi32> to vector<16xi32>
    %swap3A_498 = vector.shape_cast %add3A_492 : vector<16xi32> to vector<1x16xi32>
    tpu.vector_store %arg8[%swap3A_494, %swap3A_495], %swap3A_498 {strides = array<i32>} : memref<9x128xi32, #tpu.memory_space<vmem>>, vector<1x16xi32>,
    %shift_right_arithmetic3A_499 = arith.constant 6 : i32
    %shift_right_arithmetic3A_500 = vector.broadcast %shift_right_arithmetic3A_499 : i32 to vector<16xi32>
    %shift_right_arithmetic3A_501 = arith.shrsi %add3A_466, %shift_right_arithmetic3A_500 : vector<16xi32>
    %sub3A_502 = arith.constant 1 : i32
    %sub3A_503 = vector.broadcast %sub3A_502 : i32 to vector<16xi32>
    %sub3A_504 = arith.subi %shift_right_arithmetic3A_501, %sub3A_503 : vector<16xi32>
    %mul3A_505 = arith.constant 512 : i32
    %mul3A_506 = vector.broadcast %mul3A_505 : i32 to vector<16xi32>
    %mul3A_507 = arith.muli %get3A_460, %mul3A_506 : vector<16xi32>
    %add3A_508 = arith.addi %mul3A_507, %sub3A_504 : vector<16xi32>
    %swap3A_509 = arith.constant 2 : i32
    %swap3A_510 = arith.index_cast %swap3A_509 : i32 to index
    %swap3A_511 = arith.constant 48 : index
    %swap3A_512 = tpu.vector_load %arg8[%swap3A_510, %swap3A_511] {strides = array<i32>} : memref<9x128xi32, #tpu.memory_space<vmem>>, vector<1x16xi32>,
    %swap3A_513 = vector.shape_cast %swap3A_512 : vector<1x16xi32> to vector<16xi32>
    %swap3A_514 = vector.shape_cast %add3A_508 : vector<16xi32> to vector<1x16xi32>
    tpu.vector_store %arg8[%swap3A_510, %swap3A_511], %swap3A_514 {strides = array<i32>} : memref<9x128xi32, #tpu.memory_space<vmem>>, vector<1x16xi32>,
    %shift_right_arithmetic3A_515 = arith.constant 5 : i32
    %shift_right_arithmetic3A_516 = vector.broadcast %shift_right_arithmetic3A_515 : i32 to vector<16xi32>
    %shift_right_arithmetic3A_517 = arith.shrsi %add3A_466, %shift_right_arithmetic3A_516 : vector<16xi32>
    %sub3A_518 = arith.constant 1 : i32
    %sub3A_519 = vector.broadcast %sub3A_518 : i32 to vector<16xi32>
    %sub3A_520 = arith.subi %shift_right_arithmetic3A_517, %sub3A_519 : vector<16xi32>
    %mul3A_521 = arith.constant 512 : i32
    %mul3A_522 = vector.broadcast %mul3A_521 : i32 to vector<16xi32>
    %mul3A_523 = arith.muli %get3A_460, %mul3A_522 : vector<16xi32>
    %add3A_524 = arith.addi %mul3A_523, %sub3A_520 : vector<16xi32>
    %swap3A_525 = arith.constant 3 : i32
    %swap3A_526 = arith.index_cast %swap3A_525 : i32 to index
    %swap3A_527 = arith.constant 48 : index
    %swap3A_528 = tpu.vector_load %arg8[%swap3A_526, %swap3A_527] {strides = array<i32>} : memref<9x128xi32, #tpu.memory_space<vmem>>, vector<1x16xi32>,
    %swap3A_529 = vector.shape_cast %swap3A_528 : vector<1x16xi32> to vector<16xi32>
    %swap3A_530 = vector.shape_cast %add3A_524 : vector<16xi32> to vector<1x16xi32>
    tpu.vector_store %arg8[%swap3A_526, %swap3A_527], %swap3A_530 {strides = array<i32>} : memref<9x128xi32, #tpu.memory_space<vmem>>, vector<1x16xi32>,
    %shift_right_arithmetic3A_531 = arith.constant 4 : i32
    %shift_right_arithmetic3A_532 = vector.broadcast %shift_right_arithmetic3A_531 : i32 to vector<16xi32>
    %shift_right_arithmetic3A_533 = arith.shrsi %add3A_466, %shift_right_arithmetic3A_532 : vector<16xi32>
    %sub3A_534 = arith.constant 1 : i32
    %sub3A_535 = vector.broadcast %sub3A_534 : i32 to vector<16xi32>
    %sub3A_536 = arith.subi %shift_right_arithmetic3A_533, %sub3A_535 : vector<16xi32>
    %mul3A_537 = arith.constant 512 : i32
    %mul3A_538 = vector.broadcast %mul3A_537 : i32 to vector<16xi32>
    %mul3A_539 = arith.muli %get3A_460, %mul3A_538 : vector<16xi32>
    %add3A_540 = arith.addi %mul3A_539, %sub3A_536 : vector<16xi32>
    %swap3A_541 = arith.constant 4 : i32
    %swap3A_542 = arith.index_cast %swap3A_541 : i32 to index
    %swap3A_543 = arith.constant 48 : index
    %swap3A_544 = tpu.vector_load %arg8[%swap3A_542, %swap3A_543] {strides = array<i32>} : memref<9x128xi32, #tpu.memory_space<vmem>>, vector<1x16xi32>,
    %swap3A_545 = vector.shape_cast %swap3A_544 : vector<1x16xi32> to vector<16xi32>
    %swap3A_546 = vector.shape_cast %add3A_540 : vector<16xi32> to vector<1x16xi32>
    tpu.vector_store %arg8[%swap3A_542, %swap3A_543], %swap3A_546 {strides = array<i32>} : memref<9x128xi32, #tpu.memory_space<vmem>>, vector<1x16xi32>,
    %shift_right_arithmetic3A_547 = arith.constant 3 : i32
    %shift_right_arithmetic3A_548 = vector.broadcast %shift_right_arithmetic3A_547 : i32 to vector<16xi32>
    %shift_right_arithmetic3A_549 = arith.shrsi %add3A_466, %shift_right_arithmetic3A_548 : vector<16xi32>
    %sub3A_550 = arith.constant 1 : i32
    %sub3A_551 = vector.broadcast %sub3A_550 : i32 to vector<16xi32>
    %sub3A_552 = arith.subi %shift_right_arithmetic3A_549, %sub3A_551 : vector<16xi32>
    %mul3A_553 = arith.constant 512 : i32
    %mul3A_554 = vector.broadcast %mul3A_553 : i32 to vector<16xi32>
    %mul3A_555 = arith.muli %get3A_460, %mul3A_554 : vector<16xi32>
    %add3A_556 = arith.addi %mul3A_555, %sub3A_552 : vector<16xi32>
    %swap3A_557 = arith.constant 5 : i32
    %swap3A_558 = arith.index_cast %swap3A_557 : i32 to index
    %swap3A_559 = arith.constant 48 : index
    %swap3A_560 = tpu.vector_load %arg8[%swap3A_558, %swap3A_559] {strides = array<i32>} : memref<9x128xi32, #tpu.memory_space<vmem>>, vector<1x16xi32>,
    %swap3A_561 = vector.shape_cast %swap3A_560 : vector<1x16xi32> to vector<16xi32>
    %swap3A_562 = vector.shape_cast %add3A_556 : vector<16xi32> to vector<1x16xi32>
    tpu.vector_store %arg8[%swap3A_558, %swap3A_559], %swap3A_562 {strides = array<i32>} : memref<9x128xi32, #tpu.memory_space<vmem>>, vector<1x16xi32>,
    %shift_right_arithmetic3A_563 = arith.constant 2 : i32
    %shift_right_arithmetic3A_564 = vector.broadcast %shift_right_arithmetic3A_563 : i32 to vector<16xi32>
    %shift_right_arithmetic3A_565 = arith.shrsi %add3A_466, %shift_right_arithmetic3A_564 : vector<16xi32>
    %sub3A_566 = arith.constant 1 : i32
    %sub3A_567 = vector.broadcast %sub3A_566 : i32 to vector<16xi32>
    %sub3A_568 = arith.subi %shift_right_arithmetic3A_565, %sub3A_567 : vector<16xi32>
    %mul3A_569 = arith.constant 512 : i32
    %mul3A_570 = vector.broadcast %mul3A_569 : i32 to vector<16xi32>
    %mul3A_571 = arith.muli %get3A_460, %mul3A_570 : vector<16xi32>
    %add3A_572 = arith.addi %mul3A_571, %sub3A_568 : vector<16xi32>
    %swap3A_573 = arith.constant 6 : i32
    %swap3A_574 = arith.index_cast %swap3A_573 : i32 to index
    %swap3A_575 = arith.constant 48 : index
    %swap3A_576 = tpu.vector_load %arg8[%swap3A_574, %swap3A_575] {strides = array<i32>} : memref<9x128xi32, #tpu.memory_space<vmem>>, vector<1x16xi32>,
    %swap3A_577 = vector.shape_cast %swap3A_576 : vector<1x16xi32> to vector<16xi32>
    %swap3A_578 = vector.shape_cast %add3A_572 : vector<16xi32> to vector<1x16xi32>
    tpu.vector_store %arg8[%swap3A_574, %swap3A_575], %swap3A_578 {strides = array<i32>} : memref<9x128xi32, #tpu.memory_space<vmem>>, vector<1x16xi32>,
    %shift_right_arithmetic3A_579 = arith.constant 1 : i32
    %shift_right_arithmetic3A_580 = vector.broadcast %shift_right_arithmetic3A_579 : i32 to vector<16xi32>
    %shift_right_arithmetic3A_581 = arith.shrsi %add3A_466, %shift_right_arithmetic3A_580 : vector<16xi32>
    %sub3A_582 = arith.constant 1 : i32
    %sub3A_583 = vector.broadcast %sub3A_582 : i32 to vector<16xi32>
    %sub3A_584 = arith.subi %shift_right_arithmetic3A_581, %sub3A_583 : vector<16xi32>
    %mul3A_585 = arith.constant 512 : i32
    %mul3A_586 = vector.broadcast %mul3A_585 : i32 to vector<16xi32>
    %mul3A_587 = arith.muli %get3A_460, %mul3A_586 : vector<16xi32>
    %add3A_588 = arith.addi %mul3A_587, %sub3A_584 : vector<16xi32>
    %swap3A_589 = arith.constant 7 : i32
    %swap3A_590 = arith.index_cast %swap3A_589 : i32 to index
    %swap3A_591 = arith.constant 48 : index
    %swap3A_592 = tpu.vector_load %arg8[%swap3A_590, %swap3A_591] {strides = array<i32>} : memref<9x128xi32, #tpu.memory_space<vmem>>, vector<1x16xi32>,
    %swap3A_593 = vector.shape_cast %swap3A_592 : vector<1x16xi32> to vector<16xi32>
    %swap3A_594 = vector.shape_cast %add3A_588 : vector<16xi32> to vector<1x16xi32>
    tpu.vector_store %arg8[%swap3A_590, %swap3A_591], %swap3A_594 {strides = array<i32>} : memref<9x128xi32, #tpu.memory_space<vmem>>, vector<1x16xi32>,
    %shift_right_arithmetic3A_595 = arith.constant 0 : i32
    %shift_right_arithmetic3A_596 = vector.broadcast %shift_right_arithmetic3A_595 : i32 to vector<16xi32>
    %shift_right_arithmetic3A_597 = arith.shrsi %add3A_466, %shift_right_arithmetic3A_596 : vector<16xi32>
    %sub3A_598 = arith.constant 1 : i32
    %sub3A_599 = vector.broadcast %sub3A_598 : i32 to vector<16xi32>
    %sub3A_600 = arith.subi %shift_right_arithmetic3A_597, %sub3A_599 : vector<16xi32>
    %mul3A_601 = arith.constant 512 : i32
    %mul3A_602 = vector.broadcast %mul3A_601 : i32 to vector<16xi32>
    %mul3A_603 = arith.muli %get3A_460, %mul3A_602 : vector<16xi32>
    %add3A_604 = arith.addi %mul3A_603, %sub3A_600 : vector<16xi32>
    %swap3A_605 = arith.constant 8 : i32
    %swap3A_606 = arith.index_cast %swap3A_605 : i32 to index
    %swap3A_607 = arith.constant 48 : index
    %swap3A_608 = tpu.vector_load %arg8[%swap3A_606, %swap3A_607] {strides = array<i32>} : memref<9x128xi32, #tpu.memory_space<vmem>>, vector<1x16xi32>,
    %swap3A_609 = vector.shape_cast %swap3A_608 : vector<1x16xi32> to vector<16xi32>
    %swap3A_610 = vector.shape_cast %add3A_604 : vector<16xi32> to vector<1x16xi32>
    tpu.vector_store %arg8[%swap3A_606, %swap3A_607], %swap3A_610 {strides = array<i32>} : memref<9x128xi32, #tpu.memory_space<vmem>>, vector<1x16xi32>,
    %get3A_611 = arith.constant 64 : index
    %get3A_612 = tpu.vector_load %arg6[%get3A_611] {strides = array<i32>} : memref<128xi32, #tpu.memory_space<vmem>>, vector<16xi32>,
    %get3A_613 = vector.shape_cast %get3A_612 : vector<16xi32> to vector<16xi32>
    %get3A_614 = arith.constant 64 : index
    %get3A_615 = tpu.vector_load %arg7[%get3A_614] {strides = array<i32>} : memref<128xi32, #tpu.memory_space<vmem>>, vector<16xi32>,
    %get3A_616 = vector.shape_cast %get3A_615 : vector<16xi32> to vector<16xi32>
    %add3A_617 = arith.constant 256 : i32
    %add3A_618 = vector.broadcast %add3A_617 : i32 to vector<16xi32>
    %add3A_619 = arith.addi %get3A_616, %add3A_618 : vector<16xi32>
    %shift_right_arithmetic3A_620 = arith.constant 8 : i32
    %shift_right_arithmetic3A_621 = vector.broadcast %shift_right_arithmetic3A_620 : i32 to vector<16xi32>
    %shift_right_arithmetic3A_622 = arith.shrsi %add3A_619, %shift_right_arithmetic3A_621 : vector<16xi32>
    %sub3A_623 = arith.constant 1 : i32
    %sub3A_624 = vector.broadcast %sub3A_623 : i32 to vector<16xi32>
    %sub3A_625 = arith.subi %shift_right_arithmetic3A_622, %sub3A_624 : vector<16xi32>
    %mul3A_626 = arith.constant 512 : i32
    %mul3A_627 = vector.broadcast %mul3A_626 : i32 to vector<16xi32>
    %mul3A_628 = arith.muli %get3A_613, %mul3A_627 : vector<16xi32>
    %add3A_629 = arith.addi %mul3A_628, %sub3A_625 : vector<16xi32>
    %swap3A_630 = arith.constant 0 : i32
    %swap3A_631 = arith.index_cast %swap3A_630 : i32 to index
    %swap3A_632 = arith.constant 64 : index
    %swap3A_633 = tpu.vector_load %arg8[%swap3A_631, %swap3A_632] {strides = array<i32>} : memref<9x128xi32, #tpu.memory_space<vmem>>, vector<1x16xi32>,
    %swap3A_634 = vector.shape_cast %swap3A_633 : vector<1x16xi32> to vector<16xi32>
    %swap3A_635 = vector.shape_cast %add3A_629 : vector<16xi32> to vector<1x16xi32>
    tpu.vector_store %arg8[%swap3A_631, %swap3A_632], %swap3A_635 {strides = array<i32>} : memref<9x128xi32, #tpu.memory_space<vmem>>, vector<1x16xi32>,
    %shift_right_arithmetic3A_636 = arith.constant 7 : i32
    %shift_right_arithmetic3A_637 = vector.broadcast %shift_right_arithmetic3A_636 : i32 to vector<16xi32>
    %shift_right_arithmetic3A_638 = arith.shrsi %add3A_619, %shift_right_arithmetic3A_637 : vector<16xi32>
    %sub3A_639 = arith.constant 1 : i32
    %sub3A_640 = vector.broadcast %sub3A_639 : i32 to vector<16xi32>
    %sub3A_641 = arith.subi %shift_right_arithmetic3A_638, %sub3A_640 : vector<16xi32>
    %mul3A_642 = arith.constant 512 : i32
    %mul3A_643 = vector.broadcast %mul3A_642 : i32 to vector<16xi32>
    %mul3A_644 = arith.muli %get3A_613, %mul3A_643 : vector<16xi32>
    %add3A_645 = arith.addi %mul3A_644, %sub3A_641 : vector<16xi32>
    %swap3A_646 = arith.constant 1 : i32
    %swap3A_647 = arith.index_cast %swap3A_646 : i32 to index
    %swap3A_648 = arith.constant 64 : index
    %swap3A_649 = tpu.vector_load %arg8[%swap3A_647, %swap3A_648] {strides = array<i32>} : memref<9x128xi32, #tpu.memory_space<vmem>>, vector<1x16xi32>,
    %swap3A_650 = vector.shape_cast %swap3A_649 : vector<1x16xi32> to vector<16xi32>
    %swap3A_651 = vector.shape_cast %add3A_645 : vector<16xi32> to vector<1x16xi32>
    tpu.vector_store %arg8[%swap3A_647, %swap3A_648], %swap3A_651 {strides = array<i32>} : memref<9x128xi32, #tpu.memory_space<vmem>>, vector<1x16xi32>,
    %shift_right_arithmetic3A_652 = arith.constant 6 : i32
    %shift_right_arithmetic3A_653 = vector.broadcast %shift_right_arithmetic3A_652 : i32 to vector<16xi32>
    %shift_right_arithmetic3A_654 = arith.shrsi %add3A_619, %shift_right_arithmetic3A_653 : vector<16xi32>
    %sub3A_655 = arith.constant 1 : i32
    %sub3A_656 = vector.broadcast %sub3A_655 : i32 to vector<16xi32>
    %sub3A_657 = arith.subi %shift_right_arithmetic3A_654, %sub3A_656 : vector<16xi32>
    %mul3A_658 = arith.constant 512 : i32
    %mul3A_659 = vector.broadcast %mul3A_658 : i32 to vector<16xi32>
    %mul3A_660 = arith.muli %get3A_613, %mul3A_659 : vector<16xi32>
    %add3A_661 = arith.addi %mul3A_660, %sub3A_657 : vector<16xi32>
    %swap3A_662 = arith.constant 2 : i32
    %swap3A_663 = arith.index_cast %swap3A_662 : i32 to index
    %swap3A_664 = arith.constant 64 : index
    %swap3A_665 = tpu.vector_load %arg8[%swap3A_663, %swap3A_664] {strides = array<i32>} : memref<9x128xi32, #tpu.memory_space<vmem>>, vector<1x16xi32>,
    %swap3A_666 = vector.shape_cast %swap3A_665 : vector<1x16xi32> to vector<16xi32>
    %swap3A_667 = vector.shape_cast %add3A_661 : vector<16xi32> to vector<1x16xi32>
    tpu.vector_store %arg8[%swap3A_663, %swap3A_664], %swap3A_667 {strides = array<i32>} : memref<9x128xi32, #tpu.memory_space<vmem>>, vector<1x16xi32>,
    %shift_right_arithmetic3A_668 = arith.constant 5 : i32
    %shift_right_arithmetic3A_669 = vector.broadcast %shift_right_arithmetic3A_668 : i32 to vector<16xi32>
    %shift_right_arithmetic3A_670 = arith.shrsi %add3A_619, %shift_right_arithmetic3A_669 : vector<16xi32>
    %sub3A_671 = arith.constant 1 : i32
    %sub3A_672 = vector.broadcast %sub3A_671 : i32 to vector<16xi32>
    %sub3A_673 = arith.subi %shift_right_arithmetic3A_670, %sub3A_672 : vector<16xi32>
    %mul3A_674 = arith.constant 512 : i32
    %mul3A_675 = vector.broadcast %mul3A_674 : i32 to vector<16xi32>
    %mul3A_676 = arith.muli %get3A_613, %mul3A_675 : vector<16xi32>
    %add3A_677 = arith.addi %mul3A_676, %sub3A_673 : vector<16xi32>
    %swap3A_678 = arith.constant 3 : i32
    %swap3A_679 = arith.index_cast %swap3A_678 : i32 to index
    %swap3A_680 = arith.constant 64 : index
    %swap3A_681 = tpu.vector_load %arg8[%swap3A_679, %swap3A_680] {strides = array<i32>} : memref<9x128xi32, #tpu.memory_space<vmem>>, vector<1x16xi32>,
    %swap3A_682 = vector.shape_cast %swap3A_681 : vector<1x16xi32> to vector<16xi32>
    %swap3A_683 = vector.shape_cast %add3A_677 : vector<16xi32> to vector<1x16xi32>
    tpu.vector_store %arg8[%swap3A_679, %swap3A_680], %swap3A_683 {strides = array<i32>} : memref<9x128xi32, #tpu.memory_space<vmem>>, vector<1x16xi32>,
    %shift_right_arithmetic3A_684 = arith.constant 4 : i32
    %shift_right_arithmetic3A_685 = vector.broadcast %shift_right_arithmetic3A_684 : i32 to vector<16xi32>
    %shift_right_arithmetic3A_686 = arith.shrsi %add3A_619, %shift_right_arithmetic3A_685 : vector<16xi32>
    %sub3A_687 = arith.constant 1 : i32
    %sub3A_688 = vector.broadcast %sub3A_687 : i32 to vector<16xi32>
    %sub3A_689 = arith.subi %shift_right_arithmetic3A_686, %sub3A_688 : vector<16xi32>
    %mul3A_690 = arith.constant 512 : i32
    %mul3A_691 = vector.broadcast %mul3A_690 : i32 to vector<16xi32>
    %mul3A_692 = arith.muli %get3A_613, %mul3A_691 : vector<16xi32>
    %add3A_693 = arith.addi %mul3A_692, %sub3A_689 : vector<16xi32>
    %swap3A_694 = arith.constant 4 : i32
    %swap3A_695 = arith.index_cast %swap3A_694 : i32 to index
    %swap3A_696 = arith.constant 64 : index
    %swap3A_697 = tpu.vector_load %arg8[%swap3A_695, %swap3A_696] {strides = array<i32>} : memref<9x128xi32, #tpu.memory_space<vmem>>, vector<1x16xi32>,
    %swap3A_698 = vector.shape_cast %swap3A_697 : vector<1x16xi32> to vector<16xi32>
    %swap3A_699 = vector.shape_cast %add3A_693 : vector<16xi32> to vector<1x16xi32>
    tpu.vector_store %arg8[%swap3A_695, %swap3A_696], %swap3A_699 {strides = array<i32>} : memref<9x128xi32, #tpu.memory_space<vmem>>, vector<1x16xi32>,
    %shift_right_arithmetic3A_700 = arith.constant 3 : i32
    %shift_right_arithmetic3A_701 = vector.broadcast %shift_right_arithmetic3A_700 : i32 to vector<16xi32>
    %shift_right_arithmetic3A_702 = arith.shrsi %add3A_619, %shift_right_arithmetic3A_701 : vector<16xi32>
    %sub3A_703 = arith.constant 1 : i32
    %sub3A_704 = vector.broadcast %sub3A_703 : i32 to vector<16xi32>
    %sub3A_705 = arith.subi %shift_right_arithmetic3A_702, %sub3A_704 : vector<16xi32>
    %mul3A_706 = arith.constant 512 : i32
    %mul3A_707 = vector.broadcast %mul3A_706 : i32 to vector<16xi32>
    %mul3A_708 = arith.muli %get3A_613, %mul3A_707 : vector<16xi32>
    %add3A_709 = arith.addi %mul3A_708, %sub3A_705 : vector<16xi32>
    %swap3A_710 = arith.constant 5 : i32
    %swap3A_711 = arith.index_cast %swap3A_710 : i32 to index
    %swap3A_712 = arith.constant 64 : index
    %swap3A_713 = tpu.vector_load %arg8[%swap3A_711, %swap3A_712] {strides = array<i32>} : memref<9x128xi32, #tpu.memory_space<vmem>>, vector<1x16xi32>,
    %swap3A_714 = vector.shape_cast %swap3A_713 : vector<1x16xi32> to vector<16xi32>
    %swap3A_715 = vector.shape_cast %add3A_709 : vector<16xi32> to vector<1x16xi32>
    tpu.vector_store %arg8[%swap3A_711, %swap3A_712], %swap3A_715 {strides = array<i32>} : memref<9x128xi32, #tpu.memory_space<vmem>>, vector<1x16xi32>,
    %shift_right_arithmetic3A_716 = arith.constant 2 : i32
    %shift_right_arithmetic3A_717 = vector.broadcast %shift_right_arithmetic3A_716 : i32 to vector<16xi32>
    %shift_right_arithmetic3A_718 = arith.shrsi %add3A_619, %shift_right_arithmetic3A_717 : vector<16xi32>
    %sub3A_719 = arith.constant 1 : i32
    %sub3A_720 = vector.broadcast %sub3A_719 : i32 to vector<16xi32>
    %sub3A_721 = arith.subi %shift_right_arithmetic3A_718, %sub3A_720 : vector<16xi32>
    %mul3A_722 = arith.constant 512 : i32
    %mul3A_723 = vector.broadcast %mul3A_722 : i32 to vector<16xi32>
    %mul3A_724 = arith.muli %get3A_613, %mul3A_723 : vector<16xi32>
    %add3A_725 = arith.addi %mul3A_724, %sub3A_721 : vector<16xi32>
    %swap3A_726 = arith.constant 6 : i32
    %swap3A_727 = arith.index_cast %swap3A_726 : i32 to index
    %swap3A_728 = arith.constant 64 : index
    %swap3A_729 = tpu.vector_load %arg8[%swap3A_727, %swap3A_728] {strides = array<i32>} : memref<9x128xi32, #tpu.memory_space<vmem>>, vector<1x16xi32>,
    %swap3A_730 = vector.shape_cast %swap3A_729 : vector<1x16xi32> to vector<16xi32>
    %swap3A_731 = vector.shape_cast %add3A_725 : vector<16xi32> to vector<1x16xi32>
    tpu.vector_store %arg8[%swap3A_727, %swap3A_728], %swap3A_731 {strides = array<i32>} : memref<9x128xi32, #tpu.memory_space<vmem>>, vector<1x16xi32>,
    %shift_right_arithmetic3A_732 = arith.constant 1 : i32
    %shift_right_arithmetic3A_733 = vector.broadcast %shift_right_arithmetic3A_732 : i32 to vector<16xi32>
    %shift_right_arithmetic3A_734 = arith.shrsi %add3A_619, %shift_right_arithmetic3A_733 : vector<16xi32>
    %sub3A_735 = arith.constant 1 : i32
    %sub3A_736 = vector.broadcast %sub3A_735 : i32 to vector<16xi32>
    %sub3A_737 = arith.subi %shift_right_arithmetic3A_734, %sub3A_736 : vector<16xi32>
    %mul3A_738 = arith.constant 512 : i32
    %mul3A_739 = vector.broadcast %mul3A_738 : i32 to vector<16xi32>
    %mul3A_740 = arith.muli %get3A_613, %mul3A_739 : vector<16xi32>
    %add3A_741 = arith.addi %mul3A_740, %sub3A_737 : vector<16xi32>
    %swap3A_742 = arith.constant 7 : i32
    %swap3A_743 = arith.index_cast %swap3A_742 : i32 to index
    %swap3A_744 = arith.constant 64 : index
    %swap3A_745 = tpu.vector_load %arg8[%swap3A_743, %swap3A_744] {strides = array<i32>} : memref<9x128xi32, #tpu.memory_space<vmem>>, vector<1x16xi32>,
    %swap3A_746 = vector.shape_cast %swap3A_745 : vector<1x16xi32> to vector<16xi32>
    %swap3A_747 = vector.shape_cast %add3A_741 : vector<16xi32> to vector<1x16xi32>
    tpu.vector_store %arg8[%swap3A_743, %swap3A_744], %swap3A_747 {strides = array<i32>} : memref<9x128xi32, #tpu.memory_space<vmem>>, vector<1x16xi32>,
    %shift_right_arithmetic3A_748 = arith.constant 0 : i32
    %shift_right_arithmetic3A_749 = vector.broadcast %shift_right_arithmetic3A_748 : i32 to vector<16xi32>
    %shift_right_arithmetic3A_750 = arith.shrsi %add3A_619, %shift_right_arithmetic3A_749 : vector<16xi32>
    %sub3A_751 = arith.constant 1 : i32
    %sub3A_752 = vector.broadcast %sub3A_751 : i32 to vector<16xi32>
    %sub3A_753 = arith.subi %shift_right_arithmetic3A_750, %sub3A_752 : vector<16xi32>
    %mul3A_754 = arith.constant 512 : i32
    %mul3A_755 = vector.broadcast %mul3A_754 : i32 to vector<16xi32>
    %mul3A_756 = arith.muli %get3A_613, %mul3A_755 : vector<16xi32>
    %add3A_757 = arith.addi %mul3A_756, %sub3A_753 : vector<16xi32>
    %swap3A_758 = arith.constant 8 : i32
    %swap3A_759 = arith.index_cast %swap3A_758 : i32 to index
    %swap3A_760 = arith.constant 64 : index
    %swap3A_761 = tpu.vector_load %arg8[%swap3A_759, %swap3A_760] {strides = array<i32>} : memref<9x128xi32, #tpu.memory_space<vmem>>, vector<1x16xi32>,
    %swap3A_762 = vector.shape_cast %swap3A_761 : vector<1x16xi32> to vector<16xi32>
    %swap3A_763 = vector.shape_cast %add3A_757 : vector<16xi32> to vector<1x16xi32>
    tpu.vector_store %arg8[%swap3A_759, %swap3A_760], %swap3A_763 {strides = array<i32>} : memref<9x128xi32, #tpu.memory_space<vmem>>, vector<1x16xi32>,
    %get3A_764 = arith.constant 80 : index
    %get3A_765 = tpu.vector_load %arg6[%get3A_764] {strides = array<i32>} : memref<128xi32, #tpu.memory_space<vmem>>, vector<16xi32>,
    %get3A_766 = vector.shape_cast %get3A_765 : vector<16xi32> to vector<16xi32>
    %get3A_767 = arith.constant 80 : index
    %get3A_768 = tpu.vector_load %arg7[%get3A_767] {strides = array<i32>} : memref<128xi32, #tpu.memory_space<vmem>>, vector<16xi32>,
    %get3A_769 = vector.shape_cast %get3A_768 : vector<16xi32> to vector<16xi32>
    %add3A_770 = arith.constant 256 : i32
    %add3A_771 = vector.broadcast %add3A_770 : i32 to vector<16xi32>
    %add3A_772 = arith.addi %get3A_769, %add3A_771 : vector<16xi32>
    %shift_right_arithmetic3A_773 = arith.constant 8 : i32
    %shift_right_arithmetic3A_774 = vector.broadcast %shift_right_arithmetic3A_773 : i32 to vector<16xi32>
    %shift_right_arithmetic3A_775 = arith.shrsi %add3A_772, %shift_right_arithmetic3A_774 : vector<16xi32>
    %sub3A_776 = arith.constant 1 : i32
    %sub3A_777 = vector.broadcast %sub3A_776 : i32 to vector<16xi32>
    %sub3A_778 = arith.subi %shift_right_arithmetic3A_775, %sub3A_777 : vector<16xi32>
    %mul3A_779 = arith.constant 512 : i32
    %mul3A_780 = vector.broadcast %mul3A_779 : i32 to vector<16xi32>
    %mul3A_781 = arith.muli %get3A_766, %mul3A_780 : vector<16xi32>
    %add3A_782 = arith.addi %mul3A_781, %sub3A_778 : vector<16xi32>
    %swap3A_783 = arith.constant 0 : i32
    %swap3A_784 = arith.index_cast %swap3A_783 : i32 to index
    %swap3A_785 = arith.constant 80 : index
    %swap3A_786 = tpu.vector_load %arg8[%swap3A_784, %swap3A_785] {strides = array<i32>} : memref<9x128xi32, #tpu.memory_space<vmem>>, vector<1x16xi32>,
    %swap3A_787 = vector.shape_cast %swap3A_786 : vector<1x16xi32> to vector<16xi32>
    %swap3A_788 = vector.shape_cast %add3A_782 : vector<16xi32> to vector<1x16xi32>
    tpu.vector_store %arg8[%swap3A_784, %swap3A_785], %swap3A_788 {strides = array<i32>} : memref<9x128xi32, #tpu.memory_space<vmem>>, vector<1x16xi32>,
    %shift_right_arithmetic3A_789 = arith.constant 7 : i32
    %shift_right_arithmetic3A_790 = vector.broadcast %shift_right_arithmetic3A_789 : i32 to vector<16xi32>
    %shift_right_arithmetic3A_791 = arith.shrsi %add3A_772, %shift_right_arithmetic3A_790 : vector<16xi32>
    %sub3A_792 = arith.constant 1 : i32
    %sub3A_793 = vector.broadcast %sub3A_792 : i32 to vector<16xi32>
    %sub3A_794 = arith.subi %shift_right_arithmetic3A_791, %sub3A_793 : vector<16xi32>
    %mul3A_795 = arith.constant 512 : i32
    %mul3A_796 = vector.broadcast %mul3A_795 : i32 to vector<16xi32>
    %mul3A_797 = arith.muli %get3A_766, %mul3A_796 : vector<16xi32>
    %add3A_798 = arith.addi %mul3A_797, %sub3A_794 : vector<16xi32>
    %swap3A_799 = arith.constant 1 : i32
    %swap3A_800 = arith.index_cast %swap3A_799 : i32 to index
    %swap3A_801 = arith.constant 80 : index
    %swap3A_802 = tpu.vector_load %arg8[%swap3A_800, %swap3A_801] {strides = array<i32>} : memref<9x128xi32, #tpu.memory_space<vmem>>, vector<1x16xi32>,
    %swap3A_803 = vector.shape_cast %swap3A_802 : vector<1x16xi32> to vector<16xi32>
    %swap3A_804 = vector.shape_cast %add3A_798 : vector<16xi32> to vector<1x16xi32>
    tpu.vector_store %arg8[%swap3A_800, %swap3A_801], %swap3A_804 {strides = array<i32>} : memref<9x128xi32, #tpu.memory_space<vmem>>, vector<1x16xi32>,
    %shift_right_arithmetic3A_805 = arith.constant 6 : i32
    %shift_right_arithmetic3A_806 = vector.broadcast %shift_right_arithmetic3A_805 : i32 to vector<16xi32>
    %shift_right_arithmetic3A_807 = arith.shrsi %add3A_772, %shift_right_arithmetic3A_806 : vector<16xi32>
    %sub3A_808 = arith.constant 1 : i32
    %sub3A_809 = vector.broadcast %sub3A_808 : i32 to vector<16xi32>
    %sub3A_810 = arith.subi %shift_right_arithmetic3A_807, %sub3A_809 : vector<16xi32>
    %mul3A_811 = arith.constant 512 : i32
    %mul3A_812 = vector.broadcast %mul3A_811 : i32 to vector<16xi32>
    %mul3A_813 = arith.muli %get3A_766, %mul3A_812 : vector<16xi32>
    %add3A_814 = arith.addi %mul3A_813, %sub3A_810 : vector<16xi32>
    %swap3A_815 = arith.constant 2 : i32
    %swap3A_816 = arith.index_cast %swap3A_815 : i32 to index
    %swap3A_817 = arith.constant 80 : index
    %swap3A_818 = tpu.vector_load %arg8[%swap3A_816, %swap3A_817] {strides = array<i32>} : memref<9x128xi32, #tpu.memory_space<vmem>>, vector<1x16xi32>,
    %swap3A_819 = vector.shape_cast %swap3A_818 : vector<1x16xi32> to vector<16xi32>
    %swap3A_820 = vector.shape_cast %add3A_814 : vector<16xi32> to vector<1x16xi32>
    tpu.vector_store %arg8[%swap3A_816, %swap3A_817], %swap3A_820 {strides = array<i32>} : memref<9x128xi32, #tpu.memory_space<vmem>>, vector<1x16xi32>,
    %shift_right_arithmetic3A_821 = arith.constant 5 : i32
    %shift_right_arithmetic3A_822 = vector.broadcast %shift_right_arithmetic3A_821 : i32 to vector<16xi32>
    %shift_right_arithmetic3A_823 = arith.shrsi %add3A_772, %shift_right_arithmetic3A_822 : vector<16xi32>
    %sub3A_824 = arith.constant 1 : i32
    %sub3A_825 = vector.broadcast %sub3A_824 : i32 to vector<16xi32>
    %sub3A_826 = arith.subi %shift_right_arithmetic3A_823, %sub3A_825 : vector<16xi32>
    %mul3A_827 = arith.constant 512 : i32
    %mul3A_828 = vector.broadcast %mul3A_827 : i32 to vector<16xi32>
    %mul3A_829 = arith.muli %get3A_766, %mul3A_828 : vector<16xi32>
    %add3A_830 = arith.addi %mul3A_829, %sub3A_826 : vector<16xi32>
    %swap3A_831 = arith.constant 3 : i32
    %swap3A_832 = arith.index_cast %swap3A_831 : i32 to index
    %swap3A_833 = arith.constant 80 : index
    %swap3A_834 = tpu.vector_load %arg8[%swap3A_832, %swap3A_833] {strides = array<i32>} : memref<9x128xi32, #tpu.memory_space<vmem>>, vector<1x16xi32>,
    %swap3A_835 = vector.shape_cast %swap3A_834 : vector<1x16xi32> to vector<16xi32>
    %swap3A_836 = vector.shape_cast %add3A_830 : vector<16xi32> to vector<1x16xi32>
    tpu.vector_store %arg8[%swap3A_832, %swap3A_833], %swap3A_836 {strides = array<i32>} : memref<9x128xi32, #tpu.memory_space<vmem>>, vector<1x16xi32>,
    %shift_right_arithmetic3A_837 = arith.constant 4 : i32
    %shift_right_arithmetic3A_838 = vector.broadcast %shift_right_arithmetic3A_837 : i32 to vector<16xi32>
    %shift_right_arithmetic3A_839 = arith.shrsi %add3A_772, %shift_right_arithmetic3A_838 : vector<16xi32>
    %sub3A_840 = arith.constant 1 : i32
    %sub3A_841 = vector.broadcast %sub3A_840 : i32 to vector<16xi32>
    %sub3A_842 = arith.subi %shift_right_arithmetic3A_839, %sub3A_841 : vector<16xi32>
    %mul3A_843 = arith.constant 512 : i32
    %mul3A_844 = vector.broadcast %mul3A_843 : i32 to vector<16xi32>
    %mul3A_845 = arith.muli %get3A_766, %mul3A_844 : vector<16xi32>
    %add3A_846 = arith.addi %mul3A_845, %sub3A_842 : vector<16xi32>
    %swap3A_847 = arith.constant 4 : i32
    %swap3A_848 = arith.index_cast %swap3A_847 : i32 to index
    %swap3A_849 = arith.constant 80 : index
    %swap3A_850 = tpu.vector_load %arg8[%swap3A_848, %swap3A_849] {strides = array<i32>} : memref<9x128xi32, #tpu.memory_space<vmem>>, vector<1x16xi32>,
    %swap3A_851 = vector.shape_cast %swap3A_850 : vector<1x16xi32> to vector<16xi32>
    %swap3A_852 = vector.shape_cast %add3A_846 : vector<16xi32> to vector<1x16xi32>
    tpu.vector_store %arg8[%swap3A_848, %swap3A_849], %swap3A_852 {strides = array<i32>} : memref<9x128xi32, #tpu.memory_space<vmem>>, vector<1x16xi32>,
    %shift_right_arithmetic3A_853 = arith.constant 3 : i32
    %shift_right_arithmetic3A_854 = vector.broadcast %shift_right_arithmetic3A_853 : i32 to vector<16xi32>
    %shift_right_arithmetic3A_855 = arith.shrsi %add3A_772, %shift_right_arithmetic3A_854 : vector<16xi32>
    %sub3A_856 = arith.constant 1 : i32
    %sub3A_857 = vector.broadcast %sub3A_856 : i32 to vector<16xi32>
    %sub3A_858 = arith.subi %shift_right_arithmetic3A_855, %sub3A_857 : vector<16xi32>
    %mul3A_859 = arith.constant 512 : i32
    %mul3A_860 = vector.broadcast %mul3A_859 : i32 to vector<16xi32>
    %mul3A_861 = arith.muli %get3A_766, %mul3A_860 : vector<16xi32>
    %add3A_862 = arith.addi %mul3A_861, %sub3A_858 : vector<16xi32>
    %swap3A_863 = arith.constant 5 : i32
    %swap3A_864 = arith.index_cast %swap3A_863 : i32 to index
    %swap3A_865 = arith.constant 80 : index
    %swap3A_866 = tpu.vector_load %arg8[%swap3A_864, %swap3A_865] {strides = array<i32>} : memref<9x128xi32, #tpu.memory_space<vmem>>, vector<1x16xi32>,
    %swap3A_867 = vector.shape_cast %swap3A_866 : vector<1x16xi32> to vector<16xi32>
    %swap3A_868 = vector.shape_cast %add3A_862 : vector<16xi32> to vector<1x16xi32>
    tpu.vector_store %arg8[%swap3A_864, %swap3A_865], %swap3A_868 {strides = array<i32>} : memref<9x128xi32, #tpu.memory_space<vmem>>, vector<1x16xi32>,
    %shift_right_arithmetic3A_869 = arith.constant 2 : i32
    %shift_right_arithmetic3A_870 = vector.broadcast %shift_right_arithmetic3A_869 : i32 to vector<16xi32>
    %shift_right_arithmetic3A_871 = arith.shrsi %add3A_772, %shift_right_arithmetic3A_870 : vector<16xi32>
    %sub3A_872 = arith.constant 1 : i32
    %sub3A_873 = vector.broadcast %sub3A_872 : i32 to vector<16xi32>
    %sub3A_874 = arith.subi %shift_right_arithmetic3A_871, %sub3A_873 : vector<16xi32>
    %mul3A_875 = arith.constant 512 : i32
    %mul3A_876 = vector.broadcast %mul3A_875 : i32 to vector<16xi32>
    %mul3A_877 = arith.muli %get3A_766, %mul3A_876 : vector<16xi32>
    %add3A_878 = arith.addi %mul3A_877, %sub3A_874 : vector<16xi32>
    %swap3A_879 = arith.constant 6 : i32
    %swap3A_880 = arith.index_cast %swap3A_879 : i32 to index
    %swap3A_881 = arith.constant 80 : index
    %swap3A_882 = tpu.vector_load %arg8[%swap3A_880, %swap3A_881] {strides = array<i32>} : memref<9x128xi32, #tpu.memory_space<vmem>>, vector<1x16xi32>,
    %swap3A_883 = vector.shape_cast %swap3A_882 : vector<1x16xi32> to vector<16xi32>
    %swap3A_884 = vector.shape_cast %add3A_878 : vector<16xi32> to vector<1x16xi32>
    tpu.vector_store %arg8[%swap3A_880, %swap3A_881], %swap3A_884 {strides = array<i32>} : memref<9x128xi32, #tpu.memory_space<vmem>>, vector<1x16xi32>,
    %shift_right_arithmetic3A_885 = arith.constant 1 : i32
    %shift_right_arithmetic3A_886 = vector.broadcast %shift_right_arithmetic3A_885 : i32 to vector<16xi32>
    %shift_right_arithmetic3A_887 = arith.shrsi %add3A_772, %shift_right_arithmetic3A_886 : vector<16xi32>
    %sub3A_888 = arith.constant 1 : i32
    %sub3A_889 = vector.broadcast %sub3A_888 : i32 to vector<16xi32>
    %sub3A_890 = arith.subi %shift_right_arithmetic3A_887, %sub3A_889 : vector<16xi32>
    %mul3A_891 = arith.constant 512 : i32
    %mul3A_892 = vector.broadcast %mul3A_891 : i32 to vector<16xi32>
    %mul3A_893 = arith.muli %get3A_766, %mul3A_892 : vector<16xi32>
    %add3A_894 = arith.addi %mul3A_893, %sub3A_890 : vector<16xi32>
    %swap3A_895 = arith.constant 7 : i32
    %swap3A_896 = arith.index_cast %swap3A_895 : i32 to index
    %swap3A_897 = arith.constant 80 : index
    %swap3A_898 = tpu.vector_load %arg8[%swap3A_896, %swap3A_897] {strides = array<i32>} : memref<9x128xi32, #tpu.memory_space<vmem>>, vector<1x16xi32>,
    %swap3A_899 = vector.shape_cast %swap3A_898 : vector<1x16xi32> to vector<16xi32>
    %swap3A_900 = vector.shape_cast %add3A_894 : vector<16xi32> to vector<1x16xi32>
    tpu.vector_store %arg8[%swap3A_896, %swap3A_897], %swap3A_900 {strides = array<i32>} : memref<9x128xi32, #tpu.memory_space<vmem>>, vector<1x16xi32>,
    %shift_right_arithmetic3A_901 = arith.constant 0 : i32
    %shift_right_arithmetic3A_902 = vector.broadcast %shift_right_arithmetic3A_901 : i32 to vector<16xi32>
    %shift_right_arithmetic3A_903 = arith.shrsi %add3A_772, %shift_right_arithmetic3A_902 : vector<16xi32>
    %sub3A_904 = arith.constant 1 : i32
    %sub3A_905 = vector.broadcast %sub3A_904 : i32 to vector<16xi32>
    %sub3A_906 = arith.subi %shift_right_arithmetic3A_903, %sub3A_905 : vector<16xi32>
    %mul3A_907 = arith.constant 512 : i32
    %mul3A_908 = vector.broadcast %mul3A_907 : i32 to vector<16xi32>
    %mul3A_909 = arith.muli %get3A_766, %mul3A_908 : vector<16xi32>
    %add3A_910 = arith.addi %mul3A_909, %sub3A_906 : vector<16xi32>
    %swap3A_911 = arith.constant 8 : i32
    %swap3A_912 = arith.index_cast %swap3A_911 : i32 to index
    %swap3A_913 = arith.constant 80 : index
    %swap3A_914 = tpu.vector_load %arg8[%swap3A_912, %swap3A_913] {strides = array<i32>} : memref<9x128xi32, #tpu.memory_space<vmem>>, vector<1x16xi32>,
    %swap3A_915 = vector.shape_cast %swap3A_914 : vector<1x16xi32> to vector<16xi32>
    %swap3A_916 = vector.shape_cast %add3A_910 : vector<16xi32> to vector<1x16xi32>
    tpu.vector_store %arg8[%swap3A_912, %swap3A_913], %swap3A_916 {strides = array<i32>} : memref<9x128xi32, #tpu.memory_space<vmem>>, vector<1x16xi32>,
    %get3A_917 = arith.constant 96 : index
    %get3A_918 = tpu.vector_load %arg6[%get3A_917] {strides = array<i32>} : memref<128xi32, #tpu.memory_space<vmem>>, vector<16xi32>,
    %get3A_919 = vector.shape_cast %get3A_918 : vector<16xi32> to vector<16xi32>
    %get3A_920 = arith.constant 96 : index
    %get3A_921 = tpu.vector_load %arg7[%get3A_920] {strides = array<i32>} : memref<128xi32, #tpu.memory_space<vmem>>, vector<16xi32>,
    %get3A_922 = vector.shape_cast %get3A_921 : vector<16xi32> to vector<16xi32>
    %add3A_923 = arith.constant 256 : i32
    %add3A_924 = vector.broadcast %add3A_923 : i32 to vector<16xi32>
    %add3A_925 = arith.addi %get3A_922, %add3A_924 : vector<16xi32>
    %shift_right_arithmetic3A_926 = arith.constant 8 : i32
    %shift_right_arithmetic3A_927 = vector.broadcast %shift_right_arithmetic3A_926 : i32 to vector<16xi32>
    %shift_right_arithmetic3A_928 = arith.shrsi %add3A_925, %shift_right_arithmetic3A_927 : vector<16xi32>
    %sub3A_929 = arith.constant 1 : i32
    %sub3A_930 = vector.broadcast %sub3A_929 : i32 to vector<16xi32>
    %sub3A_931 = arith.subi %shift_right_arithmetic3A_928, %sub3A_930 : vector<16xi32>
    %mul3A_932 = arith.constant 512 : i32
    %mul3A_933 = vector.broadcast %mul3A_932 : i32 to vector<16xi32>
    %mul3A_934 = arith.muli %get3A_919, %mul3A_933 : vector<16xi32>
    %add3A_935 = arith.addi %mul3A_934, %sub3A_931 : vector<16xi32>
    %swap3A_936 = arith.constant 0 : i32
    %swap3A_937 = arith.index_cast %swap3A_936 : i32 to index
    %swap3A_938 = arith.constant 96 : index
    %swap3A_939 = tpu.vector_load %arg8[%swap3A_937, %swap3A_938] {strides = array<i32>} : memref<9x128xi32, #tpu.memory_space<vmem>>, vector<1x16xi32>,
    %swap3A_940 = vector.shape_cast %swap3A_939 : vector<1x16xi32> to vector<16xi32>
    %swap3A_941 = vector.shape_cast %add3A_935 : vector<16xi32> to vector<1x16xi32>
    tpu.vector_store %arg8[%swap3A_937, %swap3A_938], %swap3A_941 {strides = array<i32>} : memref<9x128xi32, #tpu.memory_space<vmem>>, vector<1x16xi32>,
    %shift_right_arithmetic3A_942 = arith.constant 7 : i32
    %shift_right_arithmetic3A_943 = vector.broadcast %shift_right_arithmetic3A_942 : i32 to vector<16xi32>
    %shift_right_arithmetic3A_944 = arith.shrsi %add3A_925, %shift_right_arithmetic3A_943 : vector<16xi32>
    %sub3A_945 = arith.constant 1 : i32
    %sub3A_946 = vector.broadcast %sub3A_945 : i32 to vector<16xi32>
    %sub3A_947 = arith.subi %shift_right_arithmetic3A_944, %sub3A_946 : vector<16xi32>
    %mul3A_948 = arith.constant 512 : i32
    %mul3A_949 = vector.broadcast %mul3A_948 : i32 to vector<16xi32>
    %mul3A_950 = arith.muli %get3A_919, %mul3A_949 : vector<16xi32>
    %add3A_951 = arith.addi %mul3A_950, %sub3A_947 : vector<16xi32>
    %swap3A_952 = arith.constant 1 : i32
    %swap3A_953 = arith.index_cast %swap3A_952 : i32 to index
    %swap3A_954 = arith.constant 96 : index
    %swap3A_955 = tpu.vector_load %arg8[%swap3A_953, %swap3A_954] {strides = array<i32>} : memref<9x128xi32, #tpu.memory_space<vmem>>, vector<1x16xi32>,
    %swap3A_956 = vector.shape_cast %swap3A_955 : vector<1x16xi32> to vector<16xi32>
    %swap3A_957 = vector.shape_cast %add3A_951 : vector<16xi32> to vector<1x16xi32>
    tpu.vector_store %arg8[%swap3A_953, %swap3A_954], %swap3A_957 {strides = array<i32>} : memref<9x128xi32, #tpu.memory_space<vmem>>, vector<1x16xi32>,
    %shift_right_arithmetic3A_958 = arith.constant 6 : i32
    %shift_right_arithmetic3A_959 = vector.broadcast %shift_right_arithmetic3A_958 : i32 to vector<16xi32>
    %shift_right_arithmetic3A_960 = arith.shrsi %add3A_925, %shift_right_arithmetic3A_959 : vector<16xi32>
    %sub3A_961 = arith.constant 1 : i32
    %sub3A_962 = vector.broadcast %sub3A_961 : i32 to vector<16xi32>
    %sub3A_963 = arith.subi %shift_right_arithmetic3A_960, %sub3A_962 : vector<16xi32>
    %mul3A_964 = arith.constant 512 : i32
    %mul3A_965 = vector.broadcast %mul3A_964 : i32 to vector<16xi32>
    %mul3A_966 = arith.muli %get3A_919, %mul3A_965 : vector<16xi32>
    %add3A_967 = arith.addi %mul3A_966, %sub3A_963 : vector<16xi32>
    %swap3A_968 = arith.constant 2 : i32
    %swap3A_969 = arith.index_cast %swap3A_968 : i32 to index
    %swap3A_970 = arith.constant 96 : index
    %swap3A_971 = tpu.vector_load %arg8[%swap3A_969, %swap3A_970] {strides = array<i32>} : memref<9x128xi32, #tpu.memory_space<vmem>>, vector<1x16xi32>,
    %swap3A_972 = vector.shape_cast %swap3A_971 : vector<1x16xi32> to vector<16xi32>
    %swap3A_973 = vector.shape_cast %add3A_967 : vector<16xi32> to vector<1x16xi32>
    tpu.vector_store %arg8[%swap3A_969, %swap3A_970], %swap3A_973 {strides = array<i32>} : memref<9x128xi32, #tpu.memory_space<vmem>>, vector<1x16xi32>,
    %shift_right_arithmetic3A_974 = arith.constant 5 : i32
    %shift_right_arithmetic3A_975 = vector.broadcast %shift_right_arithmetic3A_974 : i32 to vector<16xi32>
    %shift_right_arithmetic3A_976 = arith.shrsi %add3A_925, %shift_right_arithmetic3A_975 : vector<16xi32>
    %sub3A_977 = arith.constant 1 : i32
    %sub3A_978 = vector.broadcast %sub3A_977 : i32 to vector<16xi32>
    %sub3A_979 = arith.subi %shift_right_arithmetic3A_976, %sub3A_978 : vector<16xi32>
    %mul3A_980 = arith.constant 512 : i32
    %mul3A_981 = vector.broadcast %mul3A_980 : i32 to vector<16xi32>
    %mul3A_982 = arith.muli %get3A_919, %mul3A_981 : vector<16xi32>
    %add3A_983 = arith.addi %mul3A_982, %sub3A_979 : vector<16xi32>
    %swap3A_984 = arith.constant 3 : i32
    %swap3A_985 = arith.index_cast %swap3A_984 : i32 to index
    %swap3A_986 = arith.constant 96 : index
    %swap3A_987 = tpu.vector_load %arg8[%swap3A_985, %swap3A_986] {strides = array<i32>} : memref<9x128xi32, #tpu.memory_space<vmem>>, vector<1x16xi32>,
    %swap3A_988 = vector.shape_cast %swap3A_987 : vector<1x16xi32> to vector<16xi32>
    %swap3A_989 = vector.shape_cast %add3A_983 : vector<16xi32> to vector<1x16xi32>
    tpu.vector_store %arg8[%swap3A_985, %swap3A_986], %swap3A_989 {strides = array<i32>} : memref<9x128xi32, #tpu.memory_space<vmem>>, vector<1x16xi32>,
    %shift_right_arithmetic3A_990 = arith.constant 4 : i32
    %shift_right_arithmetic3A_991 = vector.broadcast %shift_right_arithmetic3A_990 : i32 to vector<16xi32>
    %shift_right_arithmetic3A_992 = arith.shrsi %add3A_925, %shift_right_arithmetic3A_991 : vector<16xi32>
    %sub3A_993 = arith.constant 1 : i32
    %sub3A_994 = vector.broadcast %sub3A_993 : i32 to vector<16xi32>
    %sub3A_995 = arith.subi %shift_right_arithmetic3A_992, %sub3A_994 : vector<16xi32>
    %mul3A_996 = arith.constant 512 : i32
    %mul3A_997 = vector.broadcast %mul3A_996 : i32 to vector<16xi32>
    %mul3A_998 = arith.muli %get3A_919, %mul3A_997 : vector<16xi32>
    %add3A_999 = arith.addi %mul3A_998, %sub3A_995 : vector<16xi32>
    %swap3A_1000 = arith.constant 4 : i32
    %swap3A_1001 = arith.index_cast %swap3A_1000 : i32 to index
    %swap3A_1002 = arith.constant 96 : index
    %swap3A_1003 = tpu.vector_load %arg8[%swap3A_1001, %swap3A_1002] {strides = array<i32>} : memref<9x128xi32, #tpu.memory_space<vmem>>, vector<1x16xi32>,
    %swap3A_1004 = vector.shape_cast %swap3A_1003 : vector<1x16xi32> to vector<16xi32>
    %swap3A_1005 = vector.shape_cast %add3A_999 : vector<16xi32> to vector<1x16xi32>
    tpu.vector_store %arg8[%swap3A_1001, %swap3A_1002], %swap3A_1005 {strides = array<i32>} : memref<9x128xi32, #tpu.memory_space<vmem>>, vector<1x16xi32>,
    %shift_right_arithmetic3A_1006 = arith.constant 3 : i32
    %shift_right_arithmetic3A_1007 = vector.broadcast %shift_right_arithmetic3A_1006 : i32 to vector<16xi32>
    %shift_right_arithmetic3A_1008 = arith.shrsi %add3A_925, %shift_right_arithmetic3A_1007 : vector<16xi32>
    %sub3A_1009 = arith.constant 1 : i32
    %sub3A_1010 = vector.broadcast %sub3A_1009 : i32 to vector<16xi32>
    %sub3A_1011 = arith.subi %shift_right_arithmetic3A_1008, %sub3A_1010 : vector<16xi32>
    %mul3A_1012 = arith.constant 512 : i32
    %mul3A_1013 = vector.broadcast %mul3A_1012 : i32 to vector<16xi32>
    %mul3A_1014 = arith.muli %get3A_919, %mul3A_1013 : vector<16xi32>
    %add3A_1015 = arith.addi %mul3A_1014, %sub3A_1011 : vector<16xi32>
    %swap3A_1016 = arith.constant 5 : i32
    %swap3A_1017 = arith.index_cast %swap3A_1016 : i32 to index
    %swap3A_1018 = arith.constant 96 : index
    %swap3A_1019 = tpu.vector_load %arg8[%swap3A_1017, %swap3A_1018] {strides = array<i32>} : memref<9x128xi32, #tpu.memory_space<vmem>>, vector<1x16xi32>,
    %swap3A_1020 = vector.shape_cast %swap3A_1019 : vector<1x16xi32> to vector<16xi32>
    %swap3A_1021 = vector.shape_cast %add3A_1015 : vector<16xi32> to vector<1x16xi32>
    tpu.vector_store %arg8[%swap3A_1017, %swap3A_1018], %swap3A_1021 {strides = array<i32>} : memref<9x128xi32, #tpu.memory_space<vmem>>, vector<1x16xi32>,
    %shift_right_arithmetic3A_1022 = arith.constant 2 : i32
    %shift_right_arithmetic3A_1023 = vector.broadcast %shift_right_arithmetic3A_1022 : i32 to vector<16xi32>
    %shift_right_arithmetic3A_1024 = arith.shrsi %add3A_925, %shift_right_arithmetic3A_1023 : vector<16xi32>
    %sub3A_1025 = arith.constant 1 : i32
    %sub3A_1026 = vector.broadcast %sub3A_1025 : i32 to vector<16xi32>
    %sub3A_1027 = arith.subi %shift_right_arithmetic3A_1024, %sub3A_1026 : vector<16xi32>
    %mul3A_1028 = arith.constant 512 : i32
    %mul3A_1029 = vector.broadcast %mul3A_1028 : i32 to vector<16xi32>
    %mul3A_1030 = arith.muli %get3A_919, %mul3A_1029 : vector<16xi32>
    %add3A_1031 = arith.addi %mul3A_1030, %sub3A_1027 : vector<16xi32>
    %swap3A_1032 = arith.constant 6 : i32
    %swap3A_1033 = arith.index_cast %swap3A_1032 : i32 to index
    %swap3A_1034 = arith.constant 96 : index
    %swap3A_1035 = tpu.vector_load %arg8[%swap3A_1033, %swap3A_1034] {strides = array<i32>} : memref<9x128xi32, #tpu.memory_space<vmem>>, vector<1x16xi32>,
    %swap3A_1036 = vector.shape_cast %swap3A_1035 : vector<1x16xi32> to vector<16xi32>
    %swap3A_1037 = vector.shape_cast %add3A_1031 : vector<16xi32> to vector<1x16xi32>
    tpu.vector_store %arg8[%swap3A_1033, %swap3A_1034], %swap3A_1037 {strides = array<i32>} : memref<9x128xi32, #tpu.memory_space<vmem>>, vector<1x16xi32>,
    %shift_right_arithmetic3A_1038 = arith.constant 1 : i32
    %shift_right_arithmetic3A_1039 = vector.broadcast %shift_right_arithmetic3A_1038 : i32 to vector<16xi32>
    %shift_right_arithmetic3A_1040 = arith.shrsi %add3A_925, %shift_right_arithmetic3A_1039 : vector<16xi32>
    %sub3A_1041 = arith.constant 1 : i32
    %sub3A_1042 = vector.broadcast %sub3A_1041 : i32 to vector<16xi32>
    %sub3A_1043 = arith.subi %shift_right_arithmetic3A_1040, %sub3A_1042 : vector<16xi32>
    %mul3A_1044 = arith.constant 512 : i32
    %mul3A_1045 = vector.broadcast %mul3A_1044 : i32 to vector<16xi32>
    %mul3A_1046 = arith.muli %get3A_919, %mul3A_1045 : vector<16xi32>
    %add3A_1047 = arith.addi %mul3A_1046, %sub3A_1043 : vector<16xi32>
    %swap3A_1048 = arith.constant 7 : i32
    %swap3A_1049 = arith.index_cast %swap3A_1048 : i32 to index
    %swap3A_1050 = arith.constant 96 : index
    %swap3A_1051 = tpu.vector_load %arg8[%swap3A_1049, %swap3A_1050] {strides = array<i32>} : memref<9x128xi32, #tpu.memory_space<vmem>>, vector<1x16xi32>,
    %swap3A_1052 = vector.shape_cast %swap3A_1051 : vector<1x16xi32> to vector<16xi32>
    %swap3A_1053 = vector.shape_cast %add3A_1047 : vector<16xi32> to vector<1x16xi32>
    tpu.vector_store %arg8[%swap3A_1049, %swap3A_1050], %swap3A_1053 {strides = array<i32>} : memref<9x128xi32, #tpu.memory_space<vmem>>, vector<1x16xi32>,
    %shift_right_arithmetic3A_1054 = arith.constant 0 : i32
    %shift_right_arithmetic3A_1055 = vector.broadcast %shift_right_arithmetic3A_1054 : i32 to vector<16xi32>
    %shift_right_arithmetic3A_1056 = arith.shrsi %add3A_925, %shift_right_arithmetic3A_1055 : vector<16xi32>
    %sub3A_1057 = arith.constant 1 : i32
    %sub3A_1058 = vector.broadcast %sub3A_1057 : i32 to vector<16xi32>
    %sub3A_1059 = arith.subi %shift_right_arithmetic3A_1056, %sub3A_1058 : vector<16xi32>
    %mul3A_1060 = arith.constant 512 : i32
    %mul3A_1061 = vector.broadcast %mul3A_1060 : i32 to vector<16xi32>
    %mul3A_1062 = arith.muli %get3A_919, %mul3A_1061 : vector<16xi32>
    %add3A_1063 = arith.addi %mul3A_1062, %sub3A_1059 : vector<16xi32>
    %swap3A_1064 = arith.constant 8 : i32
    %swap3A_1065 = arith.index_cast %swap3A_1064 : i32 to index
    %swap3A_1066 = arith.constant 96 : index
    %swap3A_1067 = tpu.vector_load %arg8[%swap3A_1065, %swap3A_1066] {strides = array<i32>} : memref<9x128xi32, #tpu.memory_space<vmem>>, vector<1x16xi32>,
    %swap3A_1068 = vector.shape_cast %swap3A_1067 : vector<1x16xi32> to vector<16xi32>
    %swap3A_1069 = vector.shape_cast %add3A_1063 : vector<16xi32> to vector<1x16xi32>
    tpu.vector_store %arg8[%swap3A_1065, %swap3A_1066], %swap3A_1069 {strides = array<i32>} : memref<9x128xi32, #tpu.memory_space<vmem>>, vector<1x16xi32>,
    %get3A_1070 = arith.constant 112 : index
    %get3A_1071 = tpu.vector_load %arg6[%get3A_1070] {strides = array<i32>} : memref<128xi32, #tpu.memory_space<vmem>>, vector<16xi32>,
    %get3A_1072 = vector.shape_cast %get3A_1071 : vector<16xi32> to vector<16xi32>
    %get3A_1073 = arith.constant 112 : index
    %get3A_1074 = tpu.vector_load %arg7[%get3A_1073] {strides = array<i32>} : memref<128xi32, #tpu.memory_space<vmem>>, vector<16xi32>,
    %get3A_1075 = vector.shape_cast %get3A_1074 : vector<16xi32> to vector<16xi32>
    %add3A_1076 = arith.constant 256 : i32
    %add3A_1077 = vector.broadcast %add3A_1076 : i32 to vector<16xi32>
    %add3A_1078 = arith.addi %get3A_1075, %add3A_1077 : vector<16xi32>
    %shift_right_arithmetic3A_1079 = arith.constant 8 : i32
    %shift_right_arithmetic3A_1080 = vector.broadcast %shift_right_arithmetic3A_1079 : i32 to vector<16xi32>
    %shift_right_arithmetic3A_1081 = arith.shrsi %add3A_1078, %shift_right_arithmetic3A_1080 : vector<16xi32>
    %sub3A_1082 = arith.constant 1 : i32
    %sub3A_1083 = vector.broadcast %sub3A_1082 : i32 to vector<16xi32>
    %sub3A_1084 = arith.subi %shift_right_arithmetic3A_1081, %sub3A_1083 : vector<16xi32>
    %mul3A_1085 = arith.constant 512 : i32
    %mul3A_1086 = vector.broadcast %mul3A_1085 : i32 to vector<16xi32>
    %mul3A_1087 = arith.muli %get3A_1072, %mul3A_1086 : vector<16xi32>
    %add3A_1088 = arith.addi %mul3A_1087, %sub3A_1084 : vector<16xi32>
    %swap3A_1089 = arith.constant 0 : i32
    %swap3A_1090 = arith.index_cast %swap3A_1089 : i32 to index
    %swap3A_1091 = arith.constant 112 : index
    %swap3A_1092 = tpu.vector_load %arg8[%swap3A_1090, %swap3A_1091] {strides = array<i32>} : memref<9x128xi32, #tpu.memory_space<vmem>>, vector<1x16xi32>,
    %swap3A_1093 = vector.shape_cast %swap3A_1092 : vector<1x16xi32> to vector<16xi32>
    %swap3A_1094 = vector.shape_cast %add3A_1088 : vector<16xi32> to vector<1x16xi32>
    tpu.vector_store %arg8[%swap3A_1090, %swap3A_1091], %swap3A_1094 {strides = array<i32>} : memref<9x128xi32, #tpu.memory_space<vmem>>, vector<1x16xi32>,
    %shift_right_arithmetic3A_1095 = arith.constant 7 : i32
    %shift_right_arithmetic3A_1096 = vector.broadcast %shift_right_arithmetic3A_1095 : i32 to vector<16xi32>
    %shift_right_arithmetic3A_1097 = arith.shrsi %add3A_1078, %shift_right_arithmetic3A_1096 : vector<16xi32>
    %sub3A_1098 = arith.constant 1 : i32
    %sub3A_1099 = vector.broadcast %sub3A_1098 : i32 to vector<16xi32>
    %sub3A_1100 = arith.subi %shift_right_arithmetic3A_1097, %sub3A_1099 : vector<16xi32>
    %mul3A_1101 = arith.constant 512 : i32
    %mul3A_1102 = vector.broadcast %mul3A_1101 : i32 to vector<16xi32>
    %mul3A_1103 = arith.muli %get3A_1072, %mul3A_1102 : vector<16xi32>
    %add3A_1104 = arith.addi %mul3A_1103, %sub3A_1100 : vector<16xi32>
    %swap3A_1105 = arith.constant 1 : i32
    %swap3A_1106 = arith.index_cast %swap3A_1105 : i32 to index
    %swap3A_1107 = arith.constant 112 : index
    %swap3A_1108 = tpu.vector_load %arg8[%swap3A_1106, %swap3A_1107] {strides = array<i32>} : memref<9x128xi32, #tpu.memory_space<vmem>>, vector<1x16xi32>,
    %swap3A_1109 = vector.shape_cast %swap3A_1108 : vector<1x16xi32> to vector<16xi32>
    %swap3A_1110 = vector.shape_cast %add3A_1104 : vector<16xi32> to vector<1x16xi32>
    tpu.vector_store %arg8[%swap3A_1106, %swap3A_1107], %swap3A_1110 {strides = array<i32>} : memref<9x128xi32, #tpu.memory_space<vmem>>, vector<1x16xi32>,
    %shift_right_arithmetic3A_1111 = arith.constant 6 : i32
    %shift_right_arithmetic3A_1112 = vector.broadcast %shift_right_arithmetic3A_1111 : i32 to vector<16xi32>
    %shift_right_arithmetic3A_1113 = arith.shrsi %add3A_1078, %shift_right_arithmetic3A_1112 : vector<16xi32>
    %sub3A_1114 = arith.constant 1 : i32
    %sub3A_1115 = vector.broadcast %sub3A_1114 : i32 to vector<16xi32>
    %sub3A_1116 = arith.subi %shift_right_arithmetic3A_1113, %sub3A_1115 : vector<16xi32>
    %mul3A_1117 = arith.constant 512 : i32
    %mul3A_1118 = vector.broadcast %mul3A_1117 : i32 to vector<16xi32>
    %mul3A_1119 = arith.muli %get3A_1072, %mul3A_1118 : vector<16xi32>
    %add3A_1120 = arith.addi %mul3A_1119, %sub3A_1116 : vector<16xi32>
    %swap3A_1121 = arith.constant 2 : i32
    %swap3A_1122 = arith.index_cast %swap3A_1121 : i32 to index
    %swap3A_1123 = arith.constant 112 : index
    %swap3A_1124 = tpu.vector_load %arg8[%swap3A_1122, %swap3A_1123] {strides = array<i32>} : memref<9x128xi32, #tpu.memory_space<vmem>>, vector<1x16xi32>,
    %swap3A_1125 = vector.shape_cast %swap3A_1124 : vector<1x16xi32> to vector<16xi32>
    %swap3A_1126 = vector.shape_cast %add3A_1120 : vector<16xi32> to vector<1x16xi32>
    tpu.vector_store %arg8[%swap3A_1122, %swap3A_1123], %swap3A_1126 {strides = array<i32>} : memref<9x128xi32, #tpu.memory_space<vmem>>, vector<1x16xi32>,
    %shift_right_arithmetic3A_1127 = arith.constant 5 : i32
    %shift_right_arithmetic3A_1128 = vector.broadcast %shift_right_arithmetic3A_1127 : i32 to vector<16xi32>
    %shift_right_arithmetic3A_1129 = arith.shrsi %add3A_1078, %shift_right_arithmetic3A_1128 : vector<16xi32>
    %sub3A_1130 = arith.constant 1 : i32
    %sub3A_1131 = vector.broadcast %sub3A_1130 : i32 to vector<16xi32>
    %sub3A_1132 = arith.subi %shift_right_arithmetic3A_1129, %sub3A_1131 : vector<16xi32>
    %mul3A_1133 = arith.constant 512 : i32
    %mul3A_1134 = vector.broadcast %mul3A_1133 : i32 to vector<16xi32>
    %mul3A_1135 = arith.muli %get3A_1072, %mul3A_1134 : vector<16xi32>
    %add3A_1136 = arith.addi %mul3A_1135, %sub3A_1132 : vector<16xi32>
    %swap3A_1137 = arith.constant 3 : i32
    %swap3A_1138 = arith.index_cast %swap3A_1137 : i32 to index
    %swap3A_1139 = arith.constant 112 : index
    %swap3A_1140 = tpu.vector_load %arg8[%swap3A_1138, %swap3A_1139] {strides = array<i32>} : memref<9x128xi32, #tpu.memory_space<vmem>>, vector<1x16xi32>,
    %swap3A_1141 = vector.shape_cast %swap3A_1140 : vector<1x16xi32> to vector<16xi32>
    %swap3A_1142 = vector.shape_cast %add3A_1136 : vector<16xi32> to vector<1x16xi32>
    tpu.vector_store %arg8[%swap3A_1138, %swap3A_1139], %swap3A_1142 {strides = array<i32>} : memref<9x128xi32, #tpu.memory_space<vmem>>, vector<1x16xi32>,
    %shift_right_arithmetic3A_1143 = arith.constant 4 : i32
    %shift_right_arithmetic3A_1144 = vector.broadcast %shift_right_arithmetic3A_1143 : i32 to vector<16xi32>
    %shift_right_arithmetic3A_1145 = arith.shrsi %add3A_1078, %shift_right_arithmetic3A_1144 : vector<16xi32>
    %sub3A_1146 = arith.constant 1 : i32
    %sub3A_1147 = vector.broadcast %sub3A_1146 : i32 to vector<16xi32>
    %sub3A_1148 = arith.subi %shift_right_arithmetic3A_1145, %sub3A_1147 : vector<16xi32>
    %mul3A_1149 = arith.constant 512 : i32
    %mul3A_1150 = vector.broadcast %mul3A_1149 : i32 to vector<16xi32>
    %mul3A_1151 = arith.muli %get3A_1072, %mul3A_1150 : vector<16xi32>
    %add3A_1152 = arith.addi %mul3A_1151, %sub3A_1148 : vector<16xi32>
    %swap3A_1153 = arith.constant 4 : i32
    %swap3A_1154 = arith.index_cast %swap3A_1153 : i32 to index
    %swap3A_1155 = arith.constant 112 : index
    %swap3A_1156 = tpu.vector_load %arg8[%swap3A_1154, %swap3A_1155] {strides = array<i32>} : memref<9x128xi32, #tpu.memory_space<vmem>>, vector<1x16xi32>,
    %swap3A_1157 = vector.shape_cast %swap3A_1156 : vector<1x16xi32> to vector<16xi32>
    %swap3A_1158 = vector.shape_cast %add3A_1152 : vector<16xi32> to vector<1x16xi32>
    tpu.vector_store %arg8[%swap3A_1154, %swap3A_1155], %swap3A_1158 {strides = array<i32>} : memref<9x128xi32, #tpu.memory_space<vmem>>, vector<1x16xi32>,
    %shift_right_arithmetic3A_1159 = arith.constant 3 : i32
    %shift_right_arithmetic3A_1160 = vector.broadcast %shift_right_arithmetic3A_1159 : i32 to vector<16xi32>
    %shift_right_arithmetic3A_1161 = arith.shrsi %add3A_1078, %shift_right_arithmetic3A_1160 : vector<16xi32>
    %sub3A_1162 = arith.constant 1 : i32
    %sub3A_1163 = vector.broadcast %sub3A_1162 : i32 to vector<16xi32>
    %sub3A_1164 = arith.subi %shift_right_arithmetic3A_1161, %sub3A_1163 : vector<16xi32>
    %mul3A_1165 = arith.constant 512 : i32
    %mul3A_1166 = vector.broadcast %mul3A_1165 : i32 to vector<16xi32>
    %mul3A_1167 = arith.muli %get3A_1072, %mul3A_1166 : vector<16xi32>
    %add3A_1168 = arith.addi %mul3A_1167, %sub3A_1164 : vector<16xi32>
    %swap3A_1169 = arith.constant 5 : i32
    %swap3A_1170 = arith.index_cast %swap3A_1169 : i32 to index
    %swap3A_1171 = arith.constant 112 : index
    %swap3A_1172 = tpu.vector_load %arg8[%swap3A_1170, %swap3A_1171] {strides = array<i32>} : memref<9x128xi32, #tpu.memory_space<vmem>>, vector<1x16xi32>,
    %swap3A_1173 = vector.shape_cast %swap3A_1172 : vector<1x16xi32> to vector<16xi32>
    %swap3A_1174 = vector.shape_cast %add3A_1168 : vector<16xi32> to vector<1x16xi32>
    tpu.vector_store %arg8[%swap3A_1170, %swap3A_1171], %swap3A_1174 {strides = array<i32>} : memref<9x128xi32, #tpu.memory_space<vmem>>, vector<1x16xi32>,
    %shift_right_arithmetic3A_1175 = arith.constant 2 : i32
    %shift_right_arithmetic3A_1176 = vector.broadcast %shift_right_arithmetic3A_1175 : i32 to vector<16xi32>
    %shift_right_arithmetic3A_1177 = arith.shrsi %add3A_1078, %shift_right_arithmetic3A_1176 : vector<16xi32>
    %sub3A_1178 = arith.constant 1 : i32
    %sub3A_1179 = vector.broadcast %sub3A_1178 : i32 to vector<16xi32>
    %sub3A_1180 = arith.subi %shift_right_arithmetic3A_1177, %sub3A_1179 : vector<16xi32>
    %mul3A_1181 = arith.constant 512 : i32
    %mul3A_1182 = vector.broadcast %mul3A_1181 : i32 to vector<16xi32>
    %mul3A_1183 = arith.muli %get3A_1072, %mul3A_1182 : vector<16xi32>
    %add3A_1184 = arith.addi %mul3A_1183, %sub3A_1180 : vector<16xi32>
    %swap3A_1185 = arith.constant 6 : i32
    %swap3A_1186 = arith.index_cast %swap3A_1185 : i32 to index
    %swap3A_1187 = arith.constant 112 : index
    %swap3A_1188 = tpu.vector_load %arg8[%swap3A_1186, %swap3A_1187] {strides = array<i32>} : memref<9x128xi32, #tpu.memory_space<vmem>>, vector<1x16xi32>,
    %swap3A_1189 = vector.shape_cast %swap3A_1188 : vector<1x16xi32> to vector<16xi32>
    %swap3A_1190 = vector.shape_cast %add3A_1184 : vector<16xi32> to vector<1x16xi32>
    tpu.vector_store %arg8[%swap3A_1186, %swap3A_1187], %swap3A_1190 {strides = array<i32>} : memref<9x128xi32, #tpu.memory_space<vmem>>, vector<1x16xi32>,
    %shift_right_arithmetic3A_1191 = arith.constant 1 : i32
    %shift_right_arithmetic3A_1192 = vector.broadcast %shift_right_arithmetic3A_1191 : i32 to vector<16xi32>
    %shift_right_arithmetic3A_1193 = arith.shrsi %add3A_1078, %shift_right_arithmetic3A_1192 : vector<16xi32>
    %sub3A_1194 = arith.constant 1 : i32
    %sub3A_1195 = vector.broadcast %sub3A_1194 : i32 to vector<16xi32>
    %sub3A_1196 = arith.subi %shift_right_arithmetic3A_1193, %sub3A_1195 : vector<16xi32>
    %mul3A_1197 = arith.constant 512 : i32
    %mul3A_1198 = vector.broadcast %mul3A_1197 : i32 to vector<16xi32>
    %mul3A_1199 = arith.muli %get3A_1072, %mul3A_1198 : vector<16xi32>
    %add3A_1200 = arith.addi %mul3A_1199, %sub3A_1196 : vector<16xi32>
    %swap3A_1201 = arith.constant 7 : i32
    %swap3A_1202 = arith.index_cast %swap3A_1201 : i32 to index
    %swap3A_1203 = arith.constant 112 : index
    %swap3A_1204 = tpu.vector_load %arg8[%swap3A_1202, %swap3A_1203] {strides = array<i32>} : memref<9x128xi32, #tpu.memory_space<vmem>>, vector<1x16xi32>,
    %swap3A_1205 = vector.shape_cast %swap3A_1204 : vector<1x16xi32> to vector<16xi32>
    %swap3A_1206 = vector.shape_cast %add3A_1200 : vector<16xi32> to vector<1x16xi32>
    tpu.vector_store %arg8[%swap3A_1202, %swap3A_1203], %swap3A_1206 {strides = array<i32>} : memref<9x128xi32, #tpu.memory_space<vmem>>, vector<1x16xi32>,
    %shift_right_arithmetic3A_1207 = arith.constant 0 : i32
    %shift_right_arithmetic3A_1208 = vector.broadcast %shift_right_arithmetic3A_1207 : i32 to vector<16xi32>
    %shift_right_arithmetic3A_1209 = arith.shrsi %add3A_1078, %shift_right_arithmetic3A_1208 : vector<16xi32>
    %sub3A_1210 = arith.constant 1 : i32
    %sub3A_1211 = vector.broadcast %sub3A_1210 : i32 to vector<16xi32>
    %sub3A_1212 = arith.subi %shift_right_arithmetic3A_1209, %sub3A_1211 : vector<16xi32>
    %mul3A_1213 = arith.constant 512 : i32
    %mul3A_1214 = vector.broadcast %mul3A_1213 : i32 to vector<16xi32>
    %mul3A_1215 = arith.muli %get3A_1072, %mul3A_1214 : vector<16xi32>
    %add3A_1216 = arith.addi %mul3A_1215, %sub3A_1212 : vector<16xi32>
    %swap3A_1217 = arith.constant 8 : i32
    %swap3A_1218 = arith.index_cast %swap3A_1217 : i32 to index
    %swap3A_1219 = arith.constant 112 : index
    %swap3A_1220 = tpu.vector_load %arg8[%swap3A_1218, %swap3A_1219] {strides = array<i32>} : memref<9x128xi32, #tpu.memory_space<vmem>>, vector<1x16xi32>,
    %swap3A_1221 = vector.shape_cast %swap3A_1220 : vector<1x16xi32> to vector<16xi32>
    %swap3A_1222 = vector.shape_cast %add3A_1216 : vector<16xi32> to vector<1x16xi32>
    tpu.vector_store %arg8[%swap3A_1218, %swap3A_1219], %swap3A_1222 {strides = array<i32>} : memref<9x128xi32, #tpu.memory_space<vmem>>, vector<1x16xi32>,
    %dma_start3A = arith.constant 0 : i32
    %dma_start3A_1223 = arith.constant 0 : i32
    %dma_start3A_1224 = arith.constant 0 : i32
    %dma_start3A_1225 = tpu.memref_slice %arg9[%dma_start3A_1223, %dma_start3A_1224] : memref<9x128xf32, #tpu.memory_space<vmem>> -> memref<1x128xf32, #tpu.memory_space<vmem>>
    %dma_start3A_1226 = tpu.memref_squeeze %dma_start3A_1225 : memref<1x128xf32, #tpu.memory_space<vmem>> -> memref<128xf32, #tpu.memory_space<vmem>>
    %dma_start3A_1227 = arith.constant 0 : i32
    %dma_start3A_1228 = tpu.memref_slice %arg8[%dma_start3A, %dma_start3A_1227] : memref<9x128xi32, #tpu.memory_space<vmem>> -> memref<1x128xi32, #tpu.memory_space<vmem>>
    %dma_start3A_1229 = tpu.memref_squeeze %dma_start3A_1228 : memref<1x128xi32, #tpu.memory_space<vmem>> -> memref<128xi32, #tpu.memory_space<vmem>>
    %dma_start3A_1230 = arith.constant 0 : i32
    %dma_start3A_1231 = tpu.memref_slice %arg4[%dma_start3A_1230] : memref<131072xf32, #tpu.memory_space<hbm>> -> memref<131072xf32, #tpu.memory_space<hbm>>
    tpu.enqueue_indirect_dma source(%dma_start3A_1231 : memref<131072xf32, #tpu.memory_space<hbm>>) target(%dma_start3A_1226 : memref<128xf32, #tpu.memory_space<vmem>>) offsets(%dma_start3A_1229 : memref<128xi32, #tpu.memory_space<vmem>>) semaphore(%arg11 : memref<!tpu.dma_semaphore, #tpu.memory_space<semaphore_mem>>)
    %dma_start3A_1232 = arith.constant 1 : i32
    %dma_start3A_1233 = arith.constant 1 : i32
    %dma_start3A_1234 = arith.constant 0 : i32
    %dma_start3A_1235 = tpu.memref_slice %arg9[%dma_start3A_1233, %dma_start3A_1234] : memref<9x128xf32, #tpu.memory_space<vmem>> -> memref<1x128xf32, #tpu.memory_space<vmem>>
    %dma_start3A_1236 = tpu.memref_squeeze %dma_start3A_1235 : memref<1x128xf32, #tpu.memory_space<vmem>> -> memref<128xf32, #tpu.memory_space<vmem>>
    %dma_start3A_1237 = arith.constant 0 : i32
    %dma_start3A_1238 = tpu.memref_slice %arg8[%dma_start3A_1232, %dma_start3A_1237] : memref<9x128xi32, #tpu.memory_space<vmem>> -> memref<1x128xi32, #tpu.memory_space<vmem>>
    %dma_start3A_1239 = tpu.memref_squeeze %dma_start3A_1238 : memref<1x128xi32, #tpu.memory_space<vmem>> -> memref<128xi32, #tpu.memory_space<vmem>>
    %dma_start3A_1240 = arith.constant 0 : i32
    %dma_start3A_1241 = tpu.memref_slice %arg4[%dma_start3A_1240] : memref<131072xf32, #tpu.memory_space<hbm>> -> memref<131072xf32, #tpu.memory_space<hbm>>
    tpu.enqueue_indirect_dma source(%dma_start3A_1241 : memref<131072xf32, #tpu.memory_space<hbm>>) target(%dma_start3A_1236 : memref<128xf32, #tpu.memory_space<vmem>>) offsets(%dma_start3A_1239 : memref<128xi32, #tpu.memory_space<vmem>>) semaphore(%arg11 : memref<!tpu.dma_semaphore, #tpu.memory_space<semaphore_mem>>)
    %dma_start3A_1242 = arith.constant 2 : i32
    %dma_start3A_1243 = arith.constant 2 : i32
    %dma_start3A_1244 = arith.constant 0 : i32
    %dma_start3A_1245 = tpu.memref_slice %arg9[%dma_start3A_1243, %dma_start3A_1244] : memref<9x128xf32, #tpu.memory_space<vmem>> -> memref<1x128xf32, #tpu.memory_space<vmem>>
    %dma_start3A_1246 = tpu.memref_squeeze %dma_start3A_1245 : memref<1x128xf32, #tpu.memory_space<vmem>> -> memref<128xf32, #tpu.memory_space<vmem>>
    %dma_start3A_1247 = arith.constant 0 : i32
    %dma_start3A_1248 = tpu.memref_slice %arg8[%dma_start3A_1242, %dma_start3A_1247] : memref<9x128xi32, #tpu.memory_space<vmem>> -> memref<1x128xi32, #tpu.memory_space<vmem>>
    %dma_start3A_1249 = tpu.memref_squeeze %dma_start3A_1248 : memref<1x128xi32, #tpu.memory_space<vmem>> -> memref<128xi32, #tpu.memory_space<vmem>>
    %dma_start3A_1250 = arith.constant 0 : i32
    %dma_start3A_1251 = tpu.memref_slice %arg4[%dma_start3A_1250] : memref<131072xf32, #tpu.memory_space<hbm>> -> memref<131072xf32, #tpu.memory_space<hbm>>
    tpu.enqueue_indirect_dma source(%dma_start3A_1251 : memref<131072xf32, #tpu.memory_space<hbm>>) target(%dma_start3A_1246 : memref<128xf32, #tpu.memory_space<vmem>>) offsets(%dma_start3A_1249 : memref<128xi32, #tpu.memory_space<vmem>>) semaphore(%arg11 : memref<!tpu.dma_semaphore, #tpu.memory_space<semaphore_mem>>)
    %dma_start3A_1252 = arith.constant 3 : i32
    %dma_start3A_1253 = arith.constant 3 : i32
    %dma_start3A_1254 = arith.constant 0 : i32
    %dma_start3A_1255 = tpu.memref_slice %arg9[%dma_start3A_1253, %dma_start3A_1254] : memref<9x128xf32, #tpu.memory_space<vmem>> -> memref<1x128xf32, #tpu.memory_space<vmem>>
    %dma_start3A_1256 = tpu.memref_squeeze %dma_start3A_1255 : memref<1x128xf32, #tpu.memory_space<vmem>> -> memref<128xf32, #tpu.memory_space<vmem>>
    %dma_start3A_1257 = arith.constant 0 : i32
    %dma_start3A_1258 = tpu.memref_slice %arg8[%dma_start3A_1252, %dma_start3A_1257] : memref<9x128xi32, #tpu.memory_space<vmem>> -> memref<1x128xi32, #tpu.memory_space<vmem>>
    %dma_start3A_1259 = tpu.memref_squeeze %dma_start3A_1258 : memref<1x128xi32, #tpu.memory_space<vmem>> -> memref<128xi32, #tpu.memory_space<vmem>>
    %dma_start3A_1260 = arith.constant 0 : i32
    %dma_start3A_1261 = tpu.memref_slice %arg4[%dma_start3A_1260] : memref<131072xf32, #tpu.memory_space<hbm>> -> memref<131072xf32, #tpu.memory_space<hbm>>
    tpu.enqueue_indirect_dma source(%dma_start3A_1261 : memref<131072xf32, #tpu.memory_space<hbm>>) target(%dma_start3A_1256 : memref<128xf32, #tpu.memory_space<vmem>>) offsets(%dma_start3A_1259 : memref<128xi32, #tpu.memory_space<vmem>>) semaphore(%arg11 : memref<!tpu.dma_semaphore, #tpu.memory_space<semaphore_mem>>)
    %dma_start3A_1262 = arith.constant 4 : i32
    %dma_start3A_1263 = arith.constant 4 : i32
    %dma_start3A_1264 = arith.constant 0 : i32
    %dma_start3A_1265 = tpu.memref_slice %arg9[%dma_start3A_1263, %dma_start3A_1264] : memref<9x128xf32, #tpu.memory_space<vmem>> -> memref<1x128xf32, #tpu.memory_space<vmem>>
    %dma_start3A_1266 = tpu.memref_squeeze %dma_start3A_1265 : memref<1x128xf32, #tpu.memory_space<vmem>> -> memref<128xf32, #tpu.memory_space<vmem>>
    %dma_start3A_1267 = arith.constant 0 : i32
    %dma_start3A_1268 = tpu.memref_slice %arg8[%dma_start3A_1262, %dma_start3A_1267] : memref<9x128xi32, #tpu.memory_space<vmem>> -> memref<1x128xi32, #tpu.memory_space<vmem>>
    %dma_start3A_1269 = tpu.memref_squeeze %dma_start3A_1268 : memref<1x128xi32, #tpu.memory_space<vmem>> -> memref<128xi32, #tpu.memory_space<vmem>>
    %dma_start3A_1270 = arith.constant 0 : i32
    %dma_start3A_1271 = tpu.memref_slice %arg4[%dma_start3A_1270] : memref<131072xf32, #tpu.memory_space<hbm>> -> memref<131072xf32, #tpu.memory_space<hbm>>
    tpu.enqueue_indirect_dma source(%dma_start3A_1271 : memref<131072xf32, #tpu.memory_space<hbm>>) target(%dma_start3A_1266 : memref<128xf32, #tpu.memory_space<vmem>>) offsets(%dma_start3A_1269 : memref<128xi32, #tpu.memory_space<vmem>>) semaphore(%arg11 : memref<!tpu.dma_semaphore, #tpu.memory_space<semaphore_mem>>)
    %dma_start3A_1272 = arith.constant 5 : i32
    %dma_start3A_1273 = arith.constant 5 : i32
    %dma_start3A_1274 = arith.constant 0 : i32
    %dma_start3A_1275 = tpu.memref_slice %arg9[%dma_start3A_1273, %dma_start3A_1274] : memref<9x128xf32, #tpu.memory_space<vmem>> -> memref<1x128xf32, #tpu.memory_space<vmem>>
    %dma_start3A_1276 = tpu.memref_squeeze %dma_start3A_1275 : memref<1x128xf32, #tpu.memory_space<vmem>> -> memref<128xf32, #tpu.memory_space<vmem>>
    %dma_start3A_1277 = arith.constant 0 : i32
    %dma_start3A_1278 = tpu.memref_slice %arg8[%dma_start3A_1272, %dma_start3A_1277] : memref<9x128xi32, #tpu.memory_space<vmem>> -> memref<1x128xi32, #tpu.memory_space<vmem>>
    %dma_start3A_1279 = tpu.memref_squeeze %dma_start3A_1278 : memref<1x128xi32, #tpu.memory_space<vmem>> -> memref<128xi32, #tpu.memory_space<vmem>>
    %dma_start3A_1280 = arith.constant 0 : i32
    %dma_start3A_1281 = tpu.memref_slice %arg4[%dma_start3A_1280] : memref<131072xf32, #tpu.memory_space<hbm>> -> memref<131072xf32, #tpu.memory_space<hbm>>
    tpu.enqueue_indirect_dma source(%dma_start3A_1281 : memref<131072xf32, #tpu.memory_space<hbm>>) target(%dma_start3A_1276 : memref<128xf32, #tpu.memory_space<vmem>>) offsets(%dma_start3A_1279 : memref<128xi32, #tpu.memory_space<vmem>>) semaphore(%arg11 : memref<!tpu.dma_semaphore, #tpu.memory_space<semaphore_mem>>)
    %dma_start3A_1282 = arith.constant 6 : i32
    %dma_start3A_1283 = arith.constant 6 : i32
    %dma_start3A_1284 = arith.constant 0 : i32
    %dma_start3A_1285 = tpu.memref_slice %arg9[%dma_start3A_1283, %dma_start3A_1284] : memref<9x128xf32, #tpu.memory_space<vmem>> -> memref<1x128xf32, #tpu.memory_space<vmem>>
    %dma_start3A_1286 = tpu.memref_squeeze %dma_start3A_1285 : memref<1x128xf32, #tpu.memory_space<vmem>> -> memref<128xf32, #tpu.memory_space<vmem>>
    %dma_start3A_1287 = arith.constant 0 : i32
    %dma_start3A_1288 = tpu.memref_slice %arg8[%dma_start3A_1282, %dma_start3A_1287] : memref<9x128xi32, #tpu.memory_space<vmem>> -> memref<1x128xi32, #tpu.memory_space<vmem>>
    %dma_start3A_1289 = tpu.memref_squeeze %dma_start3A_1288 : memref<1x128xi32, #tpu.memory_space<vmem>> -> memref<128xi32, #tpu.memory_space<vmem>>
    %dma_start3A_1290 = arith.constant 0 : i32
    %dma_start3A_1291 = tpu.memref_slice %arg4[%dma_start3A_1290] : memref<131072xf32, #tpu.memory_space<hbm>> -> memref<131072xf32, #tpu.memory_space<hbm>>
    tpu.enqueue_indirect_dma source(%dma_start3A_1291 : memref<131072xf32, #tpu.memory_space<hbm>>) target(%dma_start3A_1286 : memref<128xf32, #tpu.memory_space<vmem>>) offsets(%dma_start3A_1289 : memref<128xi32, #tpu.memory_space<vmem>>) semaphore(%arg11 : memref<!tpu.dma_semaphore, #tpu.memory_space<semaphore_mem>>)
    %dma_start3A_1292 = arith.constant 7 : i32
    %dma_start3A_1293 = arith.constant 7 : i32
    %dma_start3A_1294 = arith.constant 0 : i32
    %dma_start3A_1295 = tpu.memref_slice %arg9[%dma_start3A_1293, %dma_start3A_1294] : memref<9x128xf32, #tpu.memory_space<vmem>> -> memref<1x128xf32, #tpu.memory_space<vmem>>
    %dma_start3A_1296 = tpu.memref_squeeze %dma_start3A_1295 : memref<1x128xf32, #tpu.memory_space<vmem>> -> memref<128xf32, #tpu.memory_space<vmem>>
    %dma_start3A_1297 = arith.constant 0 : i32
    %dma_start3A_1298 = tpu.memref_slice %arg8[%dma_start3A_1292, %dma_start3A_1297] : memref<9x128xi32, #tpu.memory_space<vmem>> -> memref<1x128xi32, #tpu.memory_space<vmem>>
    %dma_start3A_1299 = tpu.memref_squeeze %dma_start3A_1298 : memref<1x128xi32, #tpu.memory_space<vmem>> -> memref<128xi32, #tpu.memory_space<vmem>>
    %dma_start3A_1300 = arith.constant 0 : i32
    %dma_start3A_1301 = tpu.memref_slice %arg4[%dma_start3A_1300] : memref<131072xf32, #tpu.memory_space<hbm>> -> memref<131072xf32, #tpu.memory_space<hbm>>
    tpu.enqueue_indirect_dma source(%dma_start3A_1301 : memref<131072xf32, #tpu.memory_space<hbm>>) target(%dma_start3A_1296 : memref<128xf32, #tpu.memory_space<vmem>>) offsets(%dma_start3A_1299 : memref<128xi32, #tpu.memory_space<vmem>>) semaphore(%arg11 : memref<!tpu.dma_semaphore, #tpu.memory_space<semaphore_mem>>)
    %dma_start3A_1302 = arith.constant 8 : i32
    %dma_start3A_1303 = arith.constant 8 : i32
    %dma_start3A_1304 = arith.constant 0 : i32
    %dma_start3A_1305 = tpu.memref_slice %arg9[%dma_start3A_1303, %dma_start3A_1304] : memref<9x128xf32, #tpu.memory_space<vmem>> -> memref<1x128xf32, #tpu.memory_space<vmem>>
    %dma_start3A_1306 = tpu.memref_squeeze %dma_start3A_1305 : memref<1x128xf32, #tpu.memory_space<vmem>> -> memref<128xf32, #tpu.memory_space<vmem>>
    %dma_start3A_1307 = arith.constant 0 : i32
    %dma_start3A_1308 = tpu.memref_slice %arg8[%dma_start3A_1302, %dma_start3A_1307] : memref<9x128xi32, #tpu.memory_space<vmem>> -> memref<1x128xi32, #tpu.memory_space<vmem>>
    %dma_start3A_1309 = tpu.memref_squeeze %dma_start3A_1308 : memref<1x128xi32, #tpu.memory_space<vmem>> -> memref<128xi32, #tpu.memory_space<vmem>>
    %dma_start3A_1310 = arith.constant 0 : i32
    %dma_start3A_1311 = tpu.memref_slice %arg4[%dma_start3A_1310] : memref<131072xf32, #tpu.memory_space<hbm>> -> memref<131072xf32, #tpu.memory_space<hbm>>
    tpu.enqueue_indirect_dma source(%dma_start3A_1311 : memref<131072xf32, #tpu.memory_space<hbm>>) target(%dma_start3A_1306 : memref<128xf32, #tpu.memory_space<vmem>>) offsets(%dma_start3A_1309 : memref<128xi32, #tpu.memory_space<vmem>>) semaphore(%arg11 : memref<!tpu.dma_semaphore, #tpu.memory_space<semaphore_mem>>)
    %dma_wait3A = arith.constant 0 : i32
    %dma_wait3A_1312 = arith.constant 0 : i32
    %dma_wait3A_1313 = arith.constant 0 : i32
    %dma_wait3A_1314 = tpu.memref_slice %arg9[%dma_wait3A_1312, %dma_wait3A_1313] : memref<9x128xf32, #tpu.memory_space<vmem>> -> memref<1x128xf32, #tpu.memory_space<vmem>>
    %dma_wait3A_1315 = tpu.memref_squeeze %dma_wait3A_1314 : memref<1x128xf32, #tpu.memory_space<vmem>> -> memref<128xf32, #tpu.memory_space<vmem>>
    %dma_wait3A_1316 = arith.constant 0 : i32
    %dma_wait3A_1317 = tpu.memref_slice %arg8[%dma_wait3A, %dma_wait3A_1316] : memref<9x128xi32, #tpu.memory_space<vmem>> -> memref<1x128xi32, #tpu.memory_space<vmem>>
    %dma_wait3A_1318 = tpu.memref_squeeze %dma_wait3A_1317 : memref<1x128xi32, #tpu.memory_space<vmem>> -> memref<128xi32, #tpu.memory_space<vmem>>
    %dma_wait3A_1319 = arith.constant 0 : i32
    %dma_wait3A_1320 = tpu.memref_slice %arg4[%dma_wait3A_1319] : memref<131072xf32, #tpu.memory_space<hbm>> -> memref<131072xf32, #tpu.memory_space<hbm>>
    tpu.wait_indirect_dma semaphore(%arg11 : memref<!tpu.dma_semaphore, #tpu.memory_space<semaphore_mem>>) src(%dma_wait3A_1320 : memref<131072xf32, #tpu.memory_space<hbm>>) dst(%dma_wait3A_1315 : memref<128xf32, #tpu.memory_space<vmem>>)
    %dma_wait3A_1321 = arith.constant 1 : i32
    %dma_wait3A_1322 = arith.constant 1 : i32
    %dma_wait3A_1323 = arith.constant 0 : i32
    %dma_wait3A_1324 = tpu.memref_slice %arg9[%dma_wait3A_1322, %dma_wait3A_1323] : memref<9x128xf32, #tpu.memory_space<vmem>> -> memref<1x128xf32, #tpu.memory_space<vmem>>
    %dma_wait3A_1325 = tpu.memref_squeeze %dma_wait3A_1324 : memref<1x128xf32, #tpu.memory_space<vmem>> -> memref<128xf32, #tpu.memory_space<vmem>>
    %dma_wait3A_1326 = arith.constant 0 : i32
    %dma_wait3A_1327 = tpu.memref_slice %arg8[%dma_wait3A_1321, %dma_wait3A_1326] : memref<9x128xi32, #tpu.memory_space<vmem>> -> memref<1x128xi32, #tpu.memory_space<vmem>>
    %dma_wait3A_1328 = tpu.memref_squeeze %dma_wait3A_1327 : memref<1x128xi32, #tpu.memory_space<vmem>> -> memref<128xi32, #tpu.memory_space<vmem>>
    %dma_wait3A_1329 = arith.constant 0 : i32
    %dma_wait3A_1330 = tpu.memref_slice %arg4[%dma_wait3A_1329] : memref<131072xf32, #tpu.memory_space<hbm>> -> memref<131072xf32, #tpu.memory_space<hbm>>
    tpu.wait_indirect_dma semaphore(%arg11 : memref<!tpu.dma_semaphore, #tpu.memory_space<semaphore_mem>>) src(%dma_wait3A_1330 : memref<131072xf32, #tpu.memory_space<hbm>>) dst(%dma_wait3A_1325 : memref<128xf32, #tpu.memory_space<vmem>>)
    %dma_wait3A_1331 = arith.constant 2 : i32
    %dma_wait3A_1332 = arith.constant 2 : i32
    %dma_wait3A_1333 = arith.constant 0 : i32
    %dma_wait3A_1334 = tpu.memref_slice %arg9[%dma_wait3A_1332, %dma_wait3A_1333] : memref<9x128xf32, #tpu.memory_space<vmem>> -> memref<1x128xf32, #tpu.memory_space<vmem>>
    %dma_wait3A_1335 = tpu.memref_squeeze %dma_wait3A_1334 : memref<1x128xf32, #tpu.memory_space<vmem>> -> memref<128xf32, #tpu.memory_space<vmem>>
    %dma_wait3A_1336 = arith.constant 0 : i32
    %dma_wait3A_1337 = tpu.memref_slice %arg8[%dma_wait3A_1331, %dma_wait3A_1336] : memref<9x128xi32, #tpu.memory_space<vmem>> -> memref<1x128xi32, #tpu.memory_space<vmem>>
    %dma_wait3A_1338 = tpu.memref_squeeze %dma_wait3A_1337 : memref<1x128xi32, #tpu.memory_space<vmem>> -> memref<128xi32, #tpu.memory_space<vmem>>
    %dma_wait3A_1339 = arith.constant 0 : i32
    %dma_wait3A_1340 = tpu.memref_slice %arg4[%dma_wait3A_1339] : memref<131072xf32, #tpu.memory_space<hbm>> -> memref<131072xf32, #tpu.memory_space<hbm>>
    tpu.wait_indirect_dma semaphore(%arg11 : memref<!tpu.dma_semaphore, #tpu.memory_space<semaphore_mem>>) src(%dma_wait3A_1340 : memref<131072xf32, #tpu.memory_space<hbm>>) dst(%dma_wait3A_1335 : memref<128xf32, #tpu.memory_space<vmem>>)
    %dma_wait3A_1341 = arith.constant 3 : i32
    %dma_wait3A_1342 = arith.constant 3 : i32
    %dma_wait3A_1343 = arith.constant 0 : i32
    %dma_wait3A_1344 = tpu.memref_slice %arg9[%dma_wait3A_1342, %dma_wait3A_1343] : memref<9x128xf32, #tpu.memory_space<vmem>> -> memref<1x128xf32, #tpu.memory_space<vmem>>
    %dma_wait3A_1345 = tpu.memref_squeeze %dma_wait3A_1344 : memref<1x128xf32, #tpu.memory_space<vmem>> -> memref<128xf32, #tpu.memory_space<vmem>>
    %dma_wait3A_1346 = arith.constant 0 : i32
    %dma_wait3A_1347 = tpu.memref_slice %arg8[%dma_wait3A_1341, %dma_wait3A_1346] : memref<9x128xi32, #tpu.memory_space<vmem>> -> memref<1x128xi32, #tpu.memory_space<vmem>>
    %dma_wait3A_1348 = tpu.memref_squeeze %dma_wait3A_1347 : memref<1x128xi32, #tpu.memory_space<vmem>> -> memref<128xi32, #tpu.memory_space<vmem>>
    %dma_wait3A_1349 = arith.constant 0 : i32
    %dma_wait3A_1350 = tpu.memref_slice %arg4[%dma_wait3A_1349] : memref<131072xf32, #tpu.memory_space<hbm>> -> memref<131072xf32, #tpu.memory_space<hbm>>
    tpu.wait_indirect_dma semaphore(%arg11 : memref<!tpu.dma_semaphore, #tpu.memory_space<semaphore_mem>>) src(%dma_wait3A_1350 : memref<131072xf32, #tpu.memory_space<hbm>>) dst(%dma_wait3A_1345 : memref<128xf32, #tpu.memory_space<vmem>>)
    %dma_wait3A_1351 = arith.constant 4 : i32
    %dma_wait3A_1352 = arith.constant 4 : i32
    %dma_wait3A_1353 = arith.constant 0 : i32
    %dma_wait3A_1354 = tpu.memref_slice %arg9[%dma_wait3A_1352, %dma_wait3A_1353] : memref<9x128xf32, #tpu.memory_space<vmem>> -> memref<1x128xf32, #tpu.memory_space<vmem>>
    %dma_wait3A_1355 = tpu.memref_squeeze %dma_wait3A_1354 : memref<1x128xf32, #tpu.memory_space<vmem>> -> memref<128xf32, #tpu.memory_space<vmem>>
    %dma_wait3A_1356 = arith.constant 0 : i32
    %dma_wait3A_1357 = tpu.memref_slice %arg8[%dma_wait3A_1351, %dma_wait3A_1356] : memref<9x128xi32, #tpu.memory_space<vmem>> -> memref<1x128xi32, #tpu.memory_space<vmem>>
    %dma_wait3A_1358 = tpu.memref_squeeze %dma_wait3A_1357 : memref<1x128xi32, #tpu.memory_space<vmem>> -> memref<128xi32, #tpu.memory_space<vmem>>
    %dma_wait3A_1359 = arith.constant 0 : i32
    %dma_wait3A_1360 = tpu.memref_slice %arg4[%dma_wait3A_1359] : memref<131072xf32, #tpu.memory_space<hbm>> -> memref<131072xf32, #tpu.memory_space<hbm>>
    tpu.wait_indirect_dma semaphore(%arg11 : memref<!tpu.dma_semaphore, #tpu.memory_space<semaphore_mem>>) src(%dma_wait3A_1360 : memref<131072xf32, #tpu.memory_space<hbm>>) dst(%dma_wait3A_1355 : memref<128xf32, #tpu.memory_space<vmem>>)
    %dma_wait3A_1361 = arith.constant 5 : i32
    %dma_wait3A_1362 = arith.constant 5 : i32
    %dma_wait3A_1363 = arith.constant 0 : i32
    %dma_wait3A_1364 = tpu.memref_slice %arg9[%dma_wait3A_1362, %dma_wait3A_1363] : memref<9x128xf32, #tpu.memory_space<vmem>> -> memref<1x128xf32, #tpu.memory_space<vmem>>
    %dma_wait3A_1365 = tpu.memref_squeeze %dma_wait3A_1364 : memref<1x128xf32, #tpu.memory_space<vmem>> -> memref<128xf32, #tpu.memory_space<vmem>>
    %dma_wait3A_1366 = arith.constant 0 : i32
    %dma_wait3A_1367 = tpu.memref_slice %arg8[%dma_wait3A_1361, %dma_wait3A_1366] : memref<9x128xi32, #tpu.memory_space<vmem>> -> memref<1x128xi32, #tpu.memory_space<vmem>>
    %dma_wait3A_1368 = tpu.memref_squeeze %dma_wait3A_1367 : memref<1x128xi32, #tpu.memory_space<vmem>> -> memref<128xi32, #tpu.memory_space<vmem>>
    %dma_wait3A_1369 = arith.constant 0 : i32
    %dma_wait3A_1370 = tpu.memref_slice %arg4[%dma_wait3A_1369] : memref<131072xf32, #tpu.memory_space<hbm>> -> memref<131072xf32, #tpu.memory_space<hbm>>
    tpu.wait_indirect_dma semaphore(%arg11 : memref<!tpu.dma_semaphore, #tpu.memory_space<semaphore_mem>>) src(%dma_wait3A_1370 : memref<131072xf32, #tpu.memory_space<hbm>>) dst(%dma_wait3A_1365 : memref<128xf32, #tpu.memory_space<vmem>>)
    %dma_wait3A_1371 = arith.constant 6 : i32
    %dma_wait3A_1372 = arith.constant 6 : i32
    %dma_wait3A_1373 = arith.constant 0 : i32
    %dma_wait3A_1374 = tpu.memref_slice %arg9[%dma_wait3A_1372, %dma_wait3A_1373] : memref<9x128xf32, #tpu.memory_space<vmem>> -> memref<1x128xf32, #tpu.memory_space<vmem>>
    %dma_wait3A_1375 = tpu.memref_squeeze %dma_wait3A_1374 : memref<1x128xf32, #tpu.memory_space<vmem>> -> memref<128xf32, #tpu.memory_space<vmem>>
    %dma_wait3A_1376 = arith.constant 0 : i32
    %dma_wait3A_1377 = tpu.memref_slice %arg8[%dma_wait3A_1371, %dma_wait3A_1376] : memref<9x128xi32, #tpu.memory_space<vmem>> -> memref<1x128xi32, #tpu.memory_space<vmem>>
    %dma_wait3A_1378 = tpu.memref_squeeze %dma_wait3A_1377 : memref<1x128xi32, #tpu.memory_space<vmem>> -> memref<128xi32, #tpu.memory_space<vmem>>
    %dma_wait3A_1379 = arith.constant 0 : i32
    %dma_wait3A_1380 = tpu.memref_slice %arg4[%dma_wait3A_1379] : memref<131072xf32, #tpu.memory_space<hbm>> -> memref<131072xf32, #tpu.memory_space<hbm>>
    tpu.wait_indirect_dma semaphore(%arg11 : memref<!tpu.dma_semaphore, #tpu.memory_space<semaphore_mem>>) src(%dma_wait3A_1380 : memref<131072xf32, #tpu.memory_space<hbm>>) dst(%dma_wait3A_1375 : memref<128xf32, #tpu.memory_space<vmem>>)
    %dma_wait3A_1381 = arith.constant 7 : i32
    %dma_wait3A_1382 = arith.constant 7 : i32
    %dma_wait3A_1383 = arith.constant 0 : i32
    %dma_wait3A_1384 = tpu.memref_slice %arg9[%dma_wait3A_1382, %dma_wait3A_1383] : memref<9x128xf32, #tpu.memory_space<vmem>> -> memref<1x128xf32, #tpu.memory_space<vmem>>
    %dma_wait3A_1385 = tpu.memref_squeeze %dma_wait3A_1384 : memref<1x128xf32, #tpu.memory_space<vmem>> -> memref<128xf32, #tpu.memory_space<vmem>>
    %dma_wait3A_1386 = arith.constant 0 : i32
    %dma_wait3A_1387 = tpu.memref_slice %arg8[%dma_wait3A_1381, %dma_wait3A_1386] : memref<9x128xi32, #tpu.memory_space<vmem>> -> memref<1x128xi32, #tpu.memory_space<vmem>>
    %dma_wait3A_1388 = tpu.memref_squeeze %dma_wait3A_1387 : memref<1x128xi32, #tpu.memory_space<vmem>> -> memref<128xi32, #tpu.memory_space<vmem>>
    %dma_wait3A_1389 = arith.constant 0 : i32
    %dma_wait3A_1390 = tpu.memref_slice %arg4[%dma_wait3A_1389] : memref<131072xf32, #tpu.memory_space<hbm>> -> memref<131072xf32, #tpu.memory_space<hbm>>
    tpu.wait_indirect_dma semaphore(%arg11 : memref<!tpu.dma_semaphore, #tpu.memory_space<semaphore_mem>>) src(%dma_wait3A_1390 : memref<131072xf32, #tpu.memory_space<hbm>>) dst(%dma_wait3A_1385 : memref<128xf32, #tpu.memory_space<vmem>>)
    %dma_wait3A_1391 = arith.constant 8 : i32
    %dma_wait3A_1392 = arith.constant 8 : i32
    %dma_wait3A_1393 = arith.constant 0 : i32
    %dma_wait3A_1394 = tpu.memref_slice %arg9[%dma_wait3A_1392, %dma_wait3A_1393] : memref<9x128xf32, #tpu.memory_space<vmem>> -> memref<1x128xf32, #tpu.memory_space<vmem>>
    %dma_wait3A_1395 = tpu.memref_squeeze %dma_wait3A_1394 : memref<1x128xf32, #tpu.memory_space<vmem>> -> memref<128xf32, #tpu.memory_space<vmem>>
    %dma_wait3A_1396 = arith.constant 0 : i32
    %dma_wait3A_1397 = tpu.memref_slice %arg8[%dma_wait3A_1391, %dma_wait3A_1396] : memref<9x128xi32, #tpu.memory_space<vmem>> -> memref<1x128xi32, #tpu.memory_space<vmem>>
    %dma_wait3A_1398 = tpu.memref_squeeze %dma_wait3A_1397 : memref<1x128xi32, #tpu.memory_space<vmem>> -> memref<128xi32, #tpu.memory_space<vmem>>
    %dma_wait3A_1399 = arith.constant 0 : i32
    %dma_wait3A_1400 = tpu.memref_slice %arg4[%dma_wait3A_1399] : memref<131072xf32, #tpu.memory_space<hbm>> -> memref<131072xf32, #tpu.memory_space<hbm>>
    tpu.wait_indirect_dma semaphore(%arg11 : memref<!tpu.dma_semaphore, #tpu.memory_space<semaphore_mem>>) src(%dma_wait3A_1400 : memref<131072xf32, #tpu.memory_space<hbm>>) dst(%dma_wait3A_1395 : memref<128xf32, #tpu.memory_space<vmem>>)
    %broadcast_in_dim3A = arith.constant 1.000000e+00 : f32
    %broadcast_in_dim3A_1401 = vector.broadcast %broadcast_in_dim3A : f32 to vector<16xf32>
    %get3A_1402 = arith.constant 0 : i32
    %get3A_1403 = arith.index_cast %get3A_1402 : i32 to index
    %get3A_1404 = arith.constant 0 : index
    %get3A_1405 = tpu.vector_load %arg9[%get3A_1403, %get3A_1404] {strides = array<i32>} : memref<9x128xf32, #tpu.memory_space<vmem>>, vector<1x16xf32>,
    %get3A_1406 = vector.shape_cast %get3A_1405 : vector<1x16xf32> to vector<16xf32>
    %neg3A = arith.constant 0.000000e+00 : f32
    %neg3A_1407 = vector.broadcast %neg3A : f32 to vector<16xf32>
    %neg3A_1408 = arith.subf %neg3A_1407, %get3A_1406 : vector<16xf32>
    %exp3A = math.exp %neg3A_1408 : vector<16xf32>
    %add3A_1409 = arith.constant 1.000000e+00 : f32
    %add3A_1410 = vector.broadcast %add3A_1409 : f32 to vector<16xf32>
    %add3A_1411 = arith.addf %add3A_1410, %exp3A : vector<16xf32>
    %div3A = arith.constant 1.000000e+00 : f32
    %div3A_1412 = vector.broadcast %div3A : f32 to vector<16xf32>
    %div3A_1413 = arith.divf %div3A_1412, %add3A_1411 : vector<16xf32>
    %mul3A_1414 = arith.mulf %broadcast_in_dim3A_1401, %div3A_1413 : vector<16xf32>
    %get3A_1415 = arith.constant 1 : i32
    %get3A_1416 = arith.index_cast %get3A_1415 : i32 to index
    %get3A_1417 = arith.constant 0 : index
    %get3A_1418 = tpu.vector_load %arg9[%get3A_1416, %get3A_1417] {strides = array<i32>} : memref<9x128xf32, #tpu.memory_space<vmem>>, vector<1x16xf32>,
    %get3A_1419 = vector.shape_cast %get3A_1418 : vector<1x16xf32> to vector<16xf32>
    %neg3A_1420 = arith.constant 0.000000e+00 : f32
    %neg3A_1421 = vector.broadcast %neg3A_1420 : f32 to vector<16xf32>
    %neg3A_1422 = arith.subf %neg3A_1421, %get3A_1419 : vector<16xf32>
    %exp3A_1423 = math.exp %neg3A_1422 : vector<16xf32>
    %add3A_1424 = arith.constant 1.000000e+00 : f32
    %add3A_1425 = vector.broadcast %add3A_1424 : f32 to vector<16xf32>
    %add3A_1426 = arith.addf %add3A_1425, %exp3A_1423 : vector<16xf32>
    %div3A_1427 = arith.constant 1.000000e+00 : f32
    %div3A_1428 = vector.broadcast %div3A_1427 : f32 to vector<16xf32>
    %div3A_1429 = arith.divf %div3A_1428, %add3A_1426 : vector<16xf32>
    %mul3A_1430 = arith.mulf %mul3A_1414, %div3A_1429 : vector<16xf32>
    %get3A_1431 = arith.constant 2 : i32
    %get3A_1432 = arith.index_cast %get3A_1431 : i32 to index
    %get3A_1433 = arith.constant 0 : index
    %get3A_1434 = tpu.vector_load %arg9[%get3A_1432, %get3A_1433] {strides = array<i32>} : memref<9x128xf32, #tpu.memory_space<vmem>>, vector<1x16xf32>,
    %get3A_1435 = vector.shape_cast %get3A_1434 : vector<1x16xf32> to vector<16xf32>
    %neg3A_1436 = arith.constant 0.000000e+00 : f32
    %neg3A_1437 = vector.broadcast %neg3A_1436 : f32 to vector<16xf32>
    %neg3A_1438 = arith.subf %neg3A_1437, %get3A_1435 : vector<16xf32>
    %exp3A_1439 = math.exp %neg3A_1438 : vector<16xf32>
    %add3A_1440 = arith.constant 1.000000e+00 : f32
    %add3A_1441 = vector.broadcast %add3A_1440 : f32 to vector<16xf32>
    %add3A_1442 = arith.addf %add3A_1441, %exp3A_1439 : vector<16xf32>
    %div3A_1443 = arith.constant 1.000000e+00 : f32
    %div3A_1444 = vector.broadcast %div3A_1443 : f32 to vector<16xf32>
    %div3A_1445 = arith.divf %div3A_1444, %add3A_1442 : vector<16xf32>
    %mul3A_1446 = arith.mulf %mul3A_1430, %div3A_1445 : vector<16xf32>
    %get3A_1447 = arith.constant 3 : i32
    %get3A_1448 = arith.index_cast %get3A_1447 : i32 to index
    %get3A_1449 = arith.constant 0 : index
    %get3A_1450 = tpu.vector_load %arg9[%get3A_1448, %get3A_1449] {strides = array<i32>} : memref<9x128xf32, #tpu.memory_space<vmem>>, vector<1x16xf32>,
    %get3A_1451 = vector.shape_cast %get3A_1450 : vector<1x16xf32> to vector<16xf32>
    %neg3A_1452 = arith.constant 0.000000e+00 : f32
    %neg3A_1453 = vector.broadcast %neg3A_1452 : f32 to vector<16xf32>
    %neg3A_1454 = arith.subf %neg3A_1453, %get3A_1451 : vector<16xf32>
    %exp3A_1455 = math.exp %neg3A_1454 : vector<16xf32>
    %add3A_1456 = arith.constant 1.000000e+00 : f32
    %add3A_1457 = vector.broadcast %add3A_1456 : f32 to vector<16xf32>
    %add3A_1458 = arith.addf %add3A_1457, %exp3A_1455 : vector<16xf32>
    %div3A_1459 = arith.constant 1.000000e+00 : f32
    %div3A_1460 = vector.broadcast %div3A_1459 : f32 to vector<16xf32>
    %div3A_1461 = arith.divf %div3A_1460, %add3A_1458 : vector<16xf32>
    %mul3A_1462 = arith.mulf %mul3A_1446, %div3A_1461 : vector<16xf32>
    %get3A_1463 = arith.constant 4 : i32
    %get3A_1464 = arith.index_cast %get3A_1463 : i32 to index
    %get3A_1465 = arith.constant 0 : index
    %get3A_1466 = tpu.vector_load %arg9[%get3A_1464, %get3A_1465] {strides = array<i32>} : memref<9x128xf32, #tpu.memory_space<vmem>>, vector<1x16xf32>,
    %get3A_1467 = vector.shape_cast %get3A_1466 : vector<1x16xf32> to vector<16xf32>
    %neg3A_1468 = arith.constant 0.000000e+00 : f32
    %neg3A_1469 = vector.broadcast %neg3A_1468 : f32 to vector<16xf32>
    %neg3A_1470 = arith.subf %neg3A_1469, %get3A_1467 : vector<16xf32>
    %exp3A_1471 = math.exp %neg3A_1470 : vector<16xf32>
    %add3A_1472 = arith.constant 1.000000e+00 : f32
    %add3A_1473 = vector.broadcast %add3A_1472 : f32 to vector<16xf32>
    %add3A_1474 = arith.addf %add3A_1473, %exp3A_1471 : vector<16xf32>
    %div3A_1475 = arith.constant 1.000000e+00 : f32
    %div3A_1476 = vector.broadcast %div3A_1475 : f32 to vector<16xf32>
    %div3A_1477 = arith.divf %div3A_1476, %add3A_1474 : vector<16xf32>
    %mul3A_1478 = arith.mulf %mul3A_1462, %div3A_1477 : vector<16xf32>
    %get3A_1479 = arith.constant 5 : i32
    %get3A_1480 = arith.index_cast %get3A_1479 : i32 to index
    %get3A_1481 = arith.constant 0 : index
    %get3A_1482 = tpu.vector_load %arg9[%get3A_1480, %get3A_1481] {strides = array<i32>} : memref<9x128xf32, #tpu.memory_space<vmem>>, vector<1x16xf32>,
    %get3A_1483 = vector.shape_cast %get3A_1482 : vector<1x16xf32> to vector<16xf32>
    %neg3A_1484 = arith.constant 0.000000e+00 : f32
    %neg3A_1485 = vector.broadcast %neg3A_1484 : f32 to vector<16xf32>
    %neg3A_1486 = arith.subf %neg3A_1485, %get3A_1483 : vector<16xf32>
    %exp3A_1487 = math.exp %neg3A_1486 : vector<16xf32>
    %add3A_1488 = arith.constant 1.000000e+00 : f32
    %add3A_1489 = vector.broadcast %add3A_1488 : f32 to vector<16xf32>
    %add3A_1490 = arith.addf %add3A_1489, %exp3A_1487 : vector<16xf32>
    %div3A_1491 = arith.constant 1.000000e+00 : f32
    %div3A_1492 = vector.broadcast %div3A_1491 : f32 to vector<16xf32>
    %div3A_1493 = arith.divf %div3A_1492, %add3A_1490 : vector<16xf32>
    %mul3A_1494 = arith.mulf %mul3A_1478, %div3A_1493 : vector<16xf32>
    %get3A_1495 = arith.constant 6 : i32
    %get3A_1496 = arith.index_cast %get3A_1495 : i32 to index
    %get3A_1497 = arith.constant 0 : index
    %get3A_1498 = tpu.vector_load %arg9[%get3A_1496, %get3A_1497] {strides = array<i32>} : memref<9x128xf32, #tpu.memory_space<vmem>>, vector<1x16xf32>,
    %get3A_1499 = vector.shape_cast %get3A_1498 : vector<1x16xf32> to vector<16xf32>
    %neg3A_1500 = arith.constant 0.000000e+00 : f32
    %neg3A_1501 = vector.broadcast %neg3A_1500 : f32 to vector<16xf32>
    %neg3A_1502 = arith.subf %neg3A_1501, %get3A_1499 : vector<16xf32>
    %exp3A_1503 = math.exp %neg3A_1502 : vector<16xf32>
    %add3A_1504 = arith.constant 1.000000e+00 : f32
    %add3A_1505 = vector.broadcast %add3A_1504 : f32 to vector<16xf32>
    %add3A_1506 = arith.addf %add3A_1505, %exp3A_1503 : vector<16xf32>
    %div3A_1507 = arith.constant 1.000000e+00 : f32
    %div3A_1508 = vector.broadcast %div3A_1507 : f32 to vector<16xf32>
    %div3A_1509 = arith.divf %div3A_1508, %add3A_1506 : vector<16xf32>
    %mul3A_1510 = arith.mulf %mul3A_1494, %div3A_1509 : vector<16xf32>
    %get3A_1511 = arith.constant 7 : i32
    %get3A_1512 = arith.index_cast %get3A_1511 : i32 to index
    %get3A_1513 = arith.constant 0 : index
    %get3A_1514 = tpu.vector_load %arg9[%get3A_1512, %get3A_1513] {strides = array<i32>} : memref<9x128xf32, #tpu.memory_space<vmem>>, vector<1x16xf32>,
    %get3A_1515 = vector.shape_cast %get3A_1514 : vector<1x16xf32> to vector<16xf32>
    %neg3A_1516 = arith.constant 0.000000e+00 : f32
    %neg3A_1517 = vector.broadcast %neg3A_1516 : f32 to vector<16xf32>
    %neg3A_1518 = arith.subf %neg3A_1517, %get3A_1515 : vector<16xf32>
    %exp3A_1519 = math.exp %neg3A_1518 : vector<16xf32>
    %add3A_1520 = arith.constant 1.000000e+00 : f32
    %add3A_1521 = vector.broadcast %add3A_1520 : f32 to vector<16xf32>
    %add3A_1522 = arith.addf %add3A_1521, %exp3A_1519 : vector<16xf32>
    %div3A_1523 = arith.constant 1.000000e+00 : f32
    %div3A_1524 = vector.broadcast %div3A_1523 : f32 to vector<16xf32>
    %div3A_1525 = arith.divf %div3A_1524, %add3A_1522 : vector<16xf32>
    %mul3A_1526 = arith.mulf %mul3A_1510, %div3A_1525 : vector<16xf32>
    %get3A_1527 = arith.constant 8 : i32
    %get3A_1528 = arith.index_cast %get3A_1527 : i32 to index
    %get3A_1529 = arith.constant 0 : index
    %get3A_1530 = tpu.vector_load %arg9[%get3A_1528, %get3A_1529] {strides = array<i32>} : memref<9x128xf32, #tpu.memory_space<vmem>>, vector<1x16xf32>,
    %get3A_1531 = vector.shape_cast %get3A_1530 : vector<1x16xf32> to vector<16xf32>
    %neg3A_1532 = arith.constant 0.000000e+00 : f32
    %neg3A_1533 = vector.broadcast %neg3A_1532 : f32 to vector<16xf32>
    %neg3A_1534 = arith.subf %neg3A_1533, %get3A_1531 : vector<16xf32>
    %exp3A_1535 = math.exp %neg3A_1534 : vector<16xf32>
    %add3A_1536 = arith.constant 1.000000e+00 : f32
    %add3A_1537 = vector.broadcast %add3A_1536 : f32 to vector<16xf32>
    %add3A_1538 = arith.addf %add3A_1537, %exp3A_1535 : vector<16xf32>
    %div3A_1539 = arith.constant 1.000000e+00 : f32
    %div3A_1540 = vector.broadcast %div3A_1539 : f32 to vector<16xf32>
    %div3A_1541 = arith.divf %div3A_1540, %add3A_1538 : vector<16xf32>
    %mul3A_1542 = arith.mulf %mul3A_1526, %div3A_1541 : vector<16xf32>
    %swap3A_1543 = arith.constant 0 : index
    %swap3A_1544 = tpu.vector_load %arg10[%swap3A_1543] {strides = array<i32>} : memref<128xf32, #tpu.memory_space<vmem>>, vector<16xf32>,
    %swap3A_1545 = vector.shape_cast %swap3A_1544 : vector<16xf32> to vector<16xf32>
    %swap3A_1546 = vector.shape_cast %mul3A_1542 : vector<16xf32> to vector<16xf32>
    tpu.vector_store %arg10[%swap3A_1543], %swap3A_1546 {strides = array<i32>} : memref<128xf32, #tpu.memory_space<vmem>>, vector<16xf32>,
    %broadcast_in_dim3A_1547 = arith.constant 1.000000e+00 : f32
    %broadcast_in_dim3A_1548 = vector.broadcast %broadcast_in_dim3A_1547 : f32 to vector<16xf32>
    %get3A_1549 = arith.constant 0 : i32
    %get3A_1550 = arith.index_cast %get3A_1549 : i32 to index
    %get3A_1551 = arith.constant 16 : index
    %get3A_1552 = tpu.vector_load %arg9[%get3A_1550, %get3A_1551] {strides = array<i32>} : memref<9x128xf32, #tpu.memory_space<vmem>>, vector<1x16xf32>,
    %get3A_1553 = vector.shape_cast %get3A_1552 : vector<1x16xf32> to vector<16xf32>
    %neg3A_1554 = arith.constant 0.000000e+00 : f32
    %neg3A_1555 = vector.broadcast %neg3A_1554 : f32 to vector<16xf32>
    %neg3A_1556 = arith.subf %neg3A_1555, %get3A_1553 : vector<16xf32>
    %exp3A_1557 = math.exp %neg3A_1556 : vector<16xf32>
    %add3A_1558 = arith.constant 1.000000e+00 : f32
    %add3A_1559 = vector.broadcast %add3A_1558 : f32 to vector<16xf32>
    %add3A_1560 = arith.addf %add3A_1559, %exp3A_1557 : vector<16xf32>
    %div3A_1561 = arith.constant 1.000000e+00 : f32
    %div3A_1562 = vector.broadcast %div3A_1561 : f32 to vector<16xf32>
    %div3A_1563 = arith.divf %div3A_1562, %add3A_1560 : vector<16xf32>
    %mul3A_1564 = arith.mulf %broadcast_in_dim3A_1548, %div3A_1563 : vector<16xf32>
    %get3A_1565 = arith.constant 1 : i32
    %get3A_1566 = arith.index_cast %get3A_1565 : i32 to index
    %get3A_1567 = arith.constant 16 : index
    %get3A_1568 = tpu.vector_load %arg9[%get3A_1566, %get3A_1567] {strides = array<i32>} : memref<9x128xf32, #tpu.memory_space<vmem>>, vector<1x16xf32>,
    %get3A_1569 = vector.shape_cast %get3A_1568 : vector<1x16xf32> to vector<16xf32>
    %neg3A_1570 = arith.constant 0.000000e+00 : f32
    %neg3A_1571 = vector.broadcast %neg3A_1570 : f32 to vector<16xf32>
    %neg3A_1572 = arith.subf %neg3A_1571, %get3A_1569 : vector<16xf32>
    %exp3A_1573 = math.exp %neg3A_1572 : vector<16xf32>
    %add3A_1574 = arith.constant 1.000000e+00 : f32
    %add3A_1575 = vector.broadcast %add3A_1574 : f32 to vector<16xf32>
    %add3A_1576 = arith.addf %add3A_1575, %exp3A_1573 : vector<16xf32>
    %div3A_1577 = arith.constant 1.000000e+00 : f32
    %div3A_1578 = vector.broadcast %div3A_1577 : f32 to vector<16xf32>
    %div3A_1579 = arith.divf %div3A_1578, %add3A_1576 : vector<16xf32>
    %mul3A_1580 = arith.mulf %mul3A_1564, %div3A_1579 : vector<16xf32>
    %get3A_1581 = arith.constant 2 : i32
    %get3A_1582 = arith.index_cast %get3A_1581 : i32 to index
    %get3A_1583 = arith.constant 16 : index
    %get3A_1584 = tpu.vector_load %arg9[%get3A_1582, %get3A_1583] {strides = array<i32>} : memref<9x128xf32, #tpu.memory_space<vmem>>, vector<1x16xf32>,
    %get3A_1585 = vector.shape_cast %get3A_1584 : vector<1x16xf32> to vector<16xf32>
    %neg3A_1586 = arith.constant 0.000000e+00 : f32
    %neg3A_1587 = vector.broadcast %neg3A_1586 : f32 to vector<16xf32>
    %neg3A_1588 = arith.subf %neg3A_1587, %get3A_1585 : vector<16xf32>
    %exp3A_1589 = math.exp %neg3A_1588 : vector<16xf32>
    %add3A_1590 = arith.constant 1.000000e+00 : f32
    %add3A_1591 = vector.broadcast %add3A_1590 : f32 to vector<16xf32>
    %add3A_1592 = arith.addf %add3A_1591, %exp3A_1589 : vector<16xf32>
    %div3A_1593 = arith.constant 1.000000e+00 : f32
    %div3A_1594 = vector.broadcast %div3A_1593 : f32 to vector<16xf32>
    %div3A_1595 = arith.divf %div3A_1594, %add3A_1592 : vector<16xf32>
    %mul3A_1596 = arith.mulf %mul3A_1580, %div3A_1595 : vector<16xf32>
    %get3A_1597 = arith.constant 3 : i32
    %get3A_1598 = arith.index_cast %get3A_1597 : i32 to index
    %get3A_1599 = arith.constant 16 : index
    %get3A_1600 = tpu.vector_load %arg9[%get3A_1598, %get3A_1599] {strides = array<i32>} : memref<9x128xf32, #tpu.memory_space<vmem>>, vector<1x16xf32>,
    %get3A_1601 = vector.shape_cast %get3A_1600 : vector<1x16xf32> to vector<16xf32>
    %neg3A_1602 = arith.constant 0.000000e+00 : f32
    %neg3A_1603 = vector.broadcast %neg3A_1602 : f32 to vector<16xf32>
    %neg3A_1604 = arith.subf %neg3A_1603, %get3A_1601 : vector<16xf32>
    %exp3A_1605 = math.exp %neg3A_1604 : vector<16xf32>
    %add3A_1606 = arith.constant 1.000000e+00 : f32
    %add3A_1607 = vector.broadcast %add3A_1606 : f32 to vector<16xf32>
    %add3A_1608 = arith.addf %add3A_1607, %exp3A_1605 : vector<16xf32>
    %div3A_1609 = arith.constant 1.000000e+00 : f32
    %div3A_1610 = vector.broadcast %div3A_1609 : f32 to vector<16xf32>
    %div3A_1611 = arith.divf %div3A_1610, %add3A_1608 : vector<16xf32>
    %mul3A_1612 = arith.mulf %mul3A_1596, %div3A_1611 : vector<16xf32>
    %get3A_1613 = arith.constant 4 : i32
    %get3A_1614 = arith.index_cast %get3A_1613 : i32 to index
    %get3A_1615 = arith.constant 16 : index
    %get3A_1616 = tpu.vector_load %arg9[%get3A_1614, %get3A_1615] {strides = array<i32>} : memref<9x128xf32, #tpu.memory_space<vmem>>, vector<1x16xf32>,
    %get3A_1617 = vector.shape_cast %get3A_1616 : vector<1x16xf32> to vector<16xf32>
    %neg3A_1618 = arith.constant 0.000000e+00 : f32
    %neg3A_1619 = vector.broadcast %neg3A_1618 : f32 to vector<16xf32>
    %neg3A_1620 = arith.subf %neg3A_1619, %get3A_1617 : vector<16xf32>
    %exp3A_1621 = math.exp %neg3A_1620 : vector<16xf32>
    %add3A_1622 = arith.constant 1.000000e+00 : f32
    %add3A_1623 = vector.broadcast %add3A_1622 : f32 to vector<16xf32>
    %add3A_1624 = arith.addf %add3A_1623, %exp3A_1621 : vector<16xf32>
    %div3A_1625 = arith.constant 1.000000e+00 : f32
    %div3A_1626 = vector.broadcast %div3A_1625 : f32 to vector<16xf32>
    %div3A_1627 = arith.divf %div3A_1626, %add3A_1624 : vector<16xf32>
    %mul3A_1628 = arith.mulf %mul3A_1612, %div3A_1627 : vector<16xf32>
    %get3A_1629 = arith.constant 5 : i32
    %get3A_1630 = arith.index_cast %get3A_1629 : i32 to index
    %get3A_1631 = arith.constant 16 : index
    %get3A_1632 = tpu.vector_load %arg9[%get3A_1630, %get3A_1631] {strides = array<i32>} : memref<9x128xf32, #tpu.memory_space<vmem>>, vector<1x16xf32>,
    %get3A_1633 = vector.shape_cast %get3A_1632 : vector<1x16xf32> to vector<16xf32>
    %neg3A_1634 = arith.constant 0.000000e+00 : f32
    %neg3A_1635 = vector.broadcast %neg3A_1634 : f32 to vector<16xf32>
    %neg3A_1636 = arith.subf %neg3A_1635, %get3A_1633 : vector<16xf32>
    %exp3A_1637 = math.exp %neg3A_1636 : vector<16xf32>
    %add3A_1638 = arith.constant 1.000000e+00 : f32
    %add3A_1639 = vector.broadcast %add3A_1638 : f32 to vector<16xf32>
    %add3A_1640 = arith.addf %add3A_1639, %exp3A_1637 : vector<16xf32>
    %div3A_1641 = arith.constant 1.000000e+00 : f32
    %div3A_1642 = vector.broadcast %div3A_1641 : f32 to vector<16xf32>
    %div3A_1643 = arith.divf %div3A_1642, %add3A_1640 : vector<16xf32>
    %mul3A_1644 = arith.mulf %mul3A_1628, %div3A_1643 : vector<16xf32>
    %get3A_1645 = arith.constant 6 : i32
    %get3A_1646 = arith.index_cast %get3A_1645 : i32 to index
    %get3A_1647 = arith.constant 16 : index
    %get3A_1648 = tpu.vector_load %arg9[%get3A_1646, %get3A_1647] {strides = array<i32>} : memref<9x128xf32, #tpu.memory_space<vmem>>, vector<1x16xf32>,
    %get3A_1649 = vector.shape_cast %get3A_1648 : vector<1x16xf32> to vector<16xf32>
    %neg3A_1650 = arith.constant 0.000000e+00 : f32
    %neg3A_1651 = vector.broadcast %neg3A_1650 : f32 to vector<16xf32>
    %neg3A_1652 = arith.subf %neg3A_1651, %get3A_1649 : vector<16xf32>
    %exp3A_1653 = math.exp %neg3A_1652 : vector<16xf32>
    %add3A_1654 = arith.constant 1.000000e+00 : f32
    %add3A_1655 = vector.broadcast %add3A_1654 : f32 to vector<16xf32>
    %add3A_1656 = arith.addf %add3A_1655, %exp3A_1653 : vector<16xf32>
    %div3A_1657 = arith.constant 1.000000e+00 : f32
    %div3A_1658 = vector.broadcast %div3A_1657 : f32 to vector<16xf32>
    %div3A_1659 = arith.divf %div3A_1658, %add3A_1656 : vector<16xf32>
    %mul3A_1660 = arith.mulf %mul3A_1644, %div3A_1659 : vector<16xf32>
    %get3A_1661 = arith.constant 7 : i32
    %get3A_1662 = arith.index_cast %get3A_1661 : i32 to index
    %get3A_1663 = arith.constant 16 : index
    %get3A_1664 = tpu.vector_load %arg9[%get3A_1662, %get3A_1663] {strides = array<i32>} : memref<9x128xf32, #tpu.memory_space<vmem>>, vector<1x16xf32>,
    %get3A_1665 = vector.shape_cast %get3A_1664 : vector<1x16xf32> to vector<16xf32>
    %neg3A_1666 = arith.constant 0.000000e+00 : f32
    %neg3A_1667 = vector.broadcast %neg3A_1666 : f32 to vector<16xf32>
    %neg3A_1668 = arith.subf %neg3A_1667, %get3A_1665 : vector<16xf32>
    %exp3A_1669 = math.exp %neg3A_1668 : vector<16xf32>
    %add3A_1670 = arith.constant 1.000000e+00 : f32
    %add3A_1671 = vector.broadcast %add3A_1670 : f32 to vector<16xf32>
    %add3A_1672 = arith.addf %add3A_1671, %exp3A_1669 : vector<16xf32>
    %div3A_1673 = arith.constant 1.000000e+00 : f32
    %div3A_1674 = vector.broadcast %div3A_1673 : f32 to vector<16xf32>
    %div3A_1675 = arith.divf %div3A_1674, %add3A_1672 : vector<16xf32>
    %mul3A_1676 = arith.mulf %mul3A_1660, %div3A_1675 : vector<16xf32>
    %get3A_1677 = arith.constant 8 : i32
    %get3A_1678 = arith.index_cast %get3A_1677 : i32 to index
    %get3A_1679 = arith.constant 16 : index
    %get3A_1680 = tpu.vector_load %arg9[%get3A_1678, %get3A_1679] {strides = array<i32>} : memref<9x128xf32, #tpu.memory_space<vmem>>, vector<1x16xf32>,
    %get3A_1681 = vector.shape_cast %get3A_1680 : vector<1x16xf32> to vector<16xf32>
    %neg3A_1682 = arith.constant 0.000000e+00 : f32
    %neg3A_1683 = vector.broadcast %neg3A_1682 : f32 to vector<16xf32>
    %neg3A_1684 = arith.subf %neg3A_1683, %get3A_1681 : vector<16xf32>
    %exp3A_1685 = math.exp %neg3A_1684 : vector<16xf32>
    %add3A_1686 = arith.constant 1.000000e+00 : f32
    %add3A_1687 = vector.broadcast %add3A_1686 : f32 to vector<16xf32>
    %add3A_1688 = arith.addf %add3A_1687, %exp3A_1685 : vector<16xf32>
    %div3A_1689 = arith.constant 1.000000e+00 : f32
    %div3A_1690 = vector.broadcast %div3A_1689 : f32 to vector<16xf32>
    %div3A_1691 = arith.divf %div3A_1690, %add3A_1688 : vector<16xf32>
    %mul3A_1692 = arith.mulf %mul3A_1676, %div3A_1691 : vector<16xf32>
    %swap3A_1693 = arith.constant 16 : index
    %swap3A_1694 = tpu.vector_load %arg10[%swap3A_1693] {strides = array<i32>} : memref<128xf32, #tpu.memory_space<vmem>>, vector<16xf32>,
    %swap3A_1695 = vector.shape_cast %swap3A_1694 : vector<16xf32> to vector<16xf32>
    %swap3A_1696 = vector.shape_cast %mul3A_1692 : vector<16xf32> to vector<16xf32>
    tpu.vector_store %arg10[%swap3A_1693], %swap3A_1696 {strides = array<i32>} : memref<128xf32, #tpu.memory_space<vmem>>, vector<16xf32>,
    %broadcast_in_dim3A_1697 = arith.constant 1.000000e+00 : f32
    %broadcast_in_dim3A_1698 = vector.broadcast %broadcast_in_dim3A_1697 : f32 to vector<16xf32>
    %get3A_1699 = arith.constant 0 : i32
    %get3A_1700 = arith.index_cast %get3A_1699 : i32 to index
    %get3A_1701 = arith.constant 32 : index
    %get3A_1702 = tpu.vector_load %arg9[%get3A_1700, %get3A_1701] {strides = array<i32>} : memref<9x128xf32, #tpu.memory_space<vmem>>, vector<1x16xf32>,
    %get3A_1703 = vector.shape_cast %get3A_1702 : vector<1x16xf32> to vector<16xf32>
    %neg3A_1704 = arith.constant 0.000000e+00 : f32
    %neg3A_1705 = vector.broadcast %neg3A_1704 : f32 to vector<16xf32>
    %neg3A_1706 = arith.subf %neg3A_1705, %get3A_1703 : vector<16xf32>
    %exp3A_1707 = math.exp %neg3A_1706 : vector<16xf32>
    %add3A_1708 = arith.constant 1.000000e+00 : f32
    %add3A_1709 = vector.broadcast %add3A_1708 : f32 to vector<16xf32>
    %add3A_1710 = arith.addf %add3A_1709, %exp3A_1707 : vector<16xf32>
    %div3A_1711 = arith.constant 1.000000e+00 : f32
    %div3A_1712 = vector.broadcast %div3A_1711 : f32 to vector<16xf32>
    %div3A_1713 = arith.divf %div3A_1712, %add3A_1710 : vector<16xf32>
    %mul3A_1714 = arith.mulf %broadcast_in_dim3A_1698, %div3A_1713 : vector<16xf32>
    %get3A_1715 = arith.constant 1 : i32
    %get3A_1716 = arith.index_cast %get3A_1715 : i32 to index
    %get3A_1717 = arith.constant 32 : index
    %get3A_1718 = tpu.vector_load %arg9[%get3A_1716, %get3A_1717] {strides = array<i32>} : memref<9x128xf32, #tpu.memory_space<vmem>>, vector<1x16xf32>,
    %get3A_1719 = vector.shape_cast %get3A_1718 : vector<1x16xf32> to vector<16xf32>
    %neg3A_1720 = arith.constant 0.000000e+00 : f32
    %neg3A_1721 = vector.broadcast %neg3A_1720 : f32 to vector<16xf32>
    %neg3A_1722 = arith.subf %neg3A_1721, %get3A_1719 : vector<16xf32>
    %exp3A_1723 = math.exp %neg3A_1722 : vector<16xf32>
    %add3A_1724 = arith.constant 1.000000e+00 : f32
    %add3A_1725 = vector.broadcast %add3A_1724 : f32 to vector<16xf32>
    %add3A_1726 = arith.addf %add3A_1725, %exp3A_1723 : vector<16xf32>
    %div3A_1727 = arith.constant 1.000000e+00 : f32
    %div3A_1728 = vector.broadcast %div3A_1727 : f32 to vector<16xf32>
    %div3A_1729 = arith.divf %div3A_1728, %add3A_1726 : vector<16xf32>
    %mul3A_1730 = arith.mulf %mul3A_1714, %div3A_1729 : vector<16xf32>
    %get3A_1731 = arith.constant 2 : i32
    %get3A_1732 = arith.index_cast %get3A_1731 : i32 to index
    %get3A_1733 = arith.constant 32 : index
    %get3A_1734 = tpu.vector_load %arg9[%get3A_1732, %get3A_1733] {strides = array<i32>} : memref<9x128xf32, #tpu.memory_space<vmem>>, vector<1x16xf32>,
    %get3A_1735 = vector.shape_cast %get3A_1734 : vector<1x16xf32> to vector<16xf32>
    %neg3A_1736 = arith.constant 0.000000e+00 : f32
    %neg3A_1737 = vector.broadcast %neg3A_1736 : f32 to vector<16xf32>
    %neg3A_1738 = arith.subf %neg3A_1737, %get3A_1735 : vector<16xf32>
    %exp3A_1739 = math.exp %neg3A_1738 : vector<16xf32>
    %add3A_1740 = arith.constant 1.000000e+00 : f32
    %add3A_1741 = vector.broadcast %add3A_1740 : f32 to vector<16xf32>
    %add3A_1742 = arith.addf %add3A_1741, %exp3A_1739 : vector<16xf32>
    %div3A_1743 = arith.constant 1.000000e+00 : f32
    %div3A_1744 = vector.broadcast %div3A_1743 : f32 to vector<16xf32>
    %div3A_1745 = arith.divf %div3A_1744, %add3A_1742 : vector<16xf32>
    %mul3A_1746 = arith.mulf %mul3A_1730, %div3A_1745 : vector<16xf32>
    %get3A_1747 = arith.constant 3 : i32
    %get3A_1748 = arith.index_cast %get3A_1747 : i32 to index
    %get3A_1749 = arith.constant 32 : index
    %get3A_1750 = tpu.vector_load %arg9[%get3A_1748, %get3A_1749] {strides = array<i32>} : memref<9x128xf32, #tpu.memory_space<vmem>>, vector<1x16xf32>,
    %get3A_1751 = vector.shape_cast %get3A_1750 : vector<1x16xf32> to vector<16xf32>
    %neg3A_1752 = arith.constant 0.000000e+00 : f32
    %neg3A_1753 = vector.broadcast %neg3A_1752 : f32 to vector<16xf32>
    %neg3A_1754 = arith.subf %neg3A_1753, %get3A_1751 : vector<16xf32>
    %exp3A_1755 = math.exp %neg3A_1754 : vector<16xf32>
    %add3A_1756 = arith.constant 1.000000e+00 : f32
    %add3A_1757 = vector.broadcast %add3A_1756 : f32 to vector<16xf32>
    %add3A_1758 = arith.addf %add3A_1757, %exp3A_1755 : vector<16xf32>
    %div3A_1759 = arith.constant 1.000000e+00 : f32
    %div3A_1760 = vector.broadcast %div3A_1759 : f32 to vector<16xf32>
    %div3A_1761 = arith.divf %div3A_1760, %add3A_1758 : vector<16xf32>
    %mul3A_1762 = arith.mulf %mul3A_1746, %div3A_1761 : vector<16xf32>
    %get3A_1763 = arith.constant 4 : i32
    %get3A_1764 = arith.index_cast %get3A_1763 : i32 to index
    %get3A_1765 = arith.constant 32 : index
    %get3A_1766 = tpu.vector_load %arg9[%get3A_1764, %get3A_1765] {strides = array<i32>} : memref<9x128xf32, #tpu.memory_space<vmem>>, vector<1x16xf32>,
    %get3A_1767 = vector.shape_cast %get3A_1766 : vector<1x16xf32> to vector<16xf32>
    %neg3A_1768 = arith.constant 0.000000e+00 : f32
    %neg3A_1769 = vector.broadcast %neg3A_1768 : f32 to vector<16xf32>
    %neg3A_1770 = arith.subf %neg3A_1769, %get3A_1767 : vector<16xf32>
    %exp3A_1771 = math.exp %neg3A_1770 : vector<16xf32>
    %add3A_1772 = arith.constant 1.000000e+00 : f32
    %add3A_1773 = vector.broadcast %add3A_1772 : f32 to vector<16xf32>
    %add3A_1774 = arith.addf %add3A_1773, %exp3A_1771 : vector<16xf32>
    %div3A_1775 = arith.constant 1.000000e+00 : f32
    %div3A_1776 = vector.broadcast %div3A_1775 : f32 to vector<16xf32>
    %div3A_1777 = arith.divf %div3A_1776, %add3A_1774 : vector<16xf32>
    %mul3A_1778 = arith.mulf %mul3A_1762, %div3A_1777 : vector<16xf32>
    %get3A_1779 = arith.constant 5 : i32
    %get3A_1780 = arith.index_cast %get3A_1779 : i32 to index
    %get3A_1781 = arith.constant 32 : index
    %get3A_1782 = tpu.vector_load %arg9[%get3A_1780, %get3A_1781] {strides = array<i32>} : memref<9x128xf32, #tpu.memory_space<vmem>>, vector<1x16xf32>,
    %get3A_1783 = vector.shape_cast %get3A_1782 : vector<1x16xf32> to vector<16xf32>
    %neg3A_1784 = arith.constant 0.000000e+00 : f32
    %neg3A_1785 = vector.broadcast %neg3A_1784 : f32 to vector<16xf32>
    %neg3A_1786 = arith.subf %neg3A_1785, %get3A_1783 : vector<16xf32>
    %exp3A_1787 = math.exp %neg3A_1786 : vector<16xf32>
    %add3A_1788 = arith.constant 1.000000e+00 : f32
    %add3A_1789 = vector.broadcast %add3A_1788 : f32 to vector<16xf32>
    %add3A_1790 = arith.addf %add3A_1789, %exp3A_1787 : vector<16xf32>
    %div3A_1791 = arith.constant 1.000000e+00 : f32
    %div3A_1792 = vector.broadcast %div3A_1791 : f32 to vector<16xf32>
    %div3A_1793 = arith.divf %div3A_1792, %add3A_1790 : vector<16xf32>
    %mul3A_1794 = arith.mulf %mul3A_1778, %div3A_1793 : vector<16xf32>
    %get3A_1795 = arith.constant 6 : i32
    %get3A_1796 = arith.index_cast %get3A_1795 : i32 to index
    %get3A_1797 = arith.constant 32 : index
    %get3A_1798 = tpu.vector_load %arg9[%get3A_1796, %get3A_1797] {strides = array<i32>} : memref<9x128xf32, #tpu.memory_space<vmem>>, vector<1x16xf32>,
    %get3A_1799 = vector.shape_cast %get3A_1798 : vector<1x16xf32> to vector<16xf32>
    %neg3A_1800 = arith.constant 0.000000e+00 : f32
    %neg3A_1801 = vector.broadcast %neg3A_1800 : f32 to vector<16xf32>
    %neg3A_1802 = arith.subf %neg3A_1801, %get3A_1799 : vector<16xf32>
    %exp3A_1803 = math.exp %neg3A_1802 : vector<16xf32>
    %add3A_1804 = arith.constant 1.000000e+00 : f32
    %add3A_1805 = vector.broadcast %add3A_1804 : f32 to vector<16xf32>
    %add3A_1806 = arith.addf %add3A_1805, %exp3A_1803 : vector<16xf32>
    %div3A_1807 = arith.constant 1.000000e+00 : f32
    %div3A_1808 = vector.broadcast %div3A_1807 : f32 to vector<16xf32>
    %div3A_1809 = arith.divf %div3A_1808, %add3A_1806 : vector<16xf32>
    %mul3A_1810 = arith.mulf %mul3A_1794, %div3A_1809 : vector<16xf32>
    %get3A_1811 = arith.constant 7 : i32
    %get3A_1812 = arith.index_cast %get3A_1811 : i32 to index
    %get3A_1813 = arith.constant 32 : index
    %get3A_1814 = tpu.vector_load %arg9[%get3A_1812, %get3A_1813] {strides = array<i32>} : memref<9x128xf32, #tpu.memory_space<vmem>>, vector<1x16xf32>,
    %get3A_1815 = vector.shape_cast %get3A_1814 : vector<1x16xf32> to vector<16xf32>
    %neg3A_1816 = arith.constant 0.000000e+00 : f32
    %neg3A_1817 = vector.broadcast %neg3A_1816 : f32 to vector<16xf32>
    %neg3A_1818 = arith.subf %neg3A_1817, %get3A_1815 : vector<16xf32>
    %exp3A_1819 = math.exp %neg3A_1818 : vector<16xf32>
    %add3A_1820 = arith.constant 1.000000e+00 : f32
    %add3A_1821 = vector.broadcast %add3A_1820 : f32 to vector<16xf32>
    %add3A_1822 = arith.addf %add3A_1821, %exp3A_1819 : vector<16xf32>
    %div3A_1823 = arith.constant 1.000000e+00 : f32
    %div3A_1824 = vector.broadcast %div3A_1823 : f32 to vector<16xf32>
    %div3A_1825 = arith.divf %div3A_1824, %add3A_1822 : vector<16xf32>
    %mul3A_1826 = arith.mulf %mul3A_1810, %div3A_1825 : vector<16xf32>
    %get3A_1827 = arith.constant 8 : i32
    %get3A_1828 = arith.index_cast %get3A_1827 : i32 to index
    %get3A_1829 = arith.constant 32 : index
    %get3A_1830 = tpu.vector_load %arg9[%get3A_1828, %get3A_1829] {strides = array<i32>} : memref<9x128xf32, #tpu.memory_space<vmem>>, vector<1x16xf32>,
    %get3A_1831 = vector.shape_cast %get3A_1830 : vector<1x16xf32> to vector<16xf32>
    %neg3A_1832 = arith.constant 0.000000e+00 : f32
    %neg3A_1833 = vector.broadcast %neg3A_1832 : f32 to vector<16xf32>
    %neg3A_1834 = arith.subf %neg3A_1833, %get3A_1831 : vector<16xf32>
    %exp3A_1835 = math.exp %neg3A_1834 : vector<16xf32>
    %add3A_1836 = arith.constant 1.000000e+00 : f32
    %add3A_1837 = vector.broadcast %add3A_1836 : f32 to vector<16xf32>
    %add3A_1838 = arith.addf %add3A_1837, %exp3A_1835 : vector<16xf32>
    %div3A_1839 = arith.constant 1.000000e+00 : f32
    %div3A_1840 = vector.broadcast %div3A_1839 : f32 to vector<16xf32>
    %div3A_1841 = arith.divf %div3A_1840, %add3A_1838 : vector<16xf32>
    %mul3A_1842 = arith.mulf %mul3A_1826, %div3A_1841 : vector<16xf32>
    %swap3A_1843 = arith.constant 32 : index
    %swap3A_1844 = tpu.vector_load %arg10[%swap3A_1843] {strides = array<i32>} : memref<128xf32, #tpu.memory_space<vmem>>, vector<16xf32>,
    %swap3A_1845 = vector.shape_cast %swap3A_1844 : vector<16xf32> to vector<16xf32>
    %swap3A_1846 = vector.shape_cast %mul3A_1842 : vector<16xf32> to vector<16xf32>
    tpu.vector_store %arg10[%swap3A_1843], %swap3A_1846 {strides = array<i32>} : memref<128xf32, #tpu.memory_space<vmem>>, vector<16xf32>,
    %broadcast_in_dim3A_1847 = arith.constant 1.000000e+00 : f32
    %broadcast_in_dim3A_1848 = vector.broadcast %broadcast_in_dim3A_1847 : f32 to vector<16xf32>
    %get3A_1849 = arith.constant 0 : i32
    %get3A_1850 = arith.index_cast %get3A_1849 : i32 to index
    %get3A_1851 = arith.constant 48 : index
    %get3A_1852 = tpu.vector_load %arg9[%get3A_1850, %get3A_1851] {strides = array<i32>} : memref<9x128xf32, #tpu.memory_space<vmem>>, vector<1x16xf32>,
    %get3A_1853 = vector.shape_cast %get3A_1852 : vector<1x16xf32> to vector<16xf32>
    %neg3A_1854 = arith.constant 0.000000e+00 : f32
    %neg3A_1855 = vector.broadcast %neg3A_1854 : f32 to vector<16xf32>
    %neg3A_1856 = arith.subf %neg3A_1855, %get3A_1853 : vector<16xf32>
    %exp3A_1857 = math.exp %neg3A_1856 : vector<16xf32>
    %add3A_1858 = arith.constant 1.000000e+00 : f32
    %add3A_1859 = vector.broadcast %add3A_1858 : f32 to vector<16xf32>
    %add3A_1860 = arith.addf %add3A_1859, %exp3A_1857 : vector<16xf32>
    %div3A_1861 = arith.constant 1.000000e+00 : f32
    %div3A_1862 = vector.broadcast %div3A_1861 : f32 to vector<16xf32>
    %div3A_1863 = arith.divf %div3A_1862, %add3A_1860 : vector<16xf32>
    %mul3A_1864 = arith.mulf %broadcast_in_dim3A_1848, %div3A_1863 : vector<16xf32>
    %get3A_1865 = arith.constant 1 : i32
    %get3A_1866 = arith.index_cast %get3A_1865 : i32 to index
    %get3A_1867 = arith.constant 48 : index
    %get3A_1868 = tpu.vector_load %arg9[%get3A_1866, %get3A_1867] {strides = array<i32>} : memref<9x128xf32, #tpu.memory_space<vmem>>, vector<1x16xf32>,
    %get3A_1869 = vector.shape_cast %get3A_1868 : vector<1x16xf32> to vector<16xf32>
    %neg3A_1870 = arith.constant 0.000000e+00 : f32
    %neg3A_1871 = vector.broadcast %neg3A_1870 : f32 to vector<16xf32>
    %neg3A_1872 = arith.subf %neg3A_1871, %get3A_1869 : vector<16xf32>
    %exp3A_1873 = math.exp %neg3A_1872 : vector<16xf32>
    %add3A_1874 = arith.constant 1.000000e+00 : f32
    %add3A_1875 = vector.broadcast %add3A_1874 : f32 to vector<16xf32>
    %add3A_1876 = arith.addf %add3A_1875, %exp3A_1873 : vector<16xf32>
    %div3A_1877 = arith.constant 1.000000e+00 : f32
    %div3A_1878 = vector.broadcast %div3A_1877 : f32 to vector<16xf32>
    %div3A_1879 = arith.divf %div3A_1878, %add3A_1876 : vector<16xf32>
    %mul3A_1880 = arith.mulf %mul3A_1864, %div3A_1879 : vector<16xf32>
    %get3A_1881 = arith.constant 2 : i32
    %get3A_1882 = arith.index_cast %get3A_1881 : i32 to index
    %get3A_1883 = arith.constant 48 : index
    %get3A_1884 = tpu.vector_load %arg9[%get3A_1882, %get3A_1883] {strides = array<i32>} : memref<9x128xf32, #tpu.memory_space<vmem>>, vector<1x16xf32>,
    %get3A_1885 = vector.shape_cast %get3A_1884 : vector<1x16xf32> to vector<16xf32>
    %neg3A_1886 = arith.constant 0.000000e+00 : f32
    %neg3A_1887 = vector.broadcast %neg3A_1886 : f32 to vector<16xf32>
    %neg3A_1888 = arith.subf %neg3A_1887, %get3A_1885 : vector<16xf32>
    %exp3A_1889 = math.exp %neg3A_1888 : vector<16xf32>
    %add3A_1890 = arith.constant 1.000000e+00 : f32
    %add3A_1891 = vector.broadcast %add3A_1890 : f32 to vector<16xf32>
    %add3A_1892 = arith.addf %add3A_1891, %exp3A_1889 : vector<16xf32>
    %div3A_1893 = arith.constant 1.000000e+00 : f32
    %div3A_1894 = vector.broadcast %div3A_1893 : f32 to vector<16xf32>
    %div3A_1895 = arith.divf %div3A_1894, %add3A_1892 : vector<16xf32>
    %mul3A_1896 = arith.mulf %mul3A_1880, %div3A_1895 : vector<16xf32>
    %get3A_1897 = arith.constant 3 : i32
    %get3A_1898 = arith.index_cast %get3A_1897 : i32 to index
    %get3A_1899 = arith.constant 48 : index
    %get3A_1900 = tpu.vector_load %arg9[%get3A_1898, %get3A_1899] {strides = array<i32>} : memref<9x128xf32, #tpu.memory_space<vmem>>, vector<1x16xf32>,
    %get3A_1901 = vector.shape_cast %get3A_1900 : vector<1x16xf32> to vector<16xf32>
    %neg3A_1902 = arith.constant 0.000000e+00 : f32
    %neg3A_1903 = vector.broadcast %neg3A_1902 : f32 to vector<16xf32>
    %neg3A_1904 = arith.subf %neg3A_1903, %get3A_1901 : vector<16xf32>
    %exp3A_1905 = math.exp %neg3A_1904 : vector<16xf32>
    %add3A_1906 = arith.constant 1.000000e+00 : f32
    %add3A_1907 = vector.broadcast %add3A_1906 : f32 to vector<16xf32>
    %add3A_1908 = arith.addf %add3A_1907, %exp3A_1905 : vector<16xf32>
    %div3A_1909 = arith.constant 1.000000e+00 : f32
    %div3A_1910 = vector.broadcast %div3A_1909 : f32 to vector<16xf32>
    %div3A_1911 = arith.divf %div3A_1910, %add3A_1908 : vector<16xf32>
    %mul3A_1912 = arith.mulf %mul3A_1896, %div3A_1911 : vector<16xf32>
    %get3A_1913 = arith.constant 4 : i32
    %get3A_1914 = arith.index_cast %get3A_1913 : i32 to index
    %get3A_1915 = arith.constant 48 : index
    %get3A_1916 = tpu.vector_load %arg9[%get3A_1914, %get3A_1915] {strides = array<i32>} : memref<9x128xf32, #tpu.memory_space<vmem>>, vector<1x16xf32>,
    %get3A_1917 = vector.shape_cast %get3A_1916 : vector<1x16xf32> to vector<16xf32>
    %neg3A_1918 = arith.constant 0.000000e+00 : f32
    %neg3A_1919 = vector.broadcast %neg3A_1918 : f32 to vector<16xf32>
    %neg3A_1920 = arith.subf %neg3A_1919, %get3A_1917 : vector<16xf32>
    %exp3A_1921 = math.exp %neg3A_1920 : vector<16xf32>
    %add3A_1922 = arith.constant 1.000000e+00 : f32
    %add3A_1923 = vector.broadcast %add3A_1922 : f32 to vector<16xf32>
    %add3A_1924 = arith.addf %add3A_1923, %exp3A_1921 : vector<16xf32>
    %div3A_1925 = arith.constant 1.000000e+00 : f32
    %div3A_1926 = vector.broadcast %div3A_1925 : f32 to vector<16xf32>
    %div3A_1927 = arith.divf %div3A_1926, %add3A_1924 : vector<16xf32>
    %mul3A_1928 = arith.mulf %mul3A_1912, %div3A_1927 : vector<16xf32>
    %get3A_1929 = arith.constant 5 : i32
    %get3A_1930 = arith.index_cast %get3A_1929 : i32 to index
    %get3A_1931 = arith.constant 48 : index
    %get3A_1932 = tpu.vector_load %arg9[%get3A_1930, %get3A_1931] {strides = array<i32>} : memref<9x128xf32, #tpu.memory_space<vmem>>, vector<1x16xf32>,
    %get3A_1933 = vector.shape_cast %get3A_1932 : vector<1x16xf32> to vector<16xf32>
    %neg3A_1934 = arith.constant 0.000000e+00 : f32
    %neg3A_1935 = vector.broadcast %neg3A_1934 : f32 to vector<16xf32>
    %neg3A_1936 = arith.subf %neg3A_1935, %get3A_1933 : vector<16xf32>
    %exp3A_1937 = math.exp %neg3A_1936 : vector<16xf32>
    %add3A_1938 = arith.constant 1.000000e+00 : f32
    %add3A_1939 = vector.broadcast %add3A_1938 : f32 to vector<16xf32>
    %add3A_1940 = arith.addf %add3A_1939, %exp3A_1937 : vector<16xf32>
    %div3A_1941 = arith.constant 1.000000e+00 : f32
    %div3A_1942 = vector.broadcast %div3A_1941 : f32 to vector<16xf32>
    %div3A_1943 = arith.divf %div3A_1942, %add3A_1940 : vector<16xf32>
    %mul3A_1944 = arith.mulf %mul3A_1928, %div3A_1943 : vector<16xf32>
    %get3A_1945 = arith.constant 6 : i32
    %get3A_1946 = arith.index_cast %get3A_1945 : i32 to index
    %get3A_1947 = arith.constant 48 : index
    %get3A_1948 = tpu.vector_load %arg9[%get3A_1946, %get3A_1947] {strides = array<i32>} : memref<9x128xf32, #tpu.memory_space<vmem>>, vector<1x16xf32>,
    %get3A_1949 = vector.shape_cast %get3A_1948 : vector<1x16xf32> to vector<16xf32>
    %neg3A_1950 = arith.constant 0.000000e+00 : f32
    %neg3A_1951 = vector.broadcast %neg3A_1950 : f32 to vector<16xf32>
    %neg3A_1952 = arith.subf %neg3A_1951, %get3A_1949 : vector<16xf32>
    %exp3A_1953 = math.exp %neg3A_1952 : vector<16xf32>
    %add3A_1954 = arith.constant 1.000000e+00 : f32
    %add3A_1955 = vector.broadcast %add3A_1954 : f32 to vector<16xf32>
    %add3A_1956 = arith.addf %add3A_1955, %exp3A_1953 : vector<16xf32>
    %div3A_1957 = arith.constant 1.000000e+00 : f32
    %div3A_1958 = vector.broadcast %div3A_1957 : f32 to vector<16xf32>
    %div3A_1959 = arith.divf %div3A_1958, %add3A_1956 : vector<16xf32>
    %mul3A_1960 = arith.mulf %mul3A_1944, %div3A_1959 : vector<16xf32>
    %get3A_1961 = arith.constant 7 : i32
    %get3A_1962 = arith.index_cast %get3A_1961 : i32 to index
    %get3A_1963 = arith.constant 48 : index
    %get3A_1964 = tpu.vector_load %arg9[%get3A_1962, %get3A_1963] {strides = array<i32>} : memref<9x128xf32, #tpu.memory_space<vmem>>, vector<1x16xf32>,
    %get3A_1965 = vector.shape_cast %get3A_1964 : vector<1x16xf32> to vector<16xf32>
    %neg3A_1966 = arith.constant 0.000000e+00 : f32
    %neg3A_1967 = vector.broadcast %neg3A_1966 : f32 to vector<16xf32>
    %neg3A_1968 = arith.subf %neg3A_1967, %get3A_1965 : vector<16xf32>
    %exp3A_1969 = math.exp %neg3A_1968 : vector<16xf32>
    %add3A_1970 = arith.constant 1.000000e+00 : f32
    %add3A_1971 = vector.broadcast %add3A_1970 : f32 to vector<16xf32>
    %add3A_1972 = arith.addf %add3A_1971, %exp3A_1969 : vector<16xf32>
    %div3A_1973 = arith.constant 1.000000e+00 : f32
    %div3A_1974 = vector.broadcast %div3A_1973 : f32 to vector<16xf32>
    %div3A_1975 = arith.divf %div3A_1974, %add3A_1972 : vector<16xf32>
    %mul3A_1976 = arith.mulf %mul3A_1960, %div3A_1975 : vector<16xf32>
    %get3A_1977 = arith.constant 8 : i32
    %get3A_1978 = arith.index_cast %get3A_1977 : i32 to index
    %get3A_1979 = arith.constant 48 : index
    %get3A_1980 = tpu.vector_load %arg9[%get3A_1978, %get3A_1979] {strides = array<i32>} : memref<9x128xf32, #tpu.memory_space<vmem>>, vector<1x16xf32>,
    %get3A_1981 = vector.shape_cast %get3A_1980 : vector<1x16xf32> to vector<16xf32>
    %neg3A_1982 = arith.constant 0.000000e+00 : f32
    %neg3A_1983 = vector.broadcast %neg3A_1982 : f32 to vector<16xf32>
    %neg3A_1984 = arith.subf %neg3A_1983, %get3A_1981 : vector<16xf32>
    %exp3A_1985 = math.exp %neg3A_1984 : vector<16xf32>
    %add3A_1986 = arith.constant 1.000000e+00 : f32
    %add3A_1987 = vector.broadcast %add3A_1986 : f32 to vector<16xf32>
    %add3A_1988 = arith.addf %add3A_1987, %exp3A_1985 : vector<16xf32>
    %div3A_1989 = arith.constant 1.000000e+00 : f32
    %div3A_1990 = vector.broadcast %div3A_1989 : f32 to vector<16xf32>
    %div3A_1991 = arith.divf %div3A_1990, %add3A_1988 : vector<16xf32>
    %mul3A_1992 = arith.mulf %mul3A_1976, %div3A_1991 : vector<16xf32>
    %swap3A_1993 = arith.constant 48 : index
    %swap3A_1994 = tpu.vector_load %arg10[%swap3A_1993] {strides = array<i32>} : memref<128xf32, #tpu.memory_space<vmem>>, vector<16xf32>,
    %swap3A_1995 = vector.shape_cast %swap3A_1994 : vector<16xf32> to vector<16xf32>
    %swap3A_1996 = vector.shape_cast %mul3A_1992 : vector<16xf32> to vector<16xf32>
    tpu.vector_store %arg10[%swap3A_1993], %swap3A_1996 {strides = array<i32>} : memref<128xf32, #tpu.memory_space<vmem>>, vector<16xf32>,
    %broadcast_in_dim3A_1997 = arith.constant 1.000000e+00 : f32
    %broadcast_in_dim3A_1998 = vector.broadcast %broadcast_in_dim3A_1997 : f32 to vector<16xf32>
    %get3A_1999 = arith.constant 0 : i32
    %get3A_2000 = arith.index_cast %get3A_1999 : i32 to index
    %get3A_2001 = arith.constant 64 : index
    %get3A_2002 = tpu.vector_load %arg9[%get3A_2000, %get3A_2001] {strides = array<i32>} : memref<9x128xf32, #tpu.memory_space<vmem>>, vector<1x16xf32>,
    %get3A_2003 = vector.shape_cast %get3A_2002 : vector<1x16xf32> to vector<16xf32>
    %neg3A_2004 = arith.constant 0.000000e+00 : f32
    %neg3A_2005 = vector.broadcast %neg3A_2004 : f32 to vector<16xf32>
    %neg3A_2006 = arith.subf %neg3A_2005, %get3A_2003 : vector<16xf32>
    %exp3A_2007 = math.exp %neg3A_2006 : vector<16xf32>
    %add3A_2008 = arith.constant 1.000000e+00 : f32
    %add3A_2009 = vector.broadcast %add3A_2008 : f32 to vector<16xf32>
    %add3A_2010 = arith.addf %add3A_2009, %exp3A_2007 : vector<16xf32>
    %div3A_2011 = arith.constant 1.000000e+00 : f32
    %div3A_2012 = vector.broadcast %div3A_2011 : f32 to vector<16xf32>
    %div3A_2013 = arith.divf %div3A_2012, %add3A_2010 : vector<16xf32>
    %mul3A_2014 = arith.mulf %broadcast_in_dim3A_1998, %div3A_2013 : vector<16xf32>
    %get3A_2015 = arith.constant 1 : i32
    %get3A_2016 = arith.index_cast %get3A_2015 : i32 to index
    %get3A_2017 = arith.constant 64 : index
    %get3A_2018 = tpu.vector_load %arg9[%get3A_2016, %get3A_2017] {strides = array<i32>} : memref<9x128xf32, #tpu.memory_space<vmem>>, vector<1x16xf32>,
    %get3A_2019 = vector.shape_cast %get3A_2018 : vector<1x16xf32> to vector<16xf32>
    %neg3A_2020 = arith.constant 0.000000e+00 : f32
    %neg3A_2021 = vector.broadcast %neg3A_2020 : f32 to vector<16xf32>
    %neg3A_2022 = arith.subf %neg3A_2021, %get3A_2019 : vector<16xf32>
    %exp3A_2023 = math.exp %neg3A_2022 : vector<16xf32>
    %add3A_2024 = arith.constant 1.000000e+00 : f32
    %add3A_2025 = vector.broadcast %add3A_2024 : f32 to vector<16xf32>
    %add3A_2026 = arith.addf %add3A_2025, %exp3A_2023 : vector<16xf32>
    %div3A_2027 = arith.constant 1.000000e+00 : f32
    %div3A_2028 = vector.broadcast %div3A_2027 : f32 to vector<16xf32>
    %div3A_2029 = arith.divf %div3A_2028, %add3A_2026 : vector<16xf32>
    %mul3A_2030 = arith.mulf %mul3A_2014, %div3A_2029 : vector<16xf32>
    %get3A_2031 = arith.constant 2 : i32
    %get3A_2032 = arith.index_cast %get3A_2031 : i32 to index
    %get3A_2033 = arith.constant 64 : index
    %get3A_2034 = tpu.vector_load %arg9[%get3A_2032, %get3A_2033] {strides = array<i32>} : memref<9x128xf32, #tpu.memory_space<vmem>>, vector<1x16xf32>,
    %get3A_2035 = vector.shape_cast %get3A_2034 : vector<1x16xf32> to vector<16xf32>
    %neg3A_2036 = arith.constant 0.000000e+00 : f32
    %neg3A_2037 = vector.broadcast %neg3A_2036 : f32 to vector<16xf32>
    %neg3A_2038 = arith.subf %neg3A_2037, %get3A_2035 : vector<16xf32>
    %exp3A_2039 = math.exp %neg3A_2038 : vector<16xf32>
    %add3A_2040 = arith.constant 1.000000e+00 : f32
    %add3A_2041 = vector.broadcast %add3A_2040 : f32 to vector<16xf32>
    %add3A_2042 = arith.addf %add3A_2041, %exp3A_2039 : vector<16xf32>
    %div3A_2043 = arith.constant 1.000000e+00 : f32
    %div3A_2044 = vector.broadcast %div3A_2043 : f32 to vector<16xf32>
    %div3A_2045 = arith.divf %div3A_2044, %add3A_2042 : vector<16xf32>
    %mul3A_2046 = arith.mulf %mul3A_2030, %div3A_2045 : vector<16xf32>
    %get3A_2047 = arith.constant 3 : i32
    %get3A_2048 = arith.index_cast %get3A_2047 : i32 to index
    %get3A_2049 = arith.constant 64 : index
    %get3A_2050 = tpu.vector_load %arg9[%get3A_2048, %get3A_2049] {strides = array<i32>} : memref<9x128xf32, #tpu.memory_space<vmem>>, vector<1x16xf32>,
    %get3A_2051 = vector.shape_cast %get3A_2050 : vector<1x16xf32> to vector<16xf32>
    %neg3A_2052 = arith.constant 0.000000e+00 : f32
    %neg3A_2053 = vector.broadcast %neg3A_2052 : f32 to vector<16xf32>
    %neg3A_2054 = arith.subf %neg3A_2053, %get3A_2051 : vector<16xf32>
    %exp3A_2055 = math.exp %neg3A_2054 : vector<16xf32>
    %add3A_2056 = arith.constant 1.000000e+00 : f32
    %add3A_2057 = vector.broadcast %add3A_2056 : f32 to vector<16xf32>
    %add3A_2058 = arith.addf %add3A_2057, %exp3A_2055 : vector<16xf32>
    %div3A_2059 = arith.constant 1.000000e+00 : f32
    %div3A_2060 = vector.broadcast %div3A_2059 : f32 to vector<16xf32>
    %div3A_2061 = arith.divf %div3A_2060, %add3A_2058 : vector<16xf32>
    %mul3A_2062 = arith.mulf %mul3A_2046, %div3A_2061 : vector<16xf32>
    %get3A_2063 = arith.constant 4 : i32
    %get3A_2064 = arith.index_cast %get3A_2063 : i32 to index
    %get3A_2065 = arith.constant 64 : index
    %get3A_2066 = tpu.vector_load %arg9[%get3A_2064, %get3A_2065] {strides = array<i32>} : memref<9x128xf32, #tpu.memory_space<vmem>>, vector<1x16xf32>,
    %get3A_2067 = vector.shape_cast %get3A_2066 : vector<1x16xf32> to vector<16xf32>
    %neg3A_2068 = arith.constant 0.000000e+00 : f32
    %neg3A_2069 = vector.broadcast %neg3A_2068 : f32 to vector<16xf32>
    %neg3A_2070 = arith.subf %neg3A_2069, %get3A_2067 : vector<16xf32>
    %exp3A_2071 = math.exp %neg3A_2070 : vector<16xf32>
    %add3A_2072 = arith.constant 1.000000e+00 : f32
    %add3A_2073 = vector.broadcast %add3A_2072 : f32 to vector<16xf32>
    %add3A_2074 = arith.addf %add3A_2073, %exp3A_2071 : vector<16xf32>
    %div3A_2075 = arith.constant 1.000000e+00 : f32
    %div3A_2076 = vector.broadcast %div3A_2075 : f32 to vector<16xf32>
    %div3A_2077 = arith.divf %div3A_2076, %add3A_2074 : vector<16xf32>
    %mul3A_2078 = arith.mulf %mul3A_2062, %div3A_2077 : vector<16xf32>
    %get3A_2079 = arith.constant 5 : i32
    %get3A_2080 = arith.index_cast %get3A_2079 : i32 to index
    %get3A_2081 = arith.constant 64 : index
    %get3A_2082 = tpu.vector_load %arg9[%get3A_2080, %get3A_2081] {strides = array<i32>} : memref<9x128xf32, #tpu.memory_space<vmem>>, vector<1x16xf32>,
    %get3A_2083 = vector.shape_cast %get3A_2082 : vector<1x16xf32> to vector<16xf32>
    %neg3A_2084 = arith.constant 0.000000e+00 : f32
    %neg3A_2085 = vector.broadcast %neg3A_2084 : f32 to vector<16xf32>
    %neg3A_2086 = arith.subf %neg3A_2085, %get3A_2083 : vector<16xf32>
    %exp3A_2087 = math.exp %neg3A_2086 : vector<16xf32>
    %add3A_2088 = arith.constant 1.000000e+00 : f32
    %add3A_2089 = vector.broadcast %add3A_2088 : f32 to vector<16xf32>
    %add3A_2090 = arith.addf %add3A_2089, %exp3A_2087 : vector<16xf32>
    %div3A_2091 = arith.constant 1.000000e+00 : f32
    %div3A_2092 = vector.broadcast %div3A_2091 : f32 to vector<16xf32>
    %div3A_2093 = arith.divf %div3A_2092, %add3A_2090 : vector<16xf32>
    %mul3A_2094 = arith.mulf %mul3A_2078, %div3A_2093 : vector<16xf32>
    %get3A_2095 = arith.constant 6 : i32
    %get3A_2096 = arith.index_cast %get3A_2095 : i32 to index
    %get3A_2097 = arith.constant 64 : index
    %get3A_2098 = tpu.vector_load %arg9[%get3A_2096, %get3A_2097] {strides = array<i32>} : memref<9x128xf32, #tpu.memory_space<vmem>>, vector<1x16xf32>,
    %get3A_2099 = vector.shape_cast %get3A_2098 : vector<1x16xf32> to vector<16xf32>
    %neg3A_2100 = arith.constant 0.000000e+00 : f32
    %neg3A_2101 = vector.broadcast %neg3A_2100 : f32 to vector<16xf32>
    %neg3A_2102 = arith.subf %neg3A_2101, %get3A_2099 : vector<16xf32>
    %exp3A_2103 = math.exp %neg3A_2102 : vector<16xf32>
    %add3A_2104 = arith.constant 1.000000e+00 : f32
    %add3A_2105 = vector.broadcast %add3A_2104 : f32 to vector<16xf32>
    %add3A_2106 = arith.addf %add3A_2105, %exp3A_2103 : vector<16xf32>
    %div3A_2107 = arith.constant 1.000000e+00 : f32
    %div3A_2108 = vector.broadcast %div3A_2107 : f32 to vector<16xf32>
    %div3A_2109 = arith.divf %div3A_2108, %add3A_2106 : vector<16xf32>
    %mul3A_2110 = arith.mulf %mul3A_2094, %div3A_2109 : vector<16xf32>
    %get3A_2111 = arith.constant 7 : i32
    %get3A_2112 = arith.index_cast %get3A_2111 : i32 to index
    %get3A_2113 = arith.constant 64 : index
    %get3A_2114 = tpu.vector_load %arg9[%get3A_2112, %get3A_2113] {strides = array<i32>} : memref<9x128xf32, #tpu.memory_space<vmem>>, vector<1x16xf32>,
    %get3A_2115 = vector.shape_cast %get3A_2114 : vector<1x16xf32> to vector<16xf32>
    %neg3A_2116 = arith.constant 0.000000e+00 : f32
    %neg3A_2117 = vector.broadcast %neg3A_2116 : f32 to vector<16xf32>
    %neg3A_2118 = arith.subf %neg3A_2117, %get3A_2115 : vector<16xf32>
    %exp3A_2119 = math.exp %neg3A_2118 : vector<16xf32>
    %add3A_2120 = arith.constant 1.000000e+00 : f32
    %add3A_2121 = vector.broadcast %add3A_2120 : f32 to vector<16xf32>
    %add3A_2122 = arith.addf %add3A_2121, %exp3A_2119 : vector<16xf32>
    %div3A_2123 = arith.constant 1.000000e+00 : f32
    %div3A_2124 = vector.broadcast %div3A_2123 : f32 to vector<16xf32>
    %div3A_2125 = arith.divf %div3A_2124, %add3A_2122 : vector<16xf32>
    %mul3A_2126 = arith.mulf %mul3A_2110, %div3A_2125 : vector<16xf32>
    %get3A_2127 = arith.constant 8 : i32
    %get3A_2128 = arith.index_cast %get3A_2127 : i32 to index
    %get3A_2129 = arith.constant 64 : index
    %get3A_2130 = tpu.vector_load %arg9[%get3A_2128, %get3A_2129] {strides = array<i32>} : memref<9x128xf32, #tpu.memory_space<vmem>>, vector<1x16xf32>,
    %get3A_2131 = vector.shape_cast %get3A_2130 : vector<1x16xf32> to vector<16xf32>
    %neg3A_2132 = arith.constant 0.000000e+00 : f32
    %neg3A_2133 = vector.broadcast %neg3A_2132 : f32 to vector<16xf32>
    %neg3A_2134 = arith.subf %neg3A_2133, %get3A_2131 : vector<16xf32>
    %exp3A_2135 = math.exp %neg3A_2134 : vector<16xf32>
    %add3A_2136 = arith.constant 1.000000e+00 : f32
    %add3A_2137 = vector.broadcast %add3A_2136 : f32 to vector<16xf32>
    %add3A_2138 = arith.addf %add3A_2137, %exp3A_2135 : vector<16xf32>
    %div3A_2139 = arith.constant 1.000000e+00 : f32
    %div3A_2140 = vector.broadcast %div3A_2139 : f32 to vector<16xf32>
    %div3A_2141 = arith.divf %div3A_2140, %add3A_2138 : vector<16xf32>
    %mul3A_2142 = arith.mulf %mul3A_2126, %div3A_2141 : vector<16xf32>
    %swap3A_2143 = arith.constant 64 : index
    %swap3A_2144 = tpu.vector_load %arg10[%swap3A_2143] {strides = array<i32>} : memref<128xf32, #tpu.memory_space<vmem>>, vector<16xf32>,
    %swap3A_2145 = vector.shape_cast %swap3A_2144 : vector<16xf32> to vector<16xf32>
    %swap3A_2146 = vector.shape_cast %mul3A_2142 : vector<16xf32> to vector<16xf32>
    tpu.vector_store %arg10[%swap3A_2143], %swap3A_2146 {strides = array<i32>} : memref<128xf32, #tpu.memory_space<vmem>>, vector<16xf32>,
    %broadcast_in_dim3A_2147 = arith.constant 1.000000e+00 : f32
    %broadcast_in_dim3A_2148 = vector.broadcast %broadcast_in_dim3A_2147 : f32 to vector<16xf32>
    %get3A_2149 = arith.constant 0 : i32
    %get3A_2150 = arith.index_cast %get3A_2149 : i32 to index
    %get3A_2151 = arith.constant 80 : index
    %get3A_2152 = tpu.vector_load %arg9[%get3A_2150, %get3A_2151] {strides = array<i32>} : memref<9x128xf32, #tpu.memory_space<vmem>>, vector<1x16xf32>,
    %get3A_2153 = vector.shape_cast %get3A_2152 : vector<1x16xf32> to vector<16xf32>
    %neg3A_2154 = arith.constant 0.000000e+00 : f32
    %neg3A_2155 = vector.broadcast %neg3A_2154 : f32 to vector<16xf32>
    %neg3A_2156 = arith.subf %neg3A_2155, %get3A_2153 : vector<16xf32>
    %exp3A_2157 = math.exp %neg3A_2156 : vector<16xf32>
    %add3A_2158 = arith.constant 1.000000e+00 : f32
    %add3A_2159 = vector.broadcast %add3A_2158 : f32 to vector<16xf32>
    %add3A_2160 = arith.addf %add3A_2159, %exp3A_2157 : vector<16xf32>
    %div3A_2161 = arith.constant 1.000000e+00 : f32
    %div3A_2162 = vector.broadcast %div3A_2161 : f32 to vector<16xf32>
    %div3A_2163 = arith.divf %div3A_2162, %add3A_2160 : vector<16xf32>
    %mul3A_2164 = arith.mulf %broadcast_in_dim3A_2148, %div3A_2163 : vector<16xf32>
    %get3A_2165 = arith.constant 1 : i32
    %get3A_2166 = arith.index_cast %get3A_2165 : i32 to index
    %get3A_2167 = arith.constant 80 : index
    %get3A_2168 = tpu.vector_load %arg9[%get3A_2166, %get3A_2167] {strides = array<i32>} : memref<9x128xf32, #tpu.memory_space<vmem>>, vector<1x16xf32>,
    %get3A_2169 = vector.shape_cast %get3A_2168 : vector<1x16xf32> to vector<16xf32>
    %neg3A_2170 = arith.constant 0.000000e+00 : f32
    %neg3A_2171 = vector.broadcast %neg3A_2170 : f32 to vector<16xf32>
    %neg3A_2172 = arith.subf %neg3A_2171, %get3A_2169 : vector<16xf32>
    %exp3A_2173 = math.exp %neg3A_2172 : vector<16xf32>
    %add3A_2174 = arith.constant 1.000000e+00 : f32
    %add3A_2175 = vector.broadcast %add3A_2174 : f32 to vector<16xf32>
    %add3A_2176 = arith.addf %add3A_2175, %exp3A_2173 : vector<16xf32>
    %div3A_2177 = arith.constant 1.000000e+00 : f32
    %div3A_2178 = vector.broadcast %div3A_2177 : f32 to vector<16xf32>
    %div3A_2179 = arith.divf %div3A_2178, %add3A_2176 : vector<16xf32>
    %mul3A_2180 = arith.mulf %mul3A_2164, %div3A_2179 : vector<16xf32>
    %get3A_2181 = arith.constant 2 : i32
    %get3A_2182 = arith.index_cast %get3A_2181 : i32 to index
    %get3A_2183 = arith.constant 80 : index
    %get3A_2184 = tpu.vector_load %arg9[%get3A_2182, %get3A_2183] {strides = array<i32>} : memref<9x128xf32, #tpu.memory_space<vmem>>, vector<1x16xf32>,
    %get3A_2185 = vector.shape_cast %get3A_2184 : vector<1x16xf32> to vector<16xf32>
    %neg3A_2186 = arith.constant 0.000000e+00 : f32
    %neg3A_2187 = vector.broadcast %neg3A_2186 : f32 to vector<16xf32>
    %neg3A_2188 = arith.subf %neg3A_2187, %get3A_2185 : vector<16xf32>
    %exp3A_2189 = math.exp %neg3A_2188 : vector<16xf32>
    %add3A_2190 = arith.constant 1.000000e+00 : f32
    %add3A_2191 = vector.broadcast %add3A_2190 : f32 to vector<16xf32>
    %add3A_2192 = arith.addf %add3A_2191, %exp3A_2189 : vector<16xf32>
    %div3A_2193 = arith.constant 1.000000e+00 : f32
    %div3A_2194 = vector.broadcast %div3A_2193 : f32 to vector<16xf32>
    %div3A_2195 = arith.divf %div3A_2194, %add3A_2192 : vector<16xf32>
    %mul3A_2196 = arith.mulf %mul3A_2180, %div3A_2195 : vector<16xf32>
    %get3A_2197 = arith.constant 3 : i32
    %get3A_2198 = arith.index_cast %get3A_2197 : i32 to index
    %get3A_2199 = arith.constant 80 : index
    %get3A_2200 = tpu.vector_load %arg9[%get3A_2198, %get3A_2199] {strides = array<i32>} : memref<9x128xf32, #tpu.memory_space<vmem>>, vector<1x16xf32>,
    %get3A_2201 = vector.shape_cast %get3A_2200 : vector<1x16xf32> to vector<16xf32>
    %neg3A_2202 = arith.constant 0.000000e+00 : f32
    %neg3A_2203 = vector.broadcast %neg3A_2202 : f32 to vector<16xf32>
    %neg3A_2204 = arith.subf %neg3A_2203, %get3A_2201 : vector<16xf32>
    %exp3A_2205 = math.exp %neg3A_2204 : vector<16xf32>
    %add3A_2206 = arith.constant 1.000000e+00 : f32
    %add3A_2207 = vector.broadcast %add3A_2206 : f32 to vector<16xf32>
    %add3A_2208 = arith.addf %add3A_2207, %exp3A_2205 : vector<16xf32>
    %div3A_2209 = arith.constant 1.000000e+00 : f32
    %div3A_2210 = vector.broadcast %div3A_2209 : f32 to vector<16xf32>
    %div3A_2211 = arith.divf %div3A_2210, %add3A_2208 : vector<16xf32>
    %mul3A_2212 = arith.mulf %mul3A_2196, %div3A_2211 : vector<16xf32>
    %get3A_2213 = arith.constant 4 : i32
    %get3A_2214 = arith.index_cast %get3A_2213 : i32 to index
    %get3A_2215 = arith.constant 80 : index
    %get3A_2216 = tpu.vector_load %arg9[%get3A_2214, %get3A_2215] {strides = array<i32>} : memref<9x128xf32, #tpu.memory_space<vmem>>, vector<1x16xf32>,
    %get3A_2217 = vector.shape_cast %get3A_2216 : vector<1x16xf32> to vector<16xf32>
    %neg3A_2218 = arith.constant 0.000000e+00 : f32
    %neg3A_2219 = vector.broadcast %neg3A_2218 : f32 to vector<16xf32>
    %neg3A_2220 = arith.subf %neg3A_2219, %get3A_2217 : vector<16xf32>
    %exp3A_2221 = math.exp %neg3A_2220 : vector<16xf32>
    %add3A_2222 = arith.constant 1.000000e+00 : f32
    %add3A_2223 = vector.broadcast %add3A_2222 : f32 to vector<16xf32>
    %add3A_2224 = arith.addf %add3A_2223, %exp3A_2221 : vector<16xf32>
    %div3A_2225 = arith.constant 1.000000e+00 : f32
    %div3A_2226 = vector.broadcast %div3A_2225 : f32 to vector<16xf32>
    %div3A_2227 = arith.divf %div3A_2226, %add3A_2224 : vector<16xf32>
    %mul3A_2228 = arith.mulf %mul3A_2212, %div3A_2227 : vector<16xf32>
    %get3A_2229 = arith.constant 5 : i32
    %get3A_2230 = arith.index_cast %get3A_2229 : i32 to index
    %get3A_2231 = arith.constant 80 : index
    %get3A_2232 = tpu.vector_load %arg9[%get3A_2230, %get3A_2231] {strides = array<i32>} : memref<9x128xf32, #tpu.memory_space<vmem>>, vector<1x16xf32>,
    %get3A_2233 = vector.shape_cast %get3A_2232 : vector<1x16xf32> to vector<16xf32>
    %neg3A_2234 = arith.constant 0.000000e+00 : f32
    %neg3A_2235 = vector.broadcast %neg3A_2234 : f32 to vector<16xf32>
    %neg3A_2236 = arith.subf %neg3A_2235, %get3A_2233 : vector<16xf32>
    %exp3A_2237 = math.exp %neg3A_2236 : vector<16xf32>
    %add3A_2238 = arith.constant 1.000000e+00 : f32
    %add3A_2239 = vector.broadcast %add3A_2238 : f32 to vector<16xf32>
    %add3A_2240 = arith.addf %add3A_2239, %exp3A_2237 : vector<16xf32>
    %div3A_2241 = arith.constant 1.000000e+00 : f32
    %div3A_2242 = vector.broadcast %div3A_2241 : f32 to vector<16xf32>
    %div3A_2243 = arith.divf %div3A_2242, %add3A_2240 : vector<16xf32>
    %mul3A_2244 = arith.mulf %mul3A_2228, %div3A_2243 : vector<16xf32>
    %get3A_2245 = arith.constant 6 : i32
    %get3A_2246 = arith.index_cast %get3A_2245 : i32 to index
    %get3A_2247 = arith.constant 80 : index
    %get3A_2248 = tpu.vector_load %arg9[%get3A_2246, %get3A_2247] {strides = array<i32>} : memref<9x128xf32, #tpu.memory_space<vmem>>, vector<1x16xf32>,
    %get3A_2249 = vector.shape_cast %get3A_2248 : vector<1x16xf32> to vector<16xf32>
    %neg3A_2250 = arith.constant 0.000000e+00 : f32
    %neg3A_2251 = vector.broadcast %neg3A_2250 : f32 to vector<16xf32>
    %neg3A_2252 = arith.subf %neg3A_2251, %get3A_2249 : vector<16xf32>
    %exp3A_2253 = math.exp %neg3A_2252 : vector<16xf32>
    %add3A_2254 = arith.constant 1.000000e+00 : f32
    %add3A_2255 = vector.broadcast %add3A_2254 : f32 to vector<16xf32>
    %add3A_2256 = arith.addf %add3A_2255, %exp3A_2253 : vector<16xf32>
    %div3A_2257 = arith.constant 1.000000e+00 : f32
    %div3A_2258 = vector.broadcast %div3A_2257 : f32 to vector<16xf32>
    %div3A_2259 = arith.divf %div3A_2258, %add3A_2256 : vector<16xf32>
    %mul3A_2260 = arith.mulf %mul3A_2244, %div3A_2259 : vector<16xf32>
    %get3A_2261 = arith.constant 7 : i32
    %get3A_2262 = arith.index_cast %get3A_2261 : i32 to index
    %get3A_2263 = arith.constant 80 : index
    %get3A_2264 = tpu.vector_load %arg9[%get3A_2262, %get3A_2263] {strides = array<i32>} : memref<9x128xf32, #tpu.memory_space<vmem>>, vector<1x16xf32>,
    %get3A_2265 = vector.shape_cast %get3A_2264 : vector<1x16xf32> to vector<16xf32>
    %neg3A_2266 = arith.constant 0.000000e+00 : f32
    %neg3A_2267 = vector.broadcast %neg3A_2266 : f32 to vector<16xf32>
    %neg3A_2268 = arith.subf %neg3A_2267, %get3A_2265 : vector<16xf32>
    %exp3A_2269 = math.exp %neg3A_2268 : vector<16xf32>
    %add3A_2270 = arith.constant 1.000000e+00 : f32
    %add3A_2271 = vector.broadcast %add3A_2270 : f32 to vector<16xf32>
    %add3A_2272 = arith.addf %add3A_2271, %exp3A_2269 : vector<16xf32>
    %div3A_2273 = arith.constant 1.000000e+00 : f32
    %div3A_2274 = vector.broadcast %div3A_2273 : f32 to vector<16xf32>
    %div3A_2275 = arith.divf %div3A_2274, %add3A_2272 : vector<16xf32>
    %mul3A_2276 = arith.mulf %mul3A_2260, %div3A_2275 : vector<16xf32>
    %get3A_2277 = arith.constant 8 : i32
    %get3A_2278 = arith.index_cast %get3A_2277 : i32 to index
    %get3A_2279 = arith.constant 80 : index
    %get3A_2280 = tpu.vector_load %arg9[%get3A_2278, %get3A_2279] {strides = array<i32>} : memref<9x128xf32, #tpu.memory_space<vmem>>, vector<1x16xf32>,
    %get3A_2281 = vector.shape_cast %get3A_2280 : vector<1x16xf32> to vector<16xf32>
    %neg3A_2282 = arith.constant 0.000000e+00 : f32
    %neg3A_2283 = vector.broadcast %neg3A_2282 : f32 to vector<16xf32>
    %neg3A_2284 = arith.subf %neg3A_2283, %get3A_2281 : vector<16xf32>
    %exp3A_2285 = math.exp %neg3A_2284 : vector<16xf32>
    %add3A_2286 = arith.constant 1.000000e+00 : f32
    %add3A_2287 = vector.broadcast %add3A_2286 : f32 to vector<16xf32>
    %add3A_2288 = arith.addf %add3A_2287, %exp3A_2285 : vector<16xf32>
    %div3A_2289 = arith.constant 1.000000e+00 : f32
    %div3A_2290 = vector.broadcast %div3A_2289 : f32 to vector<16xf32>
    %div3A_2291 = arith.divf %div3A_2290, %add3A_2288 : vector<16xf32>
    %mul3A_2292 = arith.mulf %mul3A_2276, %div3A_2291 : vector<16xf32>
    %swap3A_2293 = arith.constant 80 : index
    %swap3A_2294 = tpu.vector_load %arg10[%swap3A_2293] {strides = array<i32>} : memref<128xf32, #tpu.memory_space<vmem>>, vector<16xf32>,
    %swap3A_2295 = vector.shape_cast %swap3A_2294 : vector<16xf32> to vector<16xf32>
    %swap3A_2296 = vector.shape_cast %mul3A_2292 : vector<16xf32> to vector<16xf32>
    tpu.vector_store %arg10[%swap3A_2293], %swap3A_2296 {strides = array<i32>} : memref<128xf32, #tpu.memory_space<vmem>>, vector<16xf32>,
    %broadcast_in_dim3A_2297 = arith.constant 1.000000e+00 : f32
    %broadcast_in_dim3A_2298 = vector.broadcast %broadcast_in_dim3A_2297 : f32 to vector<16xf32>
    %get3A_2299 = arith.constant 0 : i32
    %get3A_2300 = arith.index_cast %get3A_2299 : i32 to index
    %get3A_2301 = arith.constant 96 : index
    %get3A_2302 = tpu.vector_load %arg9[%get3A_2300, %get3A_2301] {strides = array<i32>} : memref<9x128xf32, #tpu.memory_space<vmem>>, vector<1x16xf32>,
    %get3A_2303 = vector.shape_cast %get3A_2302 : vector<1x16xf32> to vector<16xf32>
    %neg3A_2304 = arith.constant 0.000000e+00 : f32
    %neg3A_2305 = vector.broadcast %neg3A_2304 : f32 to vector<16xf32>
    %neg3A_2306 = arith.subf %neg3A_2305, %get3A_2303 : vector<16xf32>
    %exp3A_2307 = math.exp %neg3A_2306 : vector<16xf32>
    %add3A_2308 = arith.constant 1.000000e+00 : f32
    %add3A_2309 = vector.broadcast %add3A_2308 : f32 to vector<16xf32>
    %add3A_2310 = arith.addf %add3A_2309, %exp3A_2307 : vector<16xf32>
    %div3A_2311 = arith.constant 1.000000e+00 : f32
    %div3A_2312 = vector.broadcast %div3A_2311 : f32 to vector<16xf32>
    %div3A_2313 = arith.divf %div3A_2312, %add3A_2310 : vector<16xf32>
    %mul3A_2314 = arith.mulf %broadcast_in_dim3A_2298, %div3A_2313 : vector<16xf32>
    %get3A_2315 = arith.constant 1 : i32
    %get3A_2316 = arith.index_cast %get3A_2315 : i32 to index
    %get3A_2317 = arith.constant 96 : index
    %get3A_2318 = tpu.vector_load %arg9[%get3A_2316, %get3A_2317] {strides = array<i32>} : memref<9x128xf32, #tpu.memory_space<vmem>>, vector<1x16xf32>,
    %get3A_2319 = vector.shape_cast %get3A_2318 : vector<1x16xf32> to vector<16xf32>
    %neg3A_2320 = arith.constant 0.000000e+00 : f32
    %neg3A_2321 = vector.broadcast %neg3A_2320 : f32 to vector<16xf32>
    %neg3A_2322 = arith.subf %neg3A_2321, %get3A_2319 : vector<16xf32>
    %exp3A_2323 = math.exp %neg3A_2322 : vector<16xf32>
    %add3A_2324 = arith.constant 1.000000e+00 : f32
    %add3A_2325 = vector.broadcast %add3A_2324 : f32 to vector<16xf32>
    %add3A_2326 = arith.addf %add3A_2325, %exp3A_2323 : vector<16xf32>
    %div3A_2327 = arith.constant 1.000000e+00 : f32
    %div3A_2328 = vector.broadcast %div3A_2327 : f32 to vector<16xf32>
    %div3A_2329 = arith.divf %div3A_2328, %add3A_2326 : vector<16xf32>
    %mul3A_2330 = arith.mulf %mul3A_2314, %div3A_2329 : vector<16xf32>
    %get3A_2331 = arith.constant 2 : i32
    %get3A_2332 = arith.index_cast %get3A_2331 : i32 to index
    %get3A_2333 = arith.constant 96 : index
    %get3A_2334 = tpu.vector_load %arg9[%get3A_2332, %get3A_2333] {strides = array<i32>} : memref<9x128xf32, #tpu.memory_space<vmem>>, vector<1x16xf32>,
    %get3A_2335 = vector.shape_cast %get3A_2334 : vector<1x16xf32> to vector<16xf32>
    %neg3A_2336 = arith.constant 0.000000e+00 : f32
    %neg3A_2337 = vector.broadcast %neg3A_2336 : f32 to vector<16xf32>
    %neg3A_2338 = arith.subf %neg3A_2337, %get3A_2335 : vector<16xf32>
    %exp3A_2339 = math.exp %neg3A_2338 : vector<16xf32>
    %add3A_2340 = arith.constant 1.000000e+00 : f32
    %add3A_2341 = vector.broadcast %add3A_2340 : f32 to vector<16xf32>
    %add3A_2342 = arith.addf %add3A_2341, %exp3A_2339 : vector<16xf32>
    %div3A_2343 = arith.constant 1.000000e+00 : f32
    %div3A_2344 = vector.broadcast %div3A_2343 : f32 to vector<16xf32>
    %div3A_2345 = arith.divf %div3A_2344, %add3A_2342 : vector<16xf32>
    %mul3A_2346 = arith.mulf %mul3A_2330, %div3A_2345 : vector<16xf32>
    %get3A_2347 = arith.constant 3 : i32
    %get3A_2348 = arith.index_cast %get3A_2347 : i32 to index
    %get3A_2349 = arith.constant 96 : index
    %get3A_2350 = tpu.vector_load %arg9[%get3A_2348, %get3A_2349] {strides = array<i32>} : memref<9x128xf32, #tpu.memory_space<vmem>>, vector<1x16xf32>,
    %get3A_2351 = vector.shape_cast %get3A_2350 : vector<1x16xf32> to vector<16xf32>
    %neg3A_2352 = arith.constant 0.000000e+00 : f32
    %neg3A_2353 = vector.broadcast %neg3A_2352 : f32 to vector<16xf32>
    %neg3A_2354 = arith.subf %neg3A_2353, %get3A_2351 : vector<16xf32>
    %exp3A_2355 = math.exp %neg3A_2354 : vector<16xf32>
    %add3A_2356 = arith.constant 1.000000e+00 : f32
    %add3A_2357 = vector.broadcast %add3A_2356 : f32 to vector<16xf32>
    %add3A_2358 = arith.addf %add3A_2357, %exp3A_2355 : vector<16xf32>
    %div3A_2359 = arith.constant 1.000000e+00 : f32
    %div3A_2360 = vector.broadcast %div3A_2359 : f32 to vector<16xf32>
    %div3A_2361 = arith.divf %div3A_2360, %add3A_2358 : vector<16xf32>
    %mul3A_2362 = arith.mulf %mul3A_2346, %div3A_2361 : vector<16xf32>
    %get3A_2363 = arith.constant 4 : i32
    %get3A_2364 = arith.index_cast %get3A_2363 : i32 to index
    %get3A_2365 = arith.constant 96 : index
    %get3A_2366 = tpu.vector_load %arg9[%get3A_2364, %get3A_2365] {strides = array<i32>} : memref<9x128xf32, #tpu.memory_space<vmem>>, vector<1x16xf32>,
    %get3A_2367 = vector.shape_cast %get3A_2366 : vector<1x16xf32> to vector<16xf32>
    %neg3A_2368 = arith.constant 0.000000e+00 : f32
    %neg3A_2369 = vector.broadcast %neg3A_2368 : f32 to vector<16xf32>
    %neg3A_2370 = arith.subf %neg3A_2369, %get3A_2367 : vector<16xf32>
    %exp3A_2371 = math.exp %neg3A_2370 : vector<16xf32>
    %add3A_2372 = arith.constant 1.000000e+00 : f32
    %add3A_2373 = vector.broadcast %add3A_2372 : f32 to vector<16xf32>
    %add3A_2374 = arith.addf %add3A_2373, %exp3A_2371 : vector<16xf32>
    %div3A_2375 = arith.constant 1.000000e+00 : f32
    %div3A_2376 = vector.broadcast %div3A_2375 : f32 to vector<16xf32>
    %div3A_2377 = arith.divf %div3A_2376, %add3A_2374 : vector<16xf32>
    %mul3A_2378 = arith.mulf %mul3A_2362, %div3A_2377 : vector<16xf32>
    %get3A_2379 = arith.constant 5 : i32
    %get3A_2380 = arith.index_cast %get3A_2379 : i32 to index
    %get3A_2381 = arith.constant 96 : index
    %get3A_2382 = tpu.vector_load %arg9[%get3A_2380, %get3A_2381] {strides = array<i32>} : memref<9x128xf32, #tpu.memory_space<vmem>>, vector<1x16xf32>,
    %get3A_2383 = vector.shape_cast %get3A_2382 : vector<1x16xf32> to vector<16xf32>
    %neg3A_2384 = arith.constant 0.000000e+00 : f32
    %neg3A_2385 = vector.broadcast %neg3A_2384 : f32 to vector<16xf32>
    %neg3A_2386 = arith.subf %neg3A_2385, %get3A_2383 : vector<16xf32>
    %exp3A_2387 = math.exp %neg3A_2386 : vector<16xf32>
    %add3A_2388 = arith.constant 1.000000e+00 : f32
    %add3A_2389 = vector.broadcast %add3A_2388 : f32 to vector<16xf32>
    %add3A_2390 = arith.addf %add3A_2389, %exp3A_2387 : vector<16xf32>
    %div3A_2391 = arith.constant 1.000000e+00 : f32
    %div3A_2392 = vector.broadcast %div3A_2391 : f32 to vector<16xf32>
    %div3A_2393 = arith.divf %div3A_2392, %add3A_2390 : vector<16xf32>
    %mul3A_2394 = arith.mulf %mul3A_2378, %div3A_2393 : vector<16xf32>
    %get3A_2395 = arith.constant 6 : i32
    %get3A_2396 = arith.index_cast %get3A_2395 : i32 to index
    %get3A_2397 = arith.constant 96 : index
    %get3A_2398 = tpu.vector_load %arg9[%get3A_2396, %get3A_2397] {strides = array<i32>} : memref<9x128xf32, #tpu.memory_space<vmem>>, vector<1x16xf32>,
    %get3A_2399 = vector.shape_cast %get3A_2398 : vector<1x16xf32> to vector<16xf32>
    %neg3A_2400 = arith.constant 0.000000e+00 : f32
    %neg3A_2401 = vector.broadcast %neg3A_2400 : f32 to vector<16xf32>
    %neg3A_2402 = arith.subf %neg3A_2401, %get3A_2399 : vector<16xf32>
    %exp3A_2403 = math.exp %neg3A_2402 : vector<16xf32>
    %add3A_2404 = arith.constant 1.000000e+00 : f32
    %add3A_2405 = vector.broadcast %add3A_2404 : f32 to vector<16xf32>
    %add3A_2406 = arith.addf %add3A_2405, %exp3A_2403 : vector<16xf32>
    %div3A_2407 = arith.constant 1.000000e+00 : f32
    %div3A_2408 = vector.broadcast %div3A_2407 : f32 to vector<16xf32>
    %div3A_2409 = arith.divf %div3A_2408, %add3A_2406 : vector<16xf32>
    %mul3A_2410 = arith.mulf %mul3A_2394, %div3A_2409 : vector<16xf32>
    %get3A_2411 = arith.constant 7 : i32
    %get3A_2412 = arith.index_cast %get3A_2411 : i32 to index
    %get3A_2413 = arith.constant 96 : index
    %get3A_2414 = tpu.vector_load %arg9[%get3A_2412, %get3A_2413] {strides = array<i32>} : memref<9x128xf32, #tpu.memory_space<vmem>>, vector<1x16xf32>,
    %get3A_2415 = vector.shape_cast %get3A_2414 : vector<1x16xf32> to vector<16xf32>
    %neg3A_2416 = arith.constant 0.000000e+00 : f32
    %neg3A_2417 = vector.broadcast %neg3A_2416 : f32 to vector<16xf32>
    %neg3A_2418 = arith.subf %neg3A_2417, %get3A_2415 : vector<16xf32>
    %exp3A_2419 = math.exp %neg3A_2418 : vector<16xf32>
    %add3A_2420 = arith.constant 1.000000e+00 : f32
    %add3A_2421 = vector.broadcast %add3A_2420 : f32 to vector<16xf32>
    %add3A_2422 = arith.addf %add3A_2421, %exp3A_2419 : vector<16xf32>
    %div3A_2423 = arith.constant 1.000000e+00 : f32
    %div3A_2424 = vector.broadcast %div3A_2423 : f32 to vector<16xf32>
    %div3A_2425 = arith.divf %div3A_2424, %add3A_2422 : vector<16xf32>
    %mul3A_2426 = arith.mulf %mul3A_2410, %div3A_2425 : vector<16xf32>
    %get3A_2427 = arith.constant 8 : i32
    %get3A_2428 = arith.index_cast %get3A_2427 : i32 to index
    %get3A_2429 = arith.constant 96 : index
    %get3A_2430 = tpu.vector_load %arg9[%get3A_2428, %get3A_2429] {strides = array<i32>} : memref<9x128xf32, #tpu.memory_space<vmem>>, vector<1x16xf32>,
    %get3A_2431 = vector.shape_cast %get3A_2430 : vector<1x16xf32> to vector<16xf32>
    %neg3A_2432 = arith.constant 0.000000e+00 : f32
    %neg3A_2433 = vector.broadcast %neg3A_2432 : f32 to vector<16xf32>
    %neg3A_2434 = arith.subf %neg3A_2433, %get3A_2431 : vector<16xf32>
    %exp3A_2435 = math.exp %neg3A_2434 : vector<16xf32>
    %add3A_2436 = arith.constant 1.000000e+00 : f32
    %add3A_2437 = vector.broadcast %add3A_2436 : f32 to vector<16xf32>
    %add3A_2438 = arith.addf %add3A_2437, %exp3A_2435 : vector<16xf32>
    %div3A_2439 = arith.constant 1.000000e+00 : f32
    %div3A_2440 = vector.broadcast %div3A_2439 : f32 to vector<16xf32>
    %div3A_2441 = arith.divf %div3A_2440, %add3A_2438 : vector<16xf32>
    %mul3A_2442 = arith.mulf %mul3A_2426, %div3A_2441 : vector<16xf32>
    %swap3A_2443 = arith.constant 96 : index
    %swap3A_2444 = tpu.vector_load %arg10[%swap3A_2443] {strides = array<i32>} : memref<128xf32, #tpu.memory_space<vmem>>, vector<16xf32>,
    %swap3A_2445 = vector.shape_cast %swap3A_2444 : vector<16xf32> to vector<16xf32>
    %swap3A_2446 = vector.shape_cast %mul3A_2442 : vector<16xf32> to vector<16xf32>
    tpu.vector_store %arg10[%swap3A_2443], %swap3A_2446 {strides = array<i32>} : memref<128xf32, #tpu.memory_space<vmem>>, vector<16xf32>,
    %broadcast_in_dim3A_2447 = arith.constant 1.000000e+00 : f32
    %broadcast_in_dim3A_2448 = vector.broadcast %broadcast_in_dim3A_2447 : f32 to vector<16xf32>
    %get3A_2449 = arith.constant 0 : i32
    %get3A_2450 = arith.index_cast %get3A_2449 : i32 to index
    %get3A_2451 = arith.constant 112 : index
    %get3A_2452 = tpu.vector_load %arg9[%get3A_2450, %get3A_2451] {strides = array<i32>} : memref<9x128xf32, #tpu.memory_space<vmem>>, vector<1x16xf32>,
    %get3A_2453 = vector.shape_cast %get3A_2452 : vector<1x16xf32> to vector<16xf32>
    %neg3A_2454 = arith.constant 0.000000e+00 : f32
    %neg3A_2455 = vector.broadcast %neg3A_2454 : f32 to vector<16xf32>
    %neg3A_2456 = arith.subf %neg3A_2455, %get3A_2453 : vector<16xf32>
    %exp3A_2457 = math.exp %neg3A_2456 : vector<16xf32>
    %add3A_2458 = arith.constant 1.000000e+00 : f32
    %add3A_2459 = vector.broadcast %add3A_2458 : f32 to vector<16xf32>
    %add3A_2460 = arith.addf %add3A_2459, %exp3A_2457 : vector<16xf32>
    %div3A_2461 = arith.constant 1.000000e+00 : f32
    %div3A_2462 = vector.broadcast %div3A_2461 : f32 to vector<16xf32>
    %div3A_2463 = arith.divf %div3A_2462, %add3A_2460 : vector<16xf32>
    %mul3A_2464 = arith.mulf %broadcast_in_dim3A_2448, %div3A_2463 : vector<16xf32>
    %get3A_2465 = arith.constant 1 : i32
    %get3A_2466 = arith.index_cast %get3A_2465 : i32 to index
    %get3A_2467 = arith.constant 112 : index
    %get3A_2468 = tpu.vector_load %arg9[%get3A_2466, %get3A_2467] {strides = array<i32>} : memref<9x128xf32, #tpu.memory_space<vmem>>, vector<1x16xf32>,
    %get3A_2469 = vector.shape_cast %get3A_2468 : vector<1x16xf32> to vector<16xf32>
    %neg3A_2470 = arith.constant 0.000000e+00 : f32
    %neg3A_2471 = vector.broadcast %neg3A_2470 : f32 to vector<16xf32>
    %neg3A_2472 = arith.subf %neg3A_2471, %get3A_2469 : vector<16xf32>
    %exp3A_2473 = math.exp %neg3A_2472 : vector<16xf32>
    %add3A_2474 = arith.constant 1.000000e+00 : f32
    %add3A_2475 = vector.broadcast %add3A_2474 : f32 to vector<16xf32>
    %add3A_2476 = arith.addf %add3A_2475, %exp3A_2473 : vector<16xf32>
    %div3A_2477 = arith.constant 1.000000e+00 : f32
    %div3A_2478 = vector.broadcast %div3A_2477 : f32 to vector<16xf32>
    %div3A_2479 = arith.divf %div3A_2478, %add3A_2476 : vector<16xf32>
    %mul3A_2480 = arith.mulf %mul3A_2464, %div3A_2479 : vector<16xf32>
    %get3A_2481 = arith.constant 2 : i32
    %get3A_2482 = arith.index_cast %get3A_2481 : i32 to index
    %get3A_2483 = arith.constant 112 : index
    %get3A_2484 = tpu.vector_load %arg9[%get3A_2482, %get3A_2483] {strides = array<i32>} : memref<9x128xf32, #tpu.memory_space<vmem>>, vector<1x16xf32>,
    %get3A_2485 = vector.shape_cast %get3A_2484 : vector<1x16xf32> to vector<16xf32>
    %neg3A_2486 = arith.constant 0.000000e+00 : f32
    %neg3A_2487 = vector.broadcast %neg3A_2486 : f32 to vector<16xf32>
    %neg3A_2488 = arith.subf %neg3A_2487, %get3A_2485 : vector<16xf32>
    %exp3A_2489 = math.exp %neg3A_2488 : vector<16xf32>
    %add3A_2490 = arith.constant 1.000000e+00 : f32
    %add3A_2491 = vector.broadcast %add3A_2490 : f32 to vector<16xf32>
    %add3A_2492 = arith.addf %add3A_2491, %exp3A_2489 : vector<16xf32>
    %div3A_2493 = arith.constant 1.000000e+00 : f32
    %div3A_2494 = vector.broadcast %div3A_2493 : f32 to vector<16xf32>
    %div3A_2495 = arith.divf %div3A_2494, %add3A_2492 : vector<16xf32>
    %mul3A_2496 = arith.mulf %mul3A_2480, %div3A_2495 : vector<16xf32>
    %get3A_2497 = arith.constant 3 : i32
    %get3A_2498 = arith.index_cast %get3A_2497 : i32 to index
    %get3A_2499 = arith.constant 112 : index
    %get3A_2500 = tpu.vector_load %arg9[%get3A_2498, %get3A_2499] {strides = array<i32>} : memref<9x128xf32, #tpu.memory_space<vmem>>, vector<1x16xf32>,
    %get3A_2501 = vector.shape_cast %get3A_2500 : vector<1x16xf32> to vector<16xf32>
    %neg3A_2502 = arith.constant 0.000000e+00 : f32
    %neg3A_2503 = vector.broadcast %neg3A_2502 : f32 to vector<16xf32>
    %neg3A_2504 = arith.subf %neg3A_2503, %get3A_2501 : vector<16xf32>
    %exp3A_2505 = math.exp %neg3A_2504 : vector<16xf32>
    %add3A_2506 = arith.constant 1.000000e+00 : f32
    %add3A_2507 = vector.broadcast %add3A_2506 : f32 to vector<16xf32>
    %add3A_2508 = arith.addf %add3A_2507, %exp3A_2505 : vector<16xf32>
    %div3A_2509 = arith.constant 1.000000e+00 : f32
    %div3A_2510 = vector.broadcast %div3A_2509 : f32 to vector<16xf32>
    %div3A_2511 = arith.divf %div3A_2510, %add3A_2508 : vector<16xf32>
    %mul3A_2512 = arith.mulf %mul3A_2496, %div3A_2511 : vector<16xf32>
    %get3A_2513 = arith.constant 4 : i32
    %get3A_2514 = arith.index_cast %get3A_2513 : i32 to index
    %get3A_2515 = arith.constant 112 : index
    %get3A_2516 = tpu.vector_load %arg9[%get3A_2514, %get3A_2515] {strides = array<i32>} : memref<9x128xf32, #tpu.memory_space<vmem>>, vector<1x16xf32>,
    %get3A_2517 = vector.shape_cast %get3A_2516 : vector<1x16xf32> to vector<16xf32>
    %neg3A_2518 = arith.constant 0.000000e+00 : f32
    %neg3A_2519 = vector.broadcast %neg3A_2518 : f32 to vector<16xf32>
    %neg3A_2520 = arith.subf %neg3A_2519, %get3A_2517 : vector<16xf32>
    %exp3A_2521 = math.exp %neg3A_2520 : vector<16xf32>
    %add3A_2522 = arith.constant 1.000000e+00 : f32
    %add3A_2523 = vector.broadcast %add3A_2522 : f32 to vector<16xf32>
    %add3A_2524 = arith.addf %add3A_2523, %exp3A_2521 : vector<16xf32>
    %div3A_2525 = arith.constant 1.000000e+00 : f32
    %div3A_2526 = vector.broadcast %div3A_2525 : f32 to vector<16xf32>
    %div3A_2527 = arith.divf %div3A_2526, %add3A_2524 : vector<16xf32>
    %mul3A_2528 = arith.mulf %mul3A_2512, %div3A_2527 : vector<16xf32>
    %get3A_2529 = arith.constant 5 : i32
    %get3A_2530 = arith.index_cast %get3A_2529 : i32 to index
    %get3A_2531 = arith.constant 112 : index
    %get3A_2532 = tpu.vector_load %arg9[%get3A_2530, %get3A_2531] {strides = array<i32>} : memref<9x128xf32, #tpu.memory_space<vmem>>, vector<1x16xf32>,
    %get3A_2533 = vector.shape_cast %get3A_2532 : vector<1x16xf32> to vector<16xf32>
    %neg3A_2534 = arith.constant 0.000000e+00 : f32
    %neg3A_2535 = vector.broadcast %neg3A_2534 : f32 to vector<16xf32>
    %neg3A_2536 = arith.subf %neg3A_2535, %get3A_2533 : vector<16xf32>
    %exp3A_2537 = math.exp %neg3A_2536 : vector<16xf32>
    %add3A_2538 = arith.constant 1.000000e+00 : f32
    %add3A_2539 = vector.broadcast %add3A_2538 : f32 to vector<16xf32>
    %add3A_2540 = arith.addf %add3A_2539, %exp3A_2537 : vector<16xf32>
    %div3A_2541 = arith.constant 1.000000e+00 : f32
    %div3A_2542 = vector.broadcast %div3A_2541 : f32 to vector<16xf32>
    %div3A_2543 = arith.divf %div3A_2542, %add3A_2540 : vector<16xf32>
    %mul3A_2544 = arith.mulf %mul3A_2528, %div3A_2543 : vector<16xf32>
    %get3A_2545 = arith.constant 6 : i32
    %get3A_2546 = arith.index_cast %get3A_2545 : i32 to index
    %get3A_2547 = arith.constant 112 : index
    %get3A_2548 = tpu.vector_load %arg9[%get3A_2546, %get3A_2547] {strides = array<i32>} : memref<9x128xf32, #tpu.memory_space<vmem>>, vector<1x16xf32>,
    %get3A_2549 = vector.shape_cast %get3A_2548 : vector<1x16xf32> to vector<16xf32>
    %neg3A_2550 = arith.constant 0.000000e+00 : f32
    %neg3A_2551 = vector.broadcast %neg3A_2550 : f32 to vector<16xf32>
    %neg3A_2552 = arith.subf %neg3A_2551, %get3A_2549 : vector<16xf32>
    %exp3A_2553 = math.exp %neg3A_2552 : vector<16xf32>
    %add3A_2554 = arith.constant 1.000000e+00 : f32
    %add3A_2555 = vector.broadcast %add3A_2554 : f32 to vector<16xf32>
    %add3A_2556 = arith.addf %add3A_2555, %exp3A_2553 : vector<16xf32>
    %div3A_2557 = arith.constant 1.000000e+00 : f32
    %div3A_2558 = vector.broadcast %div3A_2557 : f32 to vector<16xf32>
    %div3A_2559 = arith.divf %div3A_2558, %add3A_2556 : vector<16xf32>
    %mul3A_2560 = arith.mulf %mul3A_2544, %div3A_2559 : vector<16xf32>
    %get3A_2561 = arith.constant 7 : i32
    %get3A_2562 = arith.index_cast %get3A_2561 : i32 to index
    %get3A_2563 = arith.constant 112 : index
    %get3A_2564 = tpu.vector_load %arg9[%get3A_2562, %get3A_2563] {strides = array<i32>} : memref<9x128xf32, #tpu.memory_space<vmem>>, vector<1x16xf32>,
    %get3A_2565 = vector.shape_cast %get3A_2564 : vector<1x16xf32> to vector<16xf32>
    %neg3A_2566 = arith.constant 0.000000e+00 : f32
    %neg3A_2567 = vector.broadcast %neg3A_2566 : f32 to vector<16xf32>
    %neg3A_2568 = arith.subf %neg3A_2567, %get3A_2565 : vector<16xf32>
    %exp3A_2569 = math.exp %neg3A_2568 : vector<16xf32>
    %add3A_2570 = arith.constant 1.000000e+00 : f32
    %add3A_2571 = vector.broadcast %add3A_2570 : f32 to vector<16xf32>
    %add3A_2572 = arith.addf %add3A_2571, %exp3A_2569 : vector<16xf32>
    %div3A_2573 = arith.constant 1.000000e+00 : f32
    %div3A_2574 = vector.broadcast %div3A_2573 : f32 to vector<16xf32>
    %div3A_2575 = arith.divf %div3A_2574, %add3A_2572 : vector<16xf32>
    %mul3A_2576 = arith.mulf %mul3A_2560, %div3A_2575 : vector<16xf32>
    %get3A_2577 = arith.constant 8 : i32
    %get3A_2578 = arith.index_cast %get3A_2577 : i32 to index
    %get3A_2579 = arith.constant 112 : index
    %get3A_2580 = tpu.vector_load %arg9[%get3A_2578, %get3A_2579] {strides = array<i32>} : memref<9x128xf32, #tpu.memory_space<vmem>>, vector<1x16xf32>,
    %get3A_2581 = vector.shape_cast %get3A_2580 : vector<1x16xf32> to vector<16xf32>
    %neg3A_2582 = arith.constant 0.000000e+00 : f32
    %neg3A_2583 = vector.broadcast %neg3A_2582 : f32 to vector<16xf32>
    %neg3A_2584 = arith.subf %neg3A_2583, %get3A_2581 : vector<16xf32>
    %exp3A_2585 = math.exp %neg3A_2584 : vector<16xf32>
    %add3A_2586 = arith.constant 1.000000e+00 : f32
    %add3A_2587 = vector.broadcast %add3A_2586 : f32 to vector<16xf32>
    %add3A_2588 = arith.addf %add3A_2587, %exp3A_2585 : vector<16xf32>
    %div3A_2589 = arith.constant 1.000000e+00 : f32
    %div3A_2590 = vector.broadcast %div3A_2589 : f32 to vector<16xf32>
    %div3A_2591 = arith.divf %div3A_2590, %add3A_2588 : vector<16xf32>
    %mul3A_2592 = arith.mulf %mul3A_2576, %div3A_2591 : vector<16xf32>
    %swap3A_2593 = arith.constant 112 : index
    %swap3A_2594 = tpu.vector_load %arg10[%swap3A_2593] {strides = array<i32>} : memref<128xf32, #tpu.memory_space<vmem>>, vector<16xf32>,
    %swap3A_2595 = vector.shape_cast %swap3A_2594 : vector<16xf32> to vector<16xf32>
    %swap3A_2596 = vector.shape_cast %mul3A_2592 : vector<16xf32> to vector<16xf32>
    tpu.vector_store %arg10[%swap3A_2593], %swap3A_2596 {strides = array<i32>} : memref<128xf32, #tpu.memory_space<vmem>>, vector<16xf32>,
    "tpu.region"() ({
      %run_scoped3A = tpu.sem_alloc : memref<!tpu.dma_semaphore, #tpu.memory_space<semaphore_mem>>
      %dma_start3A_2597 = tpu.memref_slice %arg5[%mul3A_2] : memref<4096xf32, #tpu.memory_space<hbm>> -> memref<128xf32, #tpu.memory_space<hbm>>
      %dma_start3A_2598 = tpu.memref_slice %arg5[%mul3A_2] : memref<4096xf32, #tpu.memory_space<hbm>> -> memref<128xf32, #tpu.memory_space<hbm>>
      tpu.enqueue_dma source(%arg10 : memref<128xf32, #tpu.memory_space<vmem>>) target(%dma_start3A_2598 : memref<128xf32, #tpu.memory_space<hbm>>) target_semaphore(%run_scoped3A : memref<!tpu.dma_semaphore, #tpu.memory_space<semaphore_mem>>)
      %dma_wait3A_2599 = tpu.memref_slice %arg5[%mul3A_2] : memref<4096xf32, #tpu.memory_space<hbm>> -> memref<128xf32, #tpu.memory_space<hbm>>
      %dma_wait3A_2600 = tpu.memref_slice %arg5[%mul3A_2] : memref<4096xf32, #tpu.memory_space<hbm>> -> memref<128xf32, #tpu.memory_space<hbm>>
      tpu.wait_dma2 semaphore(%run_scoped3A : memref<!tpu.dma_semaphore, #tpu.memory_space<semaphore_mem>>) src(%arg10 : memref<128xf32, #tpu.memory_space<vmem>>) dst(%dma_wait3A_2600 : memref<128xf32, #tpu.memory_space<hbm>>)
      tpu.yield
    }) : () -> ()
    return
  }
}

module attributes {stable_mosaic.version = 14 : i64} {
  func.func @_g_matmul_body(%arg0: i32, %arg1: memref<512x2048xf32, #tpu.memory_space<vmem>>, %arg2: memref<131072xf32, #tpu.memory_space<vmem>>) attributes {dimension_semantics = [#tpu.dimension_semantics<arbitrary>], iteration_bounds = array<i64: 1>, scalar_prefetch = 0 : i64, scratch_operands = 0 : i64, tpu.core_type = #tpu.core_type<tc>, window_params = [{transform_indices = @transform_0, window_bounds = array<i64: 512, 2048>}, {pipeline_mode = #tpu.pipeline_mode<synchronous>, transform_indices = @transform_1, window_bounds = array<i64: 131072>}]} {
    %get3A = arith.constant 0 : index
    %get3A_0 = arith.constant 0 : index
    %get3A_1 = vector.load %arg1[%get3A, %get3A_0] : memref<512x2048xf32, #tpu.memory_space<vmem>>, vector<512x2048xf32>
    %convert_element_type3A = arith.truncf %get3A_1 : vector<512x2048xf32> to vector<512x2048xbf16>
    %slice3A = vector.extract_strided_slice %convert_element_type3A {offsets = [255, 0], sizes = [256, 2048], strides = [1, 1]} : vector<512x2048xbf16> to vector<256x2048xbf16>
    %dot_general3A = arith.constant dense<0.000000e+00> : vector<256x512xf32>
    %dot_general3A_2 = tpu.matmul %slice3A, %convert_element_type3A, %dot_general3A {dimension_numbers = #tpu.dot_dimension_numbers<[1], [1], [0], [0], [0, 0, 1, 0], [], []>, transpose_lhs_hint = false} : vector<256x2048xbf16>, vector<512x2048xbf16>, vector<256x512xf32> -> vector<256x512xf32>
    %reshape3A = vector.shape_cast %dot_general3A_2 : vector<256x512xf32> to vector<131072xf32>
    %swap3A = arith.constant 0 : index
    %swap3A_3 = vector.load %arg2[%swap3A] : memref<131072xf32, #tpu.memory_space<vmem>>, vector<131072xf32>
    tpu.vector_store %arg2[%swap3A], %reshape3A {strides = array<i32>} : memref<131072xf32, #tpu.memory_space<vmem>>, vector<131072xf32>,
    return
  }
  func.func @transform_0(%arg0: i32) -> (i32, i32) {
    %c0_i32 = arith.constant 0 : i32
    %c0_i32_0 = arith.constant 0 : i32
    %c0_i32_1 = arith.constant 0 : i32
    return %c0_i32, %c0_i32_0 : i32, i32
  }
  func.func @transform_1(%arg0: i32) -> i32 {
    %c0_i32 = arith.constant 0 : i32
    %c0_i32_0 = arith.constant 0 : i32
    return %c0_i32 : i32
  }
}

</mosaic_0001>

<sc_bundles>
// kernel: kernel.4.cloned.1.call-start
scs
__scs_entry_jumppad:
0x0: {  	(pc) =	sbr.rel $0x88, $3  }
0x1: {  	(tag) =	ssettag $0x0;
	lr =	simm.s32 $0x1  }
0x2: {  	[smem:$0x3F9F] =	sst lr;
	_ =	strace $0xD0000000  }
0x3: {  	_ = 	snop  }
0x4: {  	_ = 	snop  }
0x5: {  	_ = 	snop  }
0x6: {  	_ = 	snop  }
0x7: {  	_ = 	snop  }
__scs_overlays_trampoline_lowered:
0x8: {  	[smem:$0x3FAE] =	sst s0  }
0x9: {  	[smem:$0x3FAF] =	sst s1  }
0xa: {  	[smem:$0x3FB0] =	sst s2  }
0xb: {  	[smem:$0x3FB1] =	sst s3  }
0xc: {  	[smem:$0x3FB2] =	sst s4  }
0xd: {  	[smem:$0x3FB3] =	sst s5  }
0xe: {  	[smem:$0x3FB4] =	sst s6  }
0xf: {  	[smem:$0x3FB5] =	sst s7  }
0x10: {  	[smem:$0x3FB6] =	sst s8  }
0x11: {  	[smem:$0x3FB7] =	sst s9;
	s0 =	simm.s32 @!p0 $0x0  }
0x12: {  	s1 =	sld [smem:$0x3F9D];
	s0 =	simm.s32 @p0 $0x1  }
0x13: {  	[smem:$0x3FB8] =	sst s0;
	s0 =	simm.s32 @!p1 $0x0  }
0x14: {  	s2 =	sld [smem:$0x3F9C];
	s0 =	simm.s32 @p1 $0x1  }
0x15: {  	[smem:$0x3FB9] =	sst s0;
	s0 =	simm.s32 @!p2 $0x0  }
0x16: {  	s3 =	sld [smem:$0x3FDB];
	s0 =	simm.s32 @p2 $0x1  }
0x17: {  	s4 =	simm.s32 $0x1BF5;
	[smem:$0x3FBB] =	sst s0  }
0x18: {  	s0 =	sld [smem:$0x3F9E];
	_ =	swait.ge [sflag:s4], $0x0  }
0x19: {  	s7 =	sld [smem:$0x3F9F]  }
0x1a: {  	s8 =	sadd.s32 $0xFFFFE003, lr  }
0x1b: {  	s9 =	sadd.s32 $0xFFFFFEF7, lr;
	s5 =	simm.s32 $0xFFFFFFFF;
	p2 =	slt.u32 s8, $0xFFFFF086  }
0x1c: {  	p1 =	slt.u32 s9, $0xF7A;
	s5 =	simm.s32 @!p2 $0x0  }
0x1d: {  	s5 =	simm.s32 @p1 $0x1;
	p0 =	seq.s32 s7, s2  }
0x1e: {  	s7 =	smul.u32 @!p0 $0xF7A, s2;
	p2 =	seq.s32 @!p0 s5, $0x0  }
0x1f: {  	s9 =	smul.u32 $0xF7A, s1;
	s8 =	simm.s32 @!p0 $0x1BF5;
	p2 =	por !p2, p0  }
0x20: {  	[sflag:s8] =	ssyncset.s32 @!p0 $0xFFFFF086;
	s6 =	sadd.s32 @!p0 s3, s7;
	s7 =	simm.s32 @!p0 $0x108  }
0x21: {  	s3 =	sadd.s32 s3, s9;
	s6 =	sadd.s32 @!p0 $0x88, s6;
	s7 =	simm.s32 @p2 $0x1082  }
0x22: {  	[simem:s7], [sflag:s8] =	dma.local @!p0 [hbm:s6], $0xF7A  }
0x23: {  	s9 =	sor.u32 $0xD0000000, s2;
	s6 =	simm.s32 $0x108;
	_ =	swait.ge @!p0 [sflag:s8], $0x0  }
0x24: {  	s3 =	sadd.s32 $0x88, s3;
	s6 =	simm.s32 @!p1 $0x1082;
	[sflag:s4] =	ssyncset.s32 $0xFFFFF086  }
0x25: {  	[simem:s6], [sflag:s4] =	dma.local [hbm:s3], $0xF7A  }
0x26: {  	[smem:$0x3F9F] =	sst s1;
	(tag) =	ssettag s2;
	_ =	strace s9  }
0x27: {  	s1 =	sld [smem:$0x3FAF]  }
0x28: {  	s2 =	sld [smem:$0x3FB0]  }
0x29: {  	s4 =	sld [smem:$0x3FB2]  }
0x2a: {  	p0 =	seq.s32 s5, $0x0;
	s5 =	sld [smem:$0x3FB3]  }
0x2b: {  	s6 =	sld [smem:$0x3FB4]  }
0x2c: {  	s7 =	sld [smem:$0x3FB5]  }
0x2d: {  	s3 =	simm.s32 $0x108;
	s8 =	sld [smem:$0x3FB6]  }
0x2e: {  	s3 =	simm.s32 @!p0 $0x1082;
	s9 =	sld [smem:$0x3FB7]  }
0x2f: {  	lr =	sadd.s32 s0, s3;
	s0 =	sld [smem:$0x3FAE]  }
0x30: {  	s3 =	sld [smem:$0x3FB1]  }
0x31: {  	[smem:$0x3FBA] =	sst s10  }
0x32: {  	s10 =	sld [smem:$0x3FB8];
	_ =	sdelay $0x3  }
0x33: {  	p0 =	seq.s32 s10, $0x1;
	s10 =	sld [smem:$0x3FBA];
	_ =	sdelay $0x3  }
0x34: {  	[smem:$0x3FBA] =	sst s10  }
0x35: {  	s10 =	sld [smem:$0x3FB9];
	_ =	sdelay $0x3  }
0x36: {  	p1 =	seq.s32 s10, $0x1;
	s10 =	sld [smem:$0x3FBA];
	_ =	sdelay $0x3  }
0x37: {  	[smem:$0x3FBA] =	sst s10  }
0x38: {  	s10 =	sld [smem:$0x3FBB]  }
0x39: {  	_ = 	snop;
	(pc) =	sbr.ind lr, $3  }
0x3a: {  	_ = 	snop  }
0x3b: {  	_ = 	snop  }
0x3c: {  	p2 =	seq.s32 s10, $0x1;
	s10 =	sld [smem:$0x3FBA]  }
0x3d: {  	_ =	shalt  }
0x3e: {  	_ =	shalt  }
0x3f: {  	_ =	shalt  }
0x40: {  	_ =	shalt  }
0x41: {  	_ =	shalt  }
0x42: {  	_ =	shalt  }
0x43: {  	_ =	shalt  }
0x44: {  	_ =	shalt  }
0x45: {  	_ =	shalt  }
0x46: {  	_ =	shalt  }
0x47: {  	_ =	shalt  }
0x48: {  	_ =	shalt  }
0x49: {  	_ =	shalt  }
0x4a: {  	_ =	shalt  }
0x4b: {  	_ =	shalt  }
0x4c: {  	_ =	shalt  }
0x4d: {  	_ =	shalt  }
0x4e: {  	_ =	shalt  }
0x4f: {  	_ =	shalt  }
0x50: {  	_ =	shalt  }
0x51: {  	_ =	shalt  }
0x52: {  	_ =	shalt  }
0x53: {  	_ =	shalt  }
0x54: {  	_ =	shalt  }
0x55: {  	_ =	shalt  }
0x56: {  	_ =	shalt  }
0x57: {  	_ =	shalt  }
0x58: {  	_ =	shalt  }
0x59: {  	_ =	shalt  }
0x5a: {  	_ =	shalt  }
0x5b: {  	_ =	shalt  }
0x5c: {  	_ =	shalt  }
0x5d: {  	_ =	shalt  }
0x5e: {  	_ =	shalt  }
0x5f: {  	_ =	shalt  }
0x60: {  	_ =	shalt  }
0x61: {  	_ =	shalt  }
0x62: {  	_ =	shalt  }
0x63: {  	_ =	shalt  }
0x64: {  	_ =	shalt  }
0x65: {  	_ =	shalt  }
0x66: {  	_ =	shalt  }
0x67: {  	_ =	shalt  }
0x68: {  	_ =	shalt  }
0x69: {  	_ =	shalt  }
0x6a: {  	_ =	shalt  }
0x6b: {  	_ =	shalt  }
0x6c: {  	_ =	shalt  }
0x6d: {  	_ =	shalt  }
0x6e: {  	_ =	shalt  }
0x6f: {  	_ =	shalt  }
0x70: {  	_ =	shalt  }
0x71: {  	_ =	shalt  }
0x72: {  	_ =	shalt  }
0x73: {  	_ =	shalt  }
0x74: {  	_ =	shalt  }
0x75: {  	_ =	shalt  }
0x76: {  	_ =	shalt  }
0x77: {  	_ =	shalt  }
0x78: {  	_ =	shalt  }
0x79: {  	_ =	shalt  }
0x7a: {  	_ =	shalt  }
0x7b: {  	_ =	shalt  }
0x7c: {  	_ =	shalt  }
0x7d: {  	_ =	shalt  }
0x7e: {  	_ =	shalt  }
0x7f: {  	_ =	shalt  }
0x80: {  	_ =	shalt  }
0x81: {  	_ =	shalt  }
0x82: {  	_ =	shalt  }
0x83: {  	_ =	shalt  }
0x84: {  	_ =	shalt  }
0x85: {  	_ =	shalt  }
0x86: {  	_ =	shalt  }
0x87: {  	_ =	shalt  }
.Lfunc_end0:
.L_simem_size_0:
called_computation_lowered:
.L_overlay_start_0:
0x88: {  	s2 =	sld [smem:$0x3FD9]  }
0x89: {  	s3 =	sld [smem:$0x3FFE];
	_ =	sdelay $0x1  }
0x8a: {  	s1 =	srdreg.scid  }
0x8b: {  	s0 =	sand.u32 $0x1, s1  }
0x8c: {  	s17 =	sshll.u32 s0, $0xA;
	s2 =	sadd.s32 s3, s2  }
0x8d: {  	s2 =	sadd.s32 s2, s17  }
0x8e: {  	[smem:$0x3FC6] =	sst s2  }
0x8f: {  	_ = 	snop  }
0x90: {  	s2 =	sld [smem:$0x3FD0];
	(tm) =	ssettm $0x1  }
0x91: {  	s18 =	sld [smem:$0x3FFB];
	_ =	sdelay $0x3  }
0x92: {  	_ =	strace s18  }
0x93: {  	s3 =	sld [smem:$0x3FFC];
	_ =	sdelay $0x3  }
0x94: {  	_ =	strace s3  }
0x95: {  	s3 =	sld [smem:$0x3FFD];
	_ =	sdelay $0x3  }
0x96: {  	_ =	strace s3  }
0x97: {  	_ =	strace $0x8FFFFFFF  }
0x98: {  	s19 =	sld [smem:$0x3FDB];
	_ =	sdelay $0x1  }
0x99: {  	s4 =	simm.s32 $_scs_section_size  }
0x9a: {  	s5 =	simm.s32 $_size__tile_overlayer_lowered;
	s6 =	simm.s32 $_tile_overlayer_lowered  }
0x9b: {  	s22 =	simm.s32 $0x1BFF;
	s21 =	sshll.u32 s6, $0x1;
	s3 =	sadd.s32 s4, s19  }
0x9c: {  	s7 =	simm.s32 $0x0;
	s20 =	sshll.u32 s5, $0x1;
	s5 =	sadd.s32 s21, s3  }
0x9d: {  	[timem:s7], [sflag:s22] =	dma.local [hbm:s5], s20  }
0x9e: {  	_ =	swait.ge [sflag:s22], s20  }
0x9f: {  	s4 =	ssub.s32 $0x0, s20;
	[sflag:s22] =	ssyncset.done $0x0  }
0xa0: {  	[sflag:s22] =	ssyncadd.s32 s4;
	_ =	sdelay $0x1  }
0xa1: {  	s23 =	simm.s32 $0x1B8B  }
0xa2: {  	_ =	swait.ge [sflag:s23], $0x1  }
0xa3: {  	[sflag:s23] =	ssyncset.done $0x0  }
0xa4: {  	s25 =	simm.s32 $0x1B8E;
	s24 =	sld [smem:$0x3FFE];
	[sflag:s23] =	ssyncadd.s32 $0xFFFFFFFF  }
0xa5: {  	s26 =	simm.s32 $execute0_lowered;
	[smem:$0x3FD2] =	sst s25  }
0xa6: {  	s5 =	sshll.u32 s26, $0x1;
	_ =	strace $0x80000046;
	[dreg:$0x1] =	wrdreg $0xFFFFFFFF  }
0xa7: {  	s28 =	simm.s32 $_size_execute0_lowered;
	s3 =	sadd.s32 s3, s5;
	[dreg:$0x0] =	wrdreg $0x0  }
0xa8: {  	s5 =	sshll.u32 s28, $0x1;
	[dreg:$0x2] =	wrdreg s3  }
0xa9: {  	[dreg:$0x3] =	wrdreg s5  }
0xaa: {  	[dreg:$0x4] =	wrdreg $0xC0  }
0xab: {  	_ =	task [dreg:s7], $0x5FFFF  }
0xac: {  	[dreg:$0x1] =	wrdreg $0xFFFFFFFF  }
0xad: {  	[dreg:$0x0] =	wrdreg $0x60  }
0xae: {  	[dreg:$0x2] =	wrdreg s24  }
0xaf: {  	[dreg:$0x3] =	wrdreg s2  }
0xb0: {  	[dreg:$0x4] =	wrdreg $0x9  }
0xb1: {  	_ =	task.clear_ibuf [dreg:s7], $0x5FFFF;
	_ =	strace $0x90000046  }
0xb2: {  	s29 =	simm.s32 $0x9;
	_ =	strace $0x80000048  }
0xb3: {  	_ =	swait.ge [sflag:s29], $0x1  }
0xb4: {  	[sflag:s29] =	ssyncadd.s32 $0xFFFFFFFF  }
0xb5: {  	_ =	strace $0x90000048  }
0xb6: {  	_ =	sfence  }
0xb7: {  	s30 =	sld [smem:$0x0];
	_ =	sdelay $0x2  }
0xb8: {  	s31 =	sshll.u32 s1, $0xD;
	s1 =	sshrl.u32 s1, $0x2  }
0xb9: {  	s3 =	sand.u32 $0x4000, s31;
	s1 =	sadd.s32 s1, s30  }
0xba: {  	s0 =	sor.u32 s3, s0;
	s1 =	sshll.u32 s1, $0x11  }
0xbb: {  	s0 =	sor.u32 s1, s0  }
0xbc: {  	s0 =	sadd.s32 $0x8F2B, s0  }
0xbd: {  	[sflag:s0] =	ssyncadd.remote.s32 $0x1  }
0xbe: {  	_ =	sfence.sel $0xFFFF  }
0xbf: {  	[dreg:$0x0] =	wrdreg $0xFFFFFFFF;
	(pc) =	sbr.abs _section_cstart, $3  }
0xc0: {  	[dreg:$0x1] =	wrdreg $0xFFFFFFFF  }
0xc1: {  	_ =	task.clear_ibuf [dreg:s7], $0x2FFFF;
	_ =	strace $0x9FFFFFFF  }
0xc2: {  	(tm) =	ssettm $0x7FFFFFFF  }
0xc3: {  	_ =	shalt  }
tec
execute0_lowered:
.L_overlay_start_1:
0x0: {  	(tag) =	ssettag $0x1  }
0x1: {  	s3 =	rddreg [dreg:$0x0]  }
0x2: {  	s6 =	rddreg [dreg:$0x1]  }
0x3: {  	s0 =	rddreg [dreg:$0x2];
	s4 =	srdreg.scid  }
0x4: {  	s2 =	simm.s32 $0x0;
	s1 =	stileid.u32;
	s9 =	simm.s32 $0x80  }
0x5: {  	s10 =	simm.s32 $0x100;
	s11 =	simm.s32 $0x580;
	s12 =	simm.s32 $0x180  }
0x6: {  	s13 =	simm.s32 $0x600;
	s14 =	simm.s32 $0x200;
	s15 =	simm.s32 $0x680  }
0x7: {  	s16 =	simm.s32 $0x280;
	s17 =	simm.s32 $0x700;
	s18 =	simm.s32 $0x300  }
0x8: {  	s19 =	simm.s32 $0x780;
	s20 =	simm.s32 $0x380;
	s21 =	simm.s32 $0x800  }
0x9: {  	s22 =	simm.s32 $0x400;
	s23 =	simm.s32 $0x880;
	s24 =	simm.s32 $0x480  }
0xa: {  	s25 =	simm.s32 $0x900;
	s26 =	simm.s32 $0x500;
	s28 =	simm.s32 $0x980  }
0xb: {  	s29 =	simm.s32 $0x1;
	s30 =	simm.s32 $0xA00;
	s4 =	sand.u32 $0x1, s4  }
0xc: {  	[smem:$0x7FF] =	sst s2;
	s5 =	sshll.u32 s1, $0x5;
	s7 =	sshll.u32 s4, $0x4  }
0xd: {  	_ =	strace $0x80000047;
	s4 =	ssub.s32 $0x2, s4;
	s7 =	sor.u32 s7, s5  }
0xe: {  	s8 =	sshrl.u32 s4, $0x1;
	s5 =	sadd.s32 s7, s3;
	s3 =	sadd.s32 $0xE00, s3  }
0xf: {  	s8 =	ssub.s32 s4, s8;
	s6 =	sadd.s32 s6, s7;
	s4 =	sadd.s32 $0xC00, s5  }
0x10: {  	s5 =	sadd.s32 $0xA00, s5;
	s7 =	smax.u32 s8, $0x1;
	s8 =	simm.s32 $0x2  }
.LBB2_1:
0x11: {  	[tilespmem:s2], [sflag:$0x2] =	stream.linear.gather [hbm4b:s4+s2], $0x80, $0x38;
	[tilespmem:$0xA80] =	vst v63  }
0x12: {  	_ =	swait.ge [sflag:s8], $0x80  }
0x13: {  	[sflag:s8] =	ssyncset.done $0x0  }
0x14: {  	[sflag:s8] =	ssyncadd.s32 $0xFFFFFF80  }
0x15: {  	[tilespmem:s9], [sflag:$0x2] =	stream.linear.gather [hbm4b:s5+s2], $0x80, $0x38;
	[tilespmem:$0xA80] =	vst v63  }
0x16: {  	_ =	swait.ge [sflag:s8], $0x80  }
0x17: {  	[sflag:s8] =	ssyncset.done $0x0  }
0x18: {  	[sflag:s8] =	ssyncadd.s32 $0xFFFFFF80  }
0x19: {  	v0 =	vld [tilespmem:$0x0]  }
0x1a: {  	v1 =	vld [tilespmem:$0x80];
	_ =	sdelay $0x4  }
0x1b: {  	v2 =	vadd.s32 $0x100, v1;
	v0 =	vshll.u32 v0, $0x9  }
0x1c: {  	v3 =	vshra.s32 v2, $0x8;
	v4 =	vadd.s32 $0xFFFFFFFF, v0  }
0x1d: {  	v5 =	vshra.s32 v2, $0x7;
	v3 =	vadd.s32 v3, v4  }
0x1e: {  	v57 =	vshra.s32 v2, $0x6;
	v56 =	vadd.s32 v5, v4;
	[tilespmem:$0x100] =	vst v3  }
0x1f: {  	v6 =	vld [tilespmem:$0x10];
	v59 =	vshra.s32 v2, $0x5;
	v58 =	vadd.s32 v57, v4;
	[tilespmem:$0x180] =	vst v56  }
0x20: {  	v61 =	vshra.s32 v2, $0x4;
	v60 =	vadd.s32 v59, v4;
	[tilespmem:$0x200] =	vst v58;
	v7 =	vld [tilespmem:$0x90]  }
0x21: {  	v63 =	vshra.s32 v2, $0x3;
	v62 =	vadd.s32 v61, v4;
	[tilespmem:$0x280] =	vst v60  }
0x22: {  	v9 =	vshra.s32 v2, $0x2;
	v8 =	vadd.s32 v63, v4;
	[tilespmem:$0x300] =	vst v62  }
0x23: {  	v2 =	vshra.s32 v2, $0x1;
	v10 =	vadd.s32 v9, v4;
	[tilespmem:$0x380] =	vst v8  }
0x24: {  	v12 =	vshll.u32 v6, $0x9;
	v0 =	vadd.s32 v0, v1;
	v2 =	vadd.s32 v2, v4;
	[tilespmem:$0x400] =	vst v10  }
0x25: {  	v0 =	vadd.s32 $0xFF, v0;
	[tilespmem:$0x480] =	vst v2;
	v11 =	vadd.s32 $0x100, v7;
	v30 =	vadd.s32 v12, v7  }
0x26: {  	v14 =	vadd.s32 $0xFFFFFFFF, v12;
	[tilespmem:$0x500] =	vst v0;
	v13 =	vshra.s32 v11, $0x8;
	v0 =	vadd.s32 $0xFF, v30  }
0x27: {  	v22 =	vld [tilespmem:$0xA0];
	v16 =	vshra.s32 v11, $0x7;
	v15 =	vadd.s32 v13, v14;
	[tilespmem:$0x510] =	vst v0  }
0x28: {  	v19 =	vld [tilespmem:$0x20];
	v18 =	vshra.s32 v11, $0x6;
	v17 =	vadd.s32 v16, v14;
	[tilespmem:$0x110] =	vst v15  }
0x29: {  	v21 =	vshra.s32 v11, $0x5;
	v20 =	vadd.s32 v18, v14;
	[tilespmem:$0x190] =	vst v17  }
0x2a: {  	v24 =	vshra.s32 v11, $0x4;
	v23 =	vadd.s32 v21, v14;
	[tilespmem:$0x210] =	vst v20  }
0x2b: {  	v26 =	vshra.s32 v11, $0x3;
	v25 =	vadd.s32 v24, v14;
	[tilespmem:$0x290] =	vst v23  }
0x2c: {  	v31 =	vadd.s32 $0x100, v22;
	v28 =	vshra.s32 v11, $0x2;
	v27 =	vadd.s32 v26, v14;
	[tilespmem:$0x310] =	vst v25  }
0x2d: {  	v32 =	vshll.u32 v19, $0x9;
	v1 =	vshra.s32 v11, $0x1;
	v29 =	vadd.s32 v28, v14;
	[tilespmem:$0x390] =	vst v27  }
0x2e: {  	v33 =	vshra.s32 v31, $0x8;
	v34 =	vadd.s32 $0xFFFFFFFF, v32;
	v1 =	vadd.s32 v1, v14;
	[tilespmem:$0x410] =	vst v29  }
0x2f: {  	v36 =	vshra.s32 v31, $0x7;
	v35 =	vadd.s32 v33, v34;
	[tilespmem:$0x490] =	vst v1  }
0x30: {  	v42 =	vld [tilespmem:$0xB0];
	v38 =	vshra.s32 v31, $0x6;
	v37 =	vadd.s32 v36, v34;
	[tilespmem:$0x120] =	vst v35  }
0x31: {  	v39 =	vld [tilespmem:$0x30];
	v41 =	vshra.s32 v31, $0x5;
	v40 =	vadd.s32 v38, v34;
	[tilespmem:$0x1A0] =	vst v37  }
0x32: {  	v44 =	vshra.s32 v31, $0x4;
	v43 =	vadd.s32 v41, v34;
	[tilespmem:$0x220] =	vst v40  }
0x33: {  	v46 =	vshra.s32 v31, $0x3;
	v45 =	vadd.s32 v44, v34;
	[tilespmem:$0x2A0] =	vst v43  }
0x34: {  	v48 =	vshra.s32 v31, $0x2;
	v47 =	vadd.s32 v46, v34;
	[tilespmem:$0x320] =	vst v45  }
0x35: {  	v52 =	vadd.s32 $0x100, v42;
	v2 =	vshra.s32 v31, $0x1;
	v49 =	vadd.s32 v48, v34;
	[tilespmem:$0x3A0] =	vst v47  }
0x36: {  	v53 =	vshll.u32 v39, $0x9;
	v51 =	vadd.s32 v32, v22;
	v50 =	vadd.s32 v2, v34;
	[tilespmem:$0x420] =	vst v49  }
0x37: {  	v54 =	vshra.s32 v52, $0x8;
	v55 =	vadd.s32 $0xFFFFFFFF, v53;
	v0 =	vadd.s32 $0xFF, v51;
	[tilespmem:$0x4A0] =	vst v50  }
0x38: {  	v57 =	vshra.s32 v52, $0x7;
	v56 =	vadd.s32 v54, v55;
	[tilespmem:$0x520] =	vst v0  }
0x39: {  	v60 =	vld [tilespmem:$0x40];
	v59 =	vshra.s32 v52, $0x6;
	v58 =	vadd.s32 v57, v55;
	[tilespmem:$0x130] =	vst v56  }
0x3a: {  	v63 =	vld [tilespmem:$0xC0];
	v62 =	vshra.s32 v52, $0x5;
	v61 =	vadd.s32 v59, v55;
	[tilespmem:$0x1B0] =	vst v58  }
0x3b: {  	v10 =	vshra.s32 v52, $0x4;
	v9 =	vadd.s32 v62, v55;
	[tilespmem:$0x230] =	vst v61  }
0x3c: {  	v12 =	vshra.s32 v52, $0x3;
	v11 =	vadd.s32 v10, v55;
	[tilespmem:$0x2B0] =	vst v9  }
0x3d: {  	v13 =	vadd.s32 v12, v55;
	v14 =	vshra.s32 v52, $0x2;
	[tilespmem:$0x330] =	vst v11  }
0x3e: {  	v19 =	vshll.u32 v60, $0x9;
	v2 =	vshra.s32 v52, $0x1;
	[tilespmem:$0x3B0] =	vst v13;
	v15 =	vadd.s32 v14, v55  }
0x3f: {  	v18 =	vadd.s32 $0x100, v63;
	v16 =	vadd.s32 v2, v55;
	v17 =	vadd.s32 v53, v42;
	[tilespmem:$0x430] =	vst v15  }
0x40: {  	v21 =	vadd.s32 $0xFFFFFFFF, v19;
	v20 =	vshra.s32 v18, $0x8;
	[tilespmem:$0x4B0] =	vst v16;
	v0 =	vadd.s32 $0xFF, v17  }
0x41: {  	v23 =	vshra.s32 v18, $0x7;
	v22 =	vadd.s32 v20, v21;
	[tilespmem:$0x530] =	vst v0  }
0x42: {  	v25 =	vshra.s32 v18, $0x6;
	v24 =	vadd.s32 v23, v21;
	[tilespmem:$0x140] =	vst v22  }
0x43: {  	v26 =	vld [tilespmem:$0x50];
	v28 =	vshra.s32 v18, $0x5;
	v27 =	vadd.s32 v25, v21;
	[tilespmem:$0x1C0] =	vst v24  }
0x44: {  	v29 =	vld [tilespmem:$0xD0];
	v31 =	vshra.s32 v18, $0x4;
	v30 =	vadd.s32 v28, v21;
	[tilespmem:$0x240] =	vst v27  }
0x45: {  	v33 =	vshra.s32 v18, $0x3;
	v32 =	vadd.s32 v31, v21;
	[tilespmem:$0x2C0] =	vst v30  }
0x46: {  	v35 =	vshra.s32 v18, $0x2;
	v34 =	vadd.s32 v33, v21;
	[tilespmem:$0x340] =	vst v32  }
0x47: {  	v2 =	vshra.s32 v18, $0x1;
	v36 =	vadd.s32 v35, v21;
	[tilespmem:$0x3C0] =	vst v34  }
0x48: {  	v38 =	vadd.s32 v19, v63;
	v37 =	vadd.s32 v2, v21;
	[tilespmem:$0x440] =	vst v36;
	v40 =	vshll.u32 v26, $0x9  }
0x49: {  	[tilespmem:$0x4C0] =	vst v37;
	v0 =	vadd.s32 $0xFF, v38;
	v39 =	vadd.s32 $0x100, v29;
	v59 =	vadd.s32 v40, v29  }
0x4a: {  	[tilespmem:$0x540] =	vst v0;
	v42 =	vadd.s32 $0xFFFFFFFF, v40;
	v41 =	vshra.s32 v39, $0x8;
	v0 =	vadd.s32 $0xFF, v59  }
0x4b: {  	v50 =	vld [tilespmem:$0xE0];
	v44 =	vshra.s32 v39, $0x7;
	v43 =	vadd.s32 v41, v42;
	[tilespmem:$0x550] =	vst v0  }
0x4c: {  	v47 =	vld [tilespmem:$0x60];
	v46 =	vshra.s32 v39, $0x6;
	v45 =	vadd.s32 v44, v42;
	[tilespmem:$0x150] =	vst v43  }
0x4d: {  	v49 =	vshra.s32 v39, $0x5;
	v48 =	vadd.s32 v46, v42;
	[tilespmem:$0x1D0] =	vst v45  }
0x4e: {  	v52 =	vshra.s32 v39, $0x4;
	v51 =	vadd.s32 v49, v42;
	[tilespmem:$0x250] =	vst v48  }
0x4f: {  	v54 =	vshra.s32 v39, $0x3;
	v53 =	vadd.s32 v52, v42;
	[tilespmem:$0x2D0] =	vst v51  }
0x50: {  	v60 =	vadd.s32 $0x100, v50;
	v56 =	vshra.s32 v39, $0x2;
	v55 =	vadd.s32 v54, v42;
	[tilespmem:$0x350] =	vst v53  }
0x51: {  	v61 =	vshll.u32 v47, $0x9;
	v2 =	vshra.s32 v39, $0x1;
	v57 =	vadd.s32 v56, v42;
	[tilespmem:$0x3D0] =	vst v55  }
0x52: {  	v62 =	vshra.s32 v60, $0x8;
	v63 =	vadd.s32 $0xFFFFFFFF, v61;
	v58 =	vadd.s32 v2, v42;
	[tilespmem:$0x450] =	vst v57  }
0x53: {  	v10 =	vshra.s32 v60, $0x7;
	v9 =	vadd.s32 v62, v63;
	[tilespmem:$0x4D0] =	vst v58  }
0x54: {  	v13 =	vld [tilespmem:$0x70];
	v12 =	vshra.s32 v60, $0x6;
	v11 =	vadd.s32 v10, v63;
	[tilespmem:$0x160] =	vst v9  }
0x55: {  	v16 =	vld [tilespmem:$0xF0];
	v15 =	vshra.s32 v60, $0x5;
	v14 =	vadd.s32 v12, v63;
	[tilespmem:$0x1E0] =	vst v11  }
0x56: {  	v18 =	vshra.s32 v60, $0x4;
	v17 =	vadd.s32 v15, v63;
	[tilespmem:$0x260] =	vst v14  }
0x57: {  	v20 =	vshra.s32 v60, $0x3;
	v19 =	vadd.s32 v18, v63;
	[tilespmem:$0x2E0] =	vst v17  }
0x58: {  	v22 =	vshra.s32 v60, $0x2;
	v21 =	vadd.s32 v20, v63;
	[tilespmem:$0x360] =	vst v19  }
0x59: {  	v27 =	vshll.u32 v13, $0x9;
	v25 =	vadd.s32 v61, v50;
	v23 =	vadd.s32 v22, v63;
	[tilespmem:$0x3E0] =	vst v21  }
0x5a: {  	v26 =	vadd.s32 $0x100, v16;
	v2 =	vshra.s32 v60, $0x1;
	v0 =	vadd.s32 $0xFF, v25;
	[tilespmem:$0x460] =	vst v23  }
0x5b: {  	v29 =	vadd.s32 $0xFFFFFFFF, v27;
	v28 =	vshra.s32 v26, $0x8;
	v24 =	vadd.s32 v2, v63;
	[tilespmem:$0x560] =	vst v0  }
0x5c: {  	v31 =	vshra.s32 v26, $0x7;
	v30 =	vadd.s32 v28, v29;
	[tilespmem:$0x4E0] =	vst v24  }
0x5d: {  	v33 =	vshra.s32 v26, $0x6;
	v32 =	vadd.s32 v31, v29;
	[tilespmem:$0x170] =	vst v30  }
0x5e: {  	v35 =	vshra.s32 v26, $0x5;
	v34 =	vadd.s32 v33, v29;
	[tilespmem:$0x1F0] =	vst v32  }
0x5f: {  	v37 =	vshra.s32 v26, $0x4;
	v36 =	vadd.s32 v35, v29;
	[tilespmem:$0x270] =	vst v34  }
0x60: {  	v39 =	vshra.s32 v26, $0x3;
	v38 =	vadd.s32 v37, v29;
	[tilespmem:$0x2F0] =	vst v36  }
0x61: {  	v41 =	vshra.s32 v26, $0x2;
	v40 =	vadd.s32 v39, v29;
	[tilespmem:$0x370] =	vst v38  }
0x62: {  	v42 =	vadd.s32 v41, v29;
	v43 =	vshra.s32 v26, $0x1;
	[tilespmem:$0x3F0] =	vst v40  }
0x63: {  	v45 =	vadd.s32 v27, v16;
	[tilespmem:$0x470] =	vst v42;
	v44 =	vadd.s32 v43, v29  }
0x64: {  	v46 =	vadd.s32 $0xFF, v45;
	[tilespmem:$0x4F0] =	vst v44  }
0x65: {  	[tilespmem:$0x570] =	vst v46  }
0x66: {  	[tilespmem:s11], [sflag:$0x1] =	stream.indirect.gather [hbm4b:s3+s9], $0x1, s10, s9, $0xb8;
	[tilespmem:$0xA80] =	vst v63  }
0x67: {  	_ = 	snop  }
0x68: {  	[tilespmem:s13], [sflag:$0x1] =	stream.indirect.gather [hbm4b:s3+s9], $0x1, s12, s9, $0xb8;
	[tilespmem:$0xA80] =	vst v63  }
0x69: {  	_ = 	snop  }
0x6a: {  	[tilespmem:s15], [sflag:$0x1] =	stream.indirect.gather [hbm4b:s3+s9], $0x1, s14, s9, $0xb8;
	[tilespmem:$0xA80] =	vst v63  }
0x6b: {  	_ = 	snop  }
0x6c: {  	[tilespmem:s17], [sflag:$0x1] =	stream.indirect.gather [hbm4b:s3+s9], $0x1, s16, s9, $0xb8;
	[tilespmem:$0xA80] =	vst v63  }
0x6d: {  	_ = 	snop  }
0x6e: {  	[tilespmem:s19], [sflag:$0x1] =	stream.indirect.gather [hbm4b:s3+s9], $0x1, s18, s9, $0xb8;
	[tilespmem:$0xA80] =	vst v63  }
0x6f: {  	_ = 	snop  }
0x70: {  	[tilespmem:s21], [sflag:$0x1] =	stream.indirect.gather [hbm4b:s3+s9], $0x1, s20, s9, $0xb8;
	[tilespmem:$0xA80] =	vst v63  }
0x71: {  	_ = 	snop  }
0x72: {  	[tilespmem:s23], [sflag:$0x1] =	stream.indirect.gather [hbm4b:s3+s9], $0x1, s22, s9, $0xb8;
	[tilespmem:$0xA80] =	vst v63  }
0x73: {  	_ = 	snop  }
0x74: {  	[tilespmem:s25], [sflag:$0x1] =	stream.indirect.gather [hbm4b:s3+s9], $0x1, s24, s9, $0xb8;
	[tilespmem:$0xA80] =	vst v63  }
0x75: {  	_ = 	snop  }
0x76: {  	[tilespmem:s28], [sflag:$0x1] =	stream.indirect.gather [hbm4b:s3+s9], $0x1, s26, s9, $0xb8;
	[tilespmem:$0xA80] =	vst v63  }
0x77: {  	_ =	swait.ge [sflag:s29], $0x80  }
0x78: {  	[sflag:s29] =	ssyncset.done $0x0  }
0x79: {  	[sflag:s29] =	ssyncadd.s32 $0xFFFFFF80  }
0x7a: {  	_ =	swait.ge [sflag:s29], $0x80  }
0x7b: {  	[sflag:s29] =	ssyncset.done $0x0  }
0x7c: {  	[sflag:s29] =	ssyncadd.s32 $0xFFFFFF80  }
0x7d: {  	_ =	swait.ge [sflag:s29], $0x80  }
0x7e: {  	[sflag:s29] =	ssyncset.done $0x0  }
0x7f: {  	[sflag:s29] =	ssyncadd.s32 $0xFFFFFF80  }
0x80: {  	_ =	swait.ge [sflag:s29], $0x80  }
0x81: {  	[sflag:s29] =	ssyncset.done $0x0  }
0x82: {  	[sflag:s29] =	ssyncadd.s32 $0xFFFFFF80  }
0x83: {  	_ =	swait.ge [sflag:s29], $0x80  }
0x84: {  	[sflag:s29] =	ssyncset.done $0x0  }
0x85: {  	[sflag:s29] =	ssyncadd.s32 $0xFFFFFF80  }
0x86: {  	_ =	swait.ge [sflag:s29], $0x80  }
0x87: {  	[sflag:s29] =	ssyncset.done $0x0  }
0x88: {  	[sflag:s29] =	ssyncadd.s32 $0xFFFFFF80  }
0x89: {  	_ =	swait.ge [sflag:s29], $0x80  }
0x8a: {  	[sflag:s29] =	ssyncset.done $0x0  }
0x8b: {  	[sflag:s29] =	ssyncadd.s32 $0xFFFFFF80  }
0x8c: {  	_ =	swait.ge [sflag:s29], $0x80  }
0x8d: {  	[sflag:s29] =	ssyncset.done $0x0  }
0x8e: {  	[sflag:s29] =	ssyncadd.s32 $0xFFFFFF80  }
0x8f: {  	_ =	swait.ge [sflag:s29], $0x80  }
0x90: {  	[sflag:s29] =	ssyncset.done $0x0  }
0x91: {  	[sflag:s29] =	ssyncadd.s32 $0xFFFFFF80  }
0x92: {  	v47 =	vld [tilespmem:$0x580];
	_ =	sdelay $0x4  }
0x93: {  	v0 =	vsub.f32 $0.0e+00, v47;
	_ =	sdelay $0x1  }
0x94: {  	v0 =	vmul.f32 $1.442695020e+00, v0;
	_ =	sdelay $0x1  }
0x95: {  	(erf) = vpow2.f32 v0;
	_ =	sdelay $0x3  }
0x96: {  	v48 =	vld [tilespmem:$0x600];
	_ =	sdelay $0x4  }
0x97: {  	v0 =	vsub.f32 $0.0e+00, v48;
	v49 =	vpop (erf)  }
0x98: {  	v1 =	vadd.f32 $1.000000000e+00, v49  }
0x99: {  	v0 =	vmul.f32 $1.442695020e+00, v0  }
0x9a: {  	(erf) = vrcp.f32 v1  }
0x9b: {  	(erf) = vpow2.f32 v0;
	_ =	sdelay $0x3  }
0x9c: {  	v50 =	vld [tilespmem:$0x680];
	_ =	sdelay $0x3  }
0x9d: {  	v51 =	vpop (erf)  }
0x9e: {  	v1 =	vsub.f32 $0.0e+00, v50;
	v52 =	vpop (erf)  }
0x9f: {  	v2 =	vadd.f32 $1.000000000e+00, v52  }
0xa0: {  	v1 =	vmul.f32 $1.442695020e+00, v1  }
0xa1: {  	(erf) = vrcp.f32 v2  }
0xa2: {  	(erf) = vpow2.f32 v1;
	_ =	sdelay $0x3  }
0xa3: {  	v53 =	vld [tilespmem:$0x700];
	_ =	sdelay $0x3  }
0xa4: {  	v54 =	vpop (erf)  }
0xa5: {  	v2 =	vsub.f32 $0.0e+00, v53;
	v55 =	vpop (erf)  }
0xa6: {  	v3 =	vadd.f32 $1.000000000e+00, v55  }
0xa7: {  	v2 =	vmul.f32 $1.442695020e+00, v2  }
0xa8: {  	(erf) = vrcp.f32 v3  }
0xa9: {  	(erf) = vpow2.f32 v2;
	_ =	sdelay $0x3  }
0xaa: {  	v56 =	vld [tilespmem:$0x780];
	_ =	sdelay $0x3  }
0xab: {  	v57 =	vpop (erf)  }
0xac: {  	v3 =	vsub.f32 $0.0e+00, v56;
	v58 =	vpop (erf)  }
0xad: {  	v4 =	vadd.f32 $1.000000000e+00, v58  }
0xae: {  	v3 =	vmul.f32 $1.442695020e+00, v3  }
0xaf: {  	(erf) = vrcp.f32 v4  }
0xb0: {  	(erf) = vpow2.f32 v3;
	_ =	sdelay $0x3  }
0xb1: {  	v59 =	vld [tilespmem:$0x800];
	_ =	sdelay $0x3  }
0xb2: {  	v60 =	vpop (erf)  }
0xb3: {  	v4 =	vsub.f32 $0.0e+00, v59;
	v61 =	vpop (erf)  }
0xb4: {  	v5 =	vadd.f32 $1.000000000e+00, v61  }
0xb5: {  	v4 =	vmul.f32 $1.442695020e+00, v4  }
0xb6: {  	(erf) = vrcp.f32 v5  }
0xb7: {  	(erf) = vpow2.f32 v4;
	_ =	sdelay $0x3  }
0xb8: {  	v62 =	vld [tilespmem:$0x880];
	_ =	sdelay $0x3  }
0xb9: {  	v63 =	vpop (erf)  }
0xba: {  	v5 =	vsub.f32 $0.0e+00, v62;
	v2 =	vpop (erf)  }
0xbb: {  	v6 =	vadd.f32 $1.000000000e+00, v2  }
0xbc: {  	v5 =	vmul.f32 $1.442695020e+00, v5  }
0xbd: {  	(erf) = vrcp.f32 v6  }
0xbe: {  	(erf) = vpow2.f32 v5;
	_ =	sdelay $0x3  }
0xbf: {  	v9 =	vld [tilespmem:$0x900];
	_ =	sdelay $0x3  }
0xc0: {  	v10 =	vpop (erf)  }
0xc1: {  	v6 =	vsub.f32 $0.0e+00, v9;
	v11 =	vpop (erf)  }
0xc2: {  	v7 =	vadd.f32 $1.000000000e+00, v11  }
0xc3: {  	v6 =	vmul.f32 $1.442695020e+00, v6  }
0xc4: {  	(erf) = vrcp.f32 v7  }
0xc5: {  	(erf) = vpow2.f32 v6;
	_ =	sdelay $0x3  }
0xc6: {  	v12 =	vld [tilespmem:$0x980];
	_ =	sdelay $0x3  }
0xc7: {  	v13 =	vpop (erf)  }
0xc8: {  	v6 =	vsub.f32 $0.0e+00, v12;
	v8 =	vpop (erf)  }
0xc9: {  	v8 =	vadd.f32 $1.000000000e+00, v8  }
0xca: {  	v6 =	vmul.f32 $1.442695020e+00, v6  }
0xcb: {  	(erf) = vrcp.f32 v8  }
0xcc: {  	(erf) = vpow2.f32 v6;
	_ =	sdelay $0x3  }
0xcd: {  	v14 =	vld [tilespmem:$0x590];
	_ =	sdelay $0x3  }
0xce: {  	v15 =	vpop (erf)  }
0xcf: {  	v6 =	vsub.f32 $0.0e+00, v14;
	v9 =	vpop (erf)  }
0xd0: {  	v9 =	vadd.f32 $1.000000000e+00, v9  }
0xd1: {  	v6 =	vmul.f32 $1.442695020e+00, v6  }
0xd2: {  	(erf) = vrcp.f32 v9  }
0xd3: {  	(erf) = vpow2.f32 v6;
	_ =	sdelay $0x3  }
0xd4: {  	v16 =	vld [tilespmem:$0x610];
	_ =	sdelay $0x3  }
0xd5: {  	v17 =	vpop (erf)  }
0xd6: {  	[tilespmem:$0x1FFC0] =	vst v10;
	v9 =	vsub.f32 $0.0e+00, v16;
	v10 =	vpop (erf)  }
0xd7: {  	v10 =	vadd.f32 $1.000000000e+00, v10  }
0xd8: {  	v9 =	vmul.f32 $1.442695020e+00, v9  }
0xd9: {  	(erf) = vrcp.f32 v10  }
0xda: {  	(erf) = vpow2.f32 v9;
	_ =	sdelay $0x3  }
0xdb: {  	v18 =	vld [tilespmem:$0x690];
	_ =	sdelay $0x3  }
0xdc: {  	v9 =	vpop (erf)  }
0xdd: {  	v10 =	vsub.f32 $0.0e+00, v18;
	v11 =	vpop (erf)  }
0xde: {  	v11 =	vadd.f32 $1.000000000e+00, v11  }
0xdf: {  	v10 =	vmul.f32 $1.442695020e+00, v10  }
0xe0: {  	(erf) = vrcp.f32 v11  }
0xe1: {  	(erf) = vpow2.f32 v10;
	_ =	sdelay $0x3  }
0xe2: {  	v19 =	vld [tilespmem:$0x710];
	_ =	sdelay $0x3  }
0xe3: {  	v10 =	vpop (erf)  }
0xe4: {  	v11 =	vsub.f32 $0.0e+00, v19;
	v12 =	vpop (erf)  }
0xe5: {  	v12 =	vadd.f32 $1.000000000e+00, v12  }
0xe6: {  	v11 =	vmul.f32 $1.442695020e+00, v11  }
0xe7: {  	(erf) = vrcp.f32 v12  }
0xe8: {  	(erf) = vpow2.f32 v11;
	_ =	sdelay $0x3  }
0xe9: {  	v20 =	vld [tilespmem:$0x790];
	_ =	sdelay $0x3  }
0xea: {  	v11 =	vpop (erf)  }
0xeb: {  	[tilespmem:$0x1FFD0] =	vst v13;
	v12 =	vsub.f32 $0.0e+00, v20;
	v13 =	vpop (erf)  }
0xec: {  	v13 =	vadd.f32 $1.000000000e+00, v13  }
0xed: {  	v12 =	vmul.f32 $1.442695020e+00, v12  }
0xee: {  	(erf) = vrcp.f32 v13  }
0xef: {  	(erf) = vpow2.f32 v12;
	_ =	sdelay $0x3  }
0xf0: {  	v21 =	vld [tilespmem:$0x810];
	_ =	sdelay $0x3  }
0xf1: {  	v12 =	vpop (erf)  }
0xf2: {  	v13 =	vsub.f32 $0.0e+00, v21;
	v14 =	vpop (erf)  }
0xf3: {  	v14 =	vadd.f32 $1.000000000e+00, v14  }
0xf4: {  	v13 =	vmul.f32 $1.442695020e+00, v13  }
0xf5: {  	(erf) = vrcp.f32 v14  }
0xf6: {  	(erf) = vpow2.f32 v13;
	_ =	sdelay $0x3  }
0xf7: {  	v22 =	vld [tilespmem:$0x890];
	_ =	sdelay $0x3  }
0xf8: {  	v13 =	vpop (erf)  }
0xf9: {  	[tilespmem:$0x1FFE0] =	vst v15;
	v14 =	vsub.f32 $0.0e+00, v22;
	v15 =	vpop (erf)  }
0xfa: {  	v15 =	vadd.f32 $1.000000000e+00, v15  }
0xfb: {  	v14 =	vmul.f32 $1.442695020e+00, v14  }
0xfc: {  	(erf) = vrcp.f32 v15  }
0xfd: {  	(erf) = vpow2.f32 v14;
	_ =	sdelay $0x3  }
0xfe: {  	v23 =	vld [tilespmem:$0x910];
	_ =	sdelay $0x3  }
0xff: {  	v14 =	vpop (erf)  }
0x100: {  	v15 =	vsub.f32 $0.0e+00, v23;
	v16 =	vpop (erf)  }
0x101: {  	v16 =	vadd.f32 $1.000000000e+00, v16  }
0x102: {  	v15 =	vmul.f32 $1.442695020e+00, v15  }
0x103: {  	(erf) = vrcp.f32 v16  }
0x104: {  	(erf) = vpow2.f32 v15;
	_ =	sdelay $0x3  }
0x105: {  	v24 =	vld [tilespmem:$0x990];
	_ =	sdelay $0x3  }
0x106: {  	v16 =	vpop (erf)  }
0x107: {  	[tilespmem:$0x1FFF0] =	vst v17;
	v15 =	vsub.f32 $0.0e+00, v24;
	v17 =	vpop (erf)  }
0x108: {  	v17 =	vadd.f32 $1.000000000e+00, v17  }
0x109: {  	v15 =	vmul.f32 $1.442695020e+00, v15  }
0x10a: {  	(erf) = vrcp.f32 v17  }
0x10b: {  	(erf) = vpow2.f32 v15;
	_ =	sdelay $0x3  }
0x10c: {  	v25 =	vld [tilespmem:$0x5A0];
	_ =	sdelay $0x3  }
0x10d: {  	v15 =	vpop (erf)  }
0x10e: {  	v17 =	vsub.f32 $0.0e+00, v25;
	v18 =	vpop (erf)  }
0x10f: {  	v18 =	vadd.f32 $1.000000000e+00, v18  }
0x110: {  	v17 =	vmul.f32 $1.442695020e+00, v17  }
0x111: {  	(erf) = vrcp.f32 v18  }
0x112: {  	(erf) = vpow2.f32 v17;
	_ =	sdelay $0x3  }
0x113: {  	v26 =	vld [tilespmem:$0x620];
	_ =	sdelay $0x3  }
0x114: {  	v17 =	vpop (erf)  }
0x115: {  	v18 =	vsub.f32 $0.0e+00, v26;
	v19 =	vpop (erf)  }
0x116: {  	v19 =	vadd.f32 $1.000000000e+00, v19  }
0x117: {  	v18 =	vmul.f32 $1.442695020e+00, v18  }
0x118: {  	(erf) = vrcp.f32 v19  }
0x119: {  	(erf) = vpow2.f32 v18;
	_ =	sdelay $0x3  }
0x11a: {  	v27 =	vld [tilespmem:$0x6A0];
	_ =	sdelay $0x3  }
0x11b: {  	v18 =	vpop (erf)  }
0x11c: {  	v19 =	vsub.f32 $0.0e+00, v27;
	v20 =	vpop (erf)  }
0x11d: {  	v20 =	vadd.f32 $1.000000000e+00, v20  }
0x11e: {  	v19 =	vmul.f32 $1.442695020e+00, v19  }
0x11f: {  	(erf) = vrcp.f32 v20  }
0x120: {  	(erf) = vpow2.f32 v19;
	_ =	sdelay $0x3  }
0x121: {  	v28 =	vld [tilespmem:$0x720];
	_ =	sdelay $0x3  }
0x122: {  	v19 =	vpop (erf)  }
0x123: {  	v20 =	vsub.f32 $0.0e+00, v28;
	v21 =	vpop (erf)  }
0x124: {  	v21 =	vadd.f32 $1.000000000e+00, v21  }
0x125: {  	v20 =	vmul.f32 $1.442695020e+00, v20  }
0x126: {  	(erf) = vrcp.f32 v21  }
0x127: {  	(erf) = vpow2.f32 v20;
	_ =	sdelay $0x3  }
0x128: {  	v29 =	vld [tilespmem:$0x7A0];
	_ =	sdelay $0x3  }
0x129: {  	v20 =	vpop (erf)  }
0x12a: {  	v21 =	vsub.f32 $0.0e+00, v29;
	v22 =	vpop (erf)  }
0x12b: {  	v22 =	vadd.f32 $1.000000000e+00, v22  }
0x12c: {  	v21 =	vmul.f32 $1.442695020e+00, v21  }
0x12d: {  	(erf) = vrcp.f32 v22  }
0x12e: {  	(erf) = vpow2.f32 v21;
	_ =	sdelay $0x3  }
0x12f: {  	v30 =	vld [tilespmem:$0x820];
	_ =	sdelay $0x3  }
0x130: {  	v21 =	vpop (erf)  }
0x131: {  	v22 =	vsub.f32 $0.0e+00, v30;
	v23 =	vpop (erf)  }
0x132: {  	v23 =	vadd.f32 $1.000000000e+00, v23  }
0x133: {  	v22 =	vmul.f32 $1.442695020e+00, v22  }
0x134: {  	(erf) = vrcp.f32 v23  }
0x135: {  	(erf) = vpow2.f32 v22;
	_ =	sdelay $0x3  }
0x136: {  	v31 =	vld [tilespmem:$0x8A0];
	_ =	sdelay $0x3  }
0x137: {  	v22 =	vpop (erf)  }
0x138: {  	v23 =	vsub.f32 $0.0e+00, v31;
	v24 =	vpop (erf)  }
0x139: {  	v24 =	vadd.f32 $1.000000000e+00, v24  }
0x13a: {  	v23 =	vmul.f32 $1.442695020e+00, v23  }
0x13b: {  	(erf) = vrcp.f32 v24  }
0x13c: {  	(erf) = vpow2.f32 v23;
	_ =	sdelay $0x3  }
0x13d: {  	v32 =	vld [tilespmem:$0x920];
	_ =	sdelay $0x3  }
0x13e: {  	v23 =	vpop (erf)  }
0x13f: {  	v24 =	vsub.f32 $0.0e+00, v32;
	v25 =	vpop (erf)  }
0x140: {  	v25 =	vadd.f32 $1.000000000e+00, v25  }
0x141: {  	v24 =	vmul.f32 $1.442695020e+00, v24  }
0x142: {  	(erf) = vrcp.f32 v25  }
0x143: {  	(erf) = vpow2.f32 v24;
	_ =	sdelay $0x3  }
0x144: {  	v33 =	vld [tilespmem:$0x9A0];
	_ =	sdelay $0x3  }
0x145: {  	v24 =	vpop (erf)  }
0x146: {  	v25 =	vsub.f32 $0.0e+00, v33;
	v26 =	vpop (erf)  }
0x147: {  	v26 =	vadd.f32 $1.000000000e+00, v26  }
0x148: {  	v25 =	vmul.f32 $1.442695020e+00, v25  }
0x149: {  	(erf) = vrcp.f32 v26  }
0x14a: {  	(erf) = vpow2.f32 v25;
	_ =	sdelay $0x3  }
0x14b: {  	v34 =	vld [tilespmem:$0x5B0];
	_ =	sdelay $0x3  }
0x14c: {  	v25 =	vpop (erf)  }
0x14d: {  	v26 =	vsub.f32 $0.0e+00, v34;
	v27 =	vpop (erf)  }
0x14e: {  	v27 =	vadd.f32 $1.000000000e+00, v27  }
0x14f: {  	v26 =	vmul.f32 $1.442695020e+00, v26  }
0x150: {  	(erf) = vrcp.f32 v27  }
0x151: {  	(erf) = vpow2.f32 v26;
	_ =	sdelay $0x3  }
0x152: {  	v35 =	vld [tilespmem:$0x630];
	_ =	sdelay $0x3  }
0x153: {  	v26 =	vpop (erf)  }
0x154: {  	v27 =	vsub.f32 $0.0e+00, v35;
	v28 =	vpop (erf)  }
0x155: {  	v28 =	vadd.f32 $1.000000000e+00, v28  }
0x156: {  	v27 =	vmul.f32 $1.442695020e+00, v27  }
0x157: {  	(erf) = vrcp.f32 v28  }
0x158: {  	(erf) = vpow2.f32 v27;
	_ =	sdelay $0x3  }
0x159: {  	v36 =	vld [tilespmem:$0x6B0];
	_ =	sdelay $0x3  }
0x15a: {  	v27 =	vpop (erf)  }
0x15b: {  	v28 =	vsub.f32 $0.0e+00, v36;
	v29 =	vpop (erf)  }
0x15c: {  	v29 =	vadd.f32 $1.000000000e+00, v29  }
0x15d: {  	v28 =	vmul.f32 $1.442695020e+00, v28  }
0x15e: {  	(erf) = vrcp.f32 v29  }
0x15f: {  	(erf) = vpow2.f32 v28;
	_ =	sdelay $0x3  }
0x160: {  	v37 =	vld [tilespmem:$0x730];
	_ =	sdelay $0x3  }
0x161: {  	v28 =	vpop (erf)  }
0x162: {  	v29 =	vsub.f32 $0.0e+00, v37;
	v30 =	vpop (erf)  }
0x163: {  	v30 =	vadd.f32 $1.000000000e+00, v30  }
0x164: {  	v29 =	vmul.f32 $1.442695020e+00, v29  }
0x165: {  	(erf) = vrcp.f32 v30  }
0x166: {  	(erf) = vpow2.f32 v29;
	_ =	sdelay $0x3  }
0x167: {  	v38 =	vld [tilespmem:$0x7B0];
	_ =	sdelay $0x3  }
0x168: {  	v29 =	vpop (erf)  }
0x169: {  	v30 =	vsub.f32 $0.0e+00, v38;
	v31 =	vpop (erf)  }
0x16a: {  	v31 =	vadd.f32 $1.000000000e+00, v31  }
0x16b: {  	v30 =	vmul.f32 $1.442695020e+00, v30  }
0x16c: {  	(erf) = vrcp.f32 v31  }
0x16d: {  	(erf) = vpow2.f32 v30;
	_ =	sdelay $0x3  }
0x16e: {  	v39 =	vld [tilespmem:$0x830];
	_ =	sdelay $0x3  }
0x16f: {  	v30 =	vpop (erf)  }
0x170: {  	v31 =	vsub.f32 $0.0e+00, v39;
	v32 =	vpop (erf)  }
0x171: {  	v32 =	vadd.f32 $1.000000000e+00, v32  }
0x172: {  	v31 =	vmul.f32 $1.442695020e+00, v31  }
0x173: {  	(erf) = vrcp.f32 v32  }
0x174: {  	(erf) = vpow2.f32 v31;
	_ =	sdelay $0x3  }
0x175: {  	v40 =	vld [tilespmem:$0x8B0];
	_ =	sdelay $0x3  }
0x176: {  	v31 =	vpop (erf)  }
0x177: {  	v32 =	vsub.f32 $0.0e+00, v40;
	v33 =	vpop (erf)  }
0x178: {  	v33 =	vadd.f32 $1.000000000e+00, v33  }
0x179: {  	v32 =	vmul.f32 $1.442695020e+00, v32  }
0x17a: {  	(erf) = vrcp.f32 v33  }
0x17b: {  	(erf) = vpow2.f32 v32;
	_ =	sdelay $0x3  }
0x17c: {  	v41 =	vld [tilespmem:$0x930];
	_ =	sdelay $0x3  }
0x17d: {  	v32 =	vpop (erf)  }
0x17e: {  	v33 =	vsub.f32 $0.0e+00, v41;
	v34 =	vpop (erf)  }
0x17f: {  	v34 =	vadd.f32 $1.000000000e+00, v34  }
0x180: {  	v33 =	vmul.f32 $1.442695020e+00, v33  }
0x181: {  	(erf) = vrcp.f32 v34  }
0x182: {  	(erf) = vpow2.f32 v33;
	_ =	sdelay $0x3  }
0x183: {  	v42 =	vld [tilespmem:$0x9B0];
	_ =	sdelay $0x3  }
0x184: {  	v33 =	vpop (erf)  }
0x185: {  	v34 =	vsub.f32 $0.0e+00, v42;
	v35 =	vpop (erf)  }
0x186: {  	v35 =	vadd.f32 $1.000000000e+00, v35  }
0x187: {  	v34 =	vmul.f32 $1.442695020e+00, v34  }
0x188: {  	(erf) = vrcp.f32 v35  }
0x189: {  	(erf) = vpow2.f32 v34;
	_ =	sdelay $0x3  }
0x18a: {  	v43 =	vld [tilespmem:$0x5C0];
	_ =	sdelay $0x3  }
0x18b: {  	v34 =	vpop (erf)  }
0x18c: {  	v35 =	vsub.f32 $0.0e+00, v43;
	v36 =	vpop (erf)  }
0x18d: {  	v36 =	vadd.f32 $1.000000000e+00, v36  }
0x18e: {  	v35 =	vmul.f32 $1.442695020e+00, v35  }
0x18f: {  	(erf) = vrcp.f32 v36  }
0x190: {  	(erf) = vpow2.f32 v35;
	_ =	sdelay $0x3  }
0x191: {  	v44 =	vld [tilespmem:$0x640];
	_ =	sdelay $0x3  }
0x192: {  	v35 =	vpop (erf)  }
0x193: {  	v36 =	vsub.f32 $0.0e+00, v44;
	v37 =	vpop (erf)  }
0x194: {  	v37 =	vadd.f32 $1.000000000e+00, v37  }
0x195: {  	v36 =	vmul.f32 $1.442695020e+00, v36  }
0x196: {  	(erf) = vrcp.f32 v37  }
0x197: {  	(erf) = vpow2.f32 v36;
	_ =	sdelay $0x3  }
0x198: {  	v45 =	vld [tilespmem:$0x6C0];
	_ =	sdelay $0x3  }
0x199: {  	v36 =	vpop (erf)  }
0x19a: {  	v37 =	vsub.f32 $0.0e+00, v45;
	v38 =	vpop (erf)  }
0x19b: {  	v38 =	vadd.f32 $1.000000000e+00, v38  }
0x19c: {  	v37 =	vmul.f32 $1.442695020e+00, v37  }
0x19d: {  	(erf) = vrcp.f32 v38  }
0x19e: {  	(erf) = vpow2.f32 v37;
	_ =	sdelay $0x3  }
0x19f: {  	v46 =	vld [tilespmem:$0x740];
	_ =	sdelay $0x3  }
0x1a0: {  	v37 =	vpop (erf)  }
0x1a1: {  	v38 =	vsub.f32 $0.0e+00, v46;
	v39 =	vpop (erf)  }
0x1a2: {  	v39 =	vadd.f32 $1.000000000e+00, v39  }
0x1a3: {  	v38 =	vmul.f32 $1.442695020e+00, v38  }
0x1a4: {  	(erf) = vrcp.f32 v39  }
0x1a5: {  	(erf) = vpow2.f32 v38;
	_ =	sdelay $0x3  }
0x1a6: {  	v47 =	vld [tilespmem:$0x7C0];
	_ =	sdelay $0x3  }
0x1a7: {  	v38 =	vpop (erf)  }
0x1a8: {  	v39 =	vsub.f32 $0.0e+00, v47;
	v40 =	vpop (erf)  }
0x1a9: {  	v40 =	vadd.f32 $1.000000000e+00, v40  }
0x1aa: {  	v39 =	vmul.f32 $1.442695020e+00, v39  }
0x1ab: {  	(erf) = vrcp.f32 v40  }
0x1ac: {  	(erf) = vpow2.f32 v39;
	_ =	sdelay $0x3  }
0x1ad: {  	v48 =	vld [tilespmem:$0x840];
	_ =	sdelay $0x3  }
0x1ae: {  	v39 =	vpop (erf)  }
0x1af: {  	v40 =	vsub.f32 $0.0e+00, v48;
	v41 =	vpop (erf)  }
0x1b0: {  	v41 =	vadd.f32 $1.000000000e+00, v41  }
0x1b1: {  	v40 =	vmul.f32 $1.442695020e+00, v40  }
0x1b2: {  	(erf) = vrcp.f32 v41  }
0x1b3: {  	(erf) = vpow2.f32 v40;
	_ =	sdelay $0x3  }
0x1b4: {  	v49 =	vld [tilespmem:$0x8C0];
	_ =	sdelay $0x3  }
0x1b5: {  	v40 =	vpop (erf)  }
0x1b6: {  	v41 =	vsub.f32 $0.0e+00, v49;
	v42 =	vpop (erf)  }
0x1b7: {  	v42 =	vadd.f32 $1.000000000e+00, v42  }
0x1b8: {  	v41 =	vmul.f32 $1.442695020e+00, v41  }
0x1b9: {  	(erf) = vrcp.f32 v42  }
0x1ba: {  	(erf) = vpow2.f32 v41;
	_ =	sdelay $0x3  }
0x1bb: {  	v50 =	vld [tilespmem:$0x940];
	_ =	sdelay $0x3  }
0x1bc: {  	v41 =	vpop (erf)  }
0x1bd: {  	v42 =	vsub.f32 $0.0e+00, v50;
	v43 =	vpop (erf)  }
0x1be: {  	v43 =	vadd.f32 $1.000000000e+00, v43  }
0x1bf: {  	v42 =	vmul.f32 $1.442695020e+00, v42  }
0x1c0: {  	(erf) = vrcp.f32 v43  }
0x1c1: {  	(erf) = vpow2.f32 v42;
	_ =	sdelay $0x3  }
0x1c2: {  	[tilespmem:$0x1FF70] =	vst v51;
	v51 =	vld [tilespmem:$0x9C0];
	_ =	sdelay $0x3  }
0x1c3: {  	v42 =	vpop (erf)  }
0x1c4: {  	v43 =	vsub.f32 $0.0e+00, v51;
	v44 =	vpop (erf)  }
0x1c5: {  	v44 =	vadd.f32 $1.000000000e+00, v44  }
0x1c6: {  	v43 =	vmul.f32 $1.442695020e+00, v43  }
0x1c7: {  	(erf) = vrcp.f32 v44  }
0x1c8: {  	(erf) = vpow2.f32 v43;
	_ =	sdelay $0x3  }
0x1c9: {  	v52 =	vld [tilespmem:$0x5D0];
	_ =	sdelay $0x3  }
0x1ca: {  	v43 =	vpop (erf)  }
0x1cb: {  	v44 =	vsub.f32 $0.0e+00, v52;
	v45 =	vpop (erf)  }
0x1cc: {  	v45 =	vadd.f32 $1.000000000e+00, v45  }
0x1cd: {  	v44 =	vmul.f32 $1.442695020e+00, v44  }
0x1ce: {  	(erf) = vrcp.f32 v45  }
0x1cf: {  	(erf) = vpow2.f32 v44;
	_ =	sdelay $0x3  }
0x1d0: {  	v53 =	vld [tilespmem:$0x650];
	_ =	sdelay $0x3  }
0x1d1: {  	v44 =	vpop (erf)  }
0x1d2: {  	v45 =	vsub.f32 $0.0e+00, v53;
	v46 =	vpop (erf)  }
0x1d3: {  	v46 =	vadd.f32 $1.000000000e+00, v46  }
0x1d4: {  	v45 =	vmul.f32 $1.442695020e+00, v45  }
0x1d5: {  	(erf) = vrcp.f32 v46  }
0x1d6: {  	(erf) = vpow2.f32 v45;
	_ =	sdelay $0x3  }
0x1d7: {  	[tilespmem:$0x1FF80] =	vst v54;
	v54 =	vld [tilespmem:$0x6D0];
	_ =	sdelay $0x3  }
0x1d8: {  	v45 =	vpop (erf)  }
0x1d9: {  	v46 =	vsub.f32 $0.0e+00, v54;
	v47 =	vpop (erf)  }
0x1da: {  	v47 =	vadd.f32 $1.000000000e+00, v47  }
0x1db: {  	v46 =	vmul.f32 $1.442695020e+00, v46  }
0x1dc: {  	(erf) = vrcp.f32 v47  }
0x1dd: {  	(erf) = vpow2.f32 v46;
	_ =	sdelay $0x3  }
0x1de: {  	v55 =	vld [tilespmem:$0x750];
	_ =	sdelay $0x3  }
0x1df: {  	v46 =	vpop (erf)  }
0x1e0: {  	v47 =	vsub.f32 $0.0e+00, v55;
	v48 =	vpop (erf)  }
0x1e1: {  	v48 =	vadd.f32 $1.000000000e+00, v48  }
0x1e2: {  	v47 =	vmul.f32 $1.442695020e+00, v47  }
0x1e3: {  	(erf) = vrcp.f32 v48  }
0x1e4: {  	(erf) = vpow2.f32 v47;
	_ =	sdelay $0x3  }
0x1e5: {  	v56 =	vld [tilespmem:$0x7D0];
	_ =	sdelay $0x3  }
0x1e6: {  	v47 =	vpop (erf)  }
0x1e7: {  	v48 =	vsub.f32 $0.0e+00, v56;
	v49 =	vpop (erf)  }
0x1e8: {  	v49 =	vadd.f32 $1.000000000e+00, v49  }
0x1e9: {  	v48 =	vmul.f32 $1.442695020e+00, v48  }
0x1ea: {  	(erf) = vrcp.f32 v49  }
0x1eb: {  	(erf) = vpow2.f32 v48;
	_ =	sdelay $0x3  }
0x1ec: {  	[tilespmem:$0x1FF90] =	vst v57;
	v57 =	vld [tilespmem:$0x850];
	_ =	sdelay $0x3  }
0x1ed: {  	v48 =	vpop (erf)  }
0x1ee: {  	v49 =	vsub.f32 $0.0e+00, v57;
	v50 =	vpop (erf)  }
0x1ef: {  	v50 =	vadd.f32 $1.000000000e+00, v50  }
0x1f0: {  	v49 =	vmul.f32 $1.442695020e+00, v49  }
0x1f1: {  	(erf) = vrcp.f32 v50  }
0x1f2: {  	(erf) = vpow2.f32 v49;
	_ =	sdelay $0x3  }
0x1f3: {  	v58 =	vld [tilespmem:$0x8D0];
	_ =	sdelay $0x3  }
0x1f4: {  	v49 =	vpop (erf)  }
0x1f5: {  	v50 =	vsub.f32 $0.0e+00, v58;
	v51 =	vpop (erf)  }
0x1f6: {  	v51 =	vadd.f32 $1.000000000e+00, v51  }
0x1f7: {  	v50 =	vmul.f32 $1.442695020e+00, v50  }
0x1f8: {  	(erf) = vrcp.f32 v51  }
0x1f9: {  	(erf) = vpow2.f32 v50;
	_ =	sdelay $0x3  }
0x1fa: {  	v59 =	vld [tilespmem:$0x950];
	_ =	sdelay $0x3  }
0x1fb: {  	v50 =	vpop (erf)  }
0x1fc: {  	v51 =	vsub.f32 $0.0e+00, v59;
	v52 =	vpop (erf)  }
0x1fd: {  	v52 =	vadd.f32 $1.000000000e+00, v52  }
0x1fe: {  	v51 =	vmul.f32 $1.442695020e+00, v51  }
0x1ff: {  	(erf) = vrcp.f32 v52  }
0x200: {  	(erf) = vpow2.f32 v51;
	_ =	sdelay $0x3  }
0x201: {  	[tilespmem:$0x1FFA0] =	vst v60;
	v60 =	vld [tilespmem:$0x9D0];
	_ =	sdelay $0x3  }
0x202: {  	v51 =	vpop (erf)  }
0x203: {  	v52 =	vsub.f32 $0.0e+00, v60;
	v53 =	vpop (erf)  }
0x204: {  	v53 =	vadd.f32 $1.000000000e+00, v53  }
0x205: {  	v52 =	vmul.f32 $1.442695020e+00, v52  }
0x206: {  	(erf) = vrcp.f32 v53  }
0x207: {  	(erf) = vpow2.f32 v52;
	_ =	sdelay $0x3  }
0x208: {  	v61 =	vld [tilespmem:$0x5E0];
	_ =	sdelay $0x3  }
0x209: {  	v52 =	vpop (erf)  }
0x20a: {  	v53 =	vsub.f32 $0.0e+00, v61;
	v54 =	vpop (erf)  }
0x20b: {  	v54 =	vadd.f32 $1.000000000e+00, v54  }
0x20c: {  	v53 =	vmul.f32 $1.442695020e+00, v53  }
0x20d: {  	(erf) = vrcp.f32 v54  }
0x20e: {  	(erf) = vpow2.f32 v53;
	_ =	sdelay $0x3  }
0x20f: {  	v62 =	vld [tilespmem:$0x660];
	_ =	sdelay $0x3  }
0x210: {  	v53 =	vpop (erf)  }
0x211: {  	v54 =	vsub.f32 $0.0e+00, v62;
	v55 =	vpop (erf)  }
0x212: {  	v55 =	vadd.f32 $1.000000000e+00, v55  }
0x213: {  	v54 =	vmul.f32 $1.442695020e+00, v54  }
0x214: {  	(erf) = vrcp.f32 v55  }
0x215: {  	(erf) = vpow2.f32 v54;
	_ =	sdelay $0x3  }
0x216: {  	[tilespmem:$0x1FFB0] =	vst v63;
	v63 =	vld [tilespmem:$0x6E0];
	_ =	sdelay $0x3  }
0x217: {  	v54 =	vpop (erf)  }
0x218: {  	v55 =	vsub.f32 $0.0e+00, v63;
	v56 =	vpop (erf)  }
0x219: {  	v56 =	vadd.f32 $1.000000000e+00, v56  }
0x21a: {  	v55 =	vmul.f32 $1.442695020e+00, v55  }
0x21b: {  	(erf) = vrcp.f32 v56  }
0x21c: {  	(erf) = vpow2.f32 v55;
	_ =	sdelay $0x3  }
0x21d: {  	v0 =	vld [tilespmem:$0x760];
	_ =	sdelay $0x3  }
0x21e: {  	v55 =	vpop (erf)  }
0x21f: {  	v56 =	vsub.f32 $0.0e+00, v0;
	v57 =	vpop (erf)  }
0x220: {  	v57 =	vadd.f32 $1.000000000e+00, v57  }
0x221: {  	v56 =	vmul.f32 $1.442695020e+00, v56  }
0x222: {  	(erf) = vrcp.f32 v57  }
0x223: {  	(erf) = vpow2.f32 v56;
	_ =	sdelay $0x3  }
0x224: {  	v1 =	vld [tilespmem:$0x7E0];
	_ =	sdelay $0x3  }
0x225: {  	v56 =	vpop (erf)  }
0x226: {  	v57 =	vsub.f32 $0.0e+00, v1;
	v58 =	vpop (erf)  }
0x227: {  	v58 =	vadd.f32 $1.000000000e+00, v58  }
0x228: {  	v57 =	vmul.f32 $1.442695020e+00, v57  }
0x229: {  	(erf) = vrcp.f32 v58  }
0x22a: {  	(erf) = vpow2.f32 v57;
	_ =	sdelay $0x3  }
0x22b: {  	v2 =	vld [tilespmem:$0x860];
	_ =	sdelay $0x3  }
0x22c: {  	v57 =	vpop (erf)  }
0x22d: {  	v58 =	vsub.f32 $0.0e+00, v2;
	v59 =	vpop (erf)  }
0x22e: {  	v59 =	vadd.f32 $1.000000000e+00, v59  }
0x22f: {  	v58 =	vmul.f32 $1.442695020e+00, v58  }
0x230: {  	(erf) = vrcp.f32 v59  }
0x231: {  	(erf) = vpow2.f32 v58;
	_ =	sdelay $0x3  }
0x232: {  	v3 =	vld [tilespmem:$0x8E0];
	_ =	sdelay $0x3  }
0x233: {  	v58 =	vpop (erf)  }
0x234: {  	v59 =	vsub.f32 $0.0e+00, v3;
	v60 =	vpop (erf)  }
0x235: {  	v60 =	vadd.f32 $1.000000000e+00, v60  }
0x236: {  	v59 =	vmul.f32 $1.442695020e+00, v59  }
0x237: {  	(erf) = vrcp.f32 v60  }
0x238: {  	(erf) = vpow2.f32 v59;
	_ =	sdelay $0x3  }
0x239: {  	v4 =	vld [tilespmem:$0x960];
	_ =	sdelay $0x3  }
0x23a: {  	v59 =	vpop (erf)  }
0x23b: {  	v60 =	vsub.f32 $0.0e+00, v4;
	v61 =	vpop (erf)  }
0x23c: {  	v61 =	vadd.f32 $1.000000000e+00, v61  }
0x23d: {  	v60 =	vmul.f32 $1.442695020e+00, v60  }
0x23e: {  	(erf) = vrcp.f32 v61  }
0x23f: {  	(erf) = vpow2.f32 v60;
	_ =	sdelay $0x3  }
0x240: {  	v5 =	vld [tilespmem:$0x9E0];
	_ =	sdelay $0x3  }
0x241: {  	v60 =	vpop (erf)  }
0x242: {  	v61 =	vsub.f32 $0.0e+00, v5;
	v62 =	vpop (erf)  }
0x243: {  	v62 =	vadd.f32 $1.000000000e+00, v62  }
0x244: {  	v61 =	vmul.f32 $1.442695020e+00, v61  }
0x245: {  	(erf) = vrcp.f32 v62  }
0x246: {  	(erf) = vpow2.f32 v61;
	_ =	sdelay $0x3  }
0x247: {  	v6 =	vld [tilespmem:$0x5F0];
	_ =	sdelay $0x3  }
0x248: {  	v61 =	vpop (erf)  }
0x249: {  	v62 =	vsub.f32 $0.0e+00, v6;
	v63 =	vpop (erf)  }
0x24a: {  	v63 =	vadd.f32 $1.000000000e+00, v63  }
0x24b: {  	v62 =	vmul.f32 $1.442695020e+00, v62  }
0x24c: {  	(erf) = vrcp.f32 v63  }
0x24d: {  	(erf) = vpow2.f32 v62;
	_ =	sdelay $0x3  }
0x24e: {  	v7 =	vld [tilespmem:$0x670];
	_ =	sdelay $0x3  }
0x24f: {  	v62 =	vpop (erf)  }
0x250: {  	v63 =	vsub.f32 $0.0e+00, v7;
	v8 =	vpop (erf)  }
0x251: {  	v0 =	vadd.f32 $1.000000000e+00, v8  }
0x252: {  	v63 =	vmul.f32 $1.442695020e+00, v63  }
0x253: {  	(erf) = vrcp.f32 v0  }
0x254: {  	(erf) = vpow2.f32 v63;
	_ =	sdelay $0x3  }
0x255: {  	v4 =	vld [tilespmem:$0x6F0];
	_ =	sdelay $0x3  }
0x256: {  	v63 =	vpop (erf)  }
0x257: {  	v0 =	vsub.f32 $0.0e+00, v4;
	v5 =	vpop (erf)  }
0x258: {  	v1 =	vadd.f32 $1.000000000e+00, v5  }
0x259: {  	v0 =	vmul.f32 $1.442695020e+00, v0  }
0x25a: {  	(erf) = vrcp.f32 v1  }
0x25b: {  	(erf) = vpow2.f32 v0;
	_ =	sdelay $0x3  }
0x25c: {  	v0 =	vld [tilespmem:$0x770];
	_ =	sdelay $0x3  }
0x25d: {  	v7 =	vpop (erf)  }
0x25e: {  	v0 =	vsub.f32 $0.0e+00, v0;
	v6 =	vpop (erf)  }
0x25f: {  	v2 =	vadd.f32 $1.000000000e+00, v6  }
0x260: {  	v0 =	vmul.f32 $1.442695020e+00, v0  }
0x261: {  	(erf) = vrcp.f32 v2  }
0x262: {  	(erf) = vpow2.f32 v0;
	_ =	sdelay $0x3  }
0x263: {  	v0 =	vld [tilespmem:$0x7F0];
	_ =	sdelay $0x3  }
0x264: {  	v6 =	vpop (erf)  }
0x265: {  	v0 =	vsub.f32 $0.0e+00, v0;
	v8 =	vpop (erf)  }
0x266: {  	v3 =	vadd.f32 $1.000000000e+00, v8  }
0x267: {  	v0 =	vmul.f32 $1.442695020e+00, v0  }
0x268: {  	(erf) = vrcp.f32 v3  }
0x269: {  	(erf) = vpow2.f32 v0;
	_ =	sdelay $0x3  }
0x26a: {  	v8 =	vld [tilespmem:$0x870];
	_ =	sdelay $0x3  }
0x26b: {  	v3 =	vpop (erf)  }
0x26c: {  	v0 =	vsub.f32 $0.0e+00, v8;
	v2 =	vpop (erf)  }
0x26d: {  	v4 =	vadd.f32 $1.000000000e+00, v2  }
0x26e: {  	v0 =	vmul.f32 $1.442695020e+00, v0  }
0x26f: {  	(erf) = vrcp.f32 v4  }
0x270: {  	(erf) = vpow2.f32 v0;
	_ =	sdelay $0x3  }
0x271: {  	v8 =	vld [tilespmem:$0x8F0];
	_ =	sdelay $0x3  }
0x272: {  	v4 =	vpop (erf)  }
0x273: {  	v0 =	vsub.f32 $0.0e+00, v8;
	v2 =	vpop (erf)  }
0x274: {  	v5 =	vadd.f32 $1.000000000e+00, v2  }
0x275: {  	v0 =	vmul.f32 $1.442695020e+00, v0  }
0x276: {  	(erf) = vrcp.f32 v5  }
0x277: {  	(erf) = vpow2.f32 v0;
	_ =	sdelay $0x1  }
0x278: {  	v8 =	vld [tilespmem:$0x970];
	_ =	sdelay $0x3  }
0x279: {  	v1 =	vld [tilespmem:$0x1FF70]  }
0x27a: {  	v2 =	vsub.f32 $0.0e+00, v8;
	v8 =	vld [tilespmem:$0x1FF80]  }
0x27b: {  	v5 =	vpop (erf)  }
0x27c: {  	v0 =	vpop (erf)  }
0x27d: {  	v0 =	vadd.f32 $1.000000000e+00, v0  }
0x27e: {  	v7 =	vmul.f32 v7, v63;
	v2 =	vmul.f32 $1.442695020e+00, v2  }
0x27f: {  	v1 =	vmul.f32 v8, v1;
	v8 =	vld [tilespmem:$0x1FF90];
	(erf) = vrcp.f32 v0  }
0x280: {  	v9 =	vmul.f32 v10, v9;
	(erf) = vpow2.f32 v2  }
0x281: {  	v6 =	vmul.f32 v6, v7  }
0x282: {  	v10 =	vld [tilespmem:$0x1FFA0];
	v0 =	vmul.f32 v11, v9  }
0x283: {  	v3 =	vmul.f32 v3, v6  }
0x284: {  	v1 =	vmul.f32 v8, v1;
	v0 =	vmul.f32 v12, v0;
	v12 =	vld [tilespmem:$0x9F0]  }
0x285: {  	v11 =	vld [tilespmem:$0x1FFB0];
	v2 =	vmul.f32 v19, v18;
	v19 =	vmul.f32 v28, v27  }
0x286: {  	v36 =	vmul.f32 v37, v36;
	v3 =	vmul.f32 v4, v3  }
0x287: {  	v1 =	vmul.f32 v10, v1;
	v10 =	vmul.f32 v29, v19  }
0x288: {  	v37 =	vmul.f32 v46, v45;
	v3 =	vmul.f32 v5, v3;
	v18 =	vld [tilespmem:$0x1FFC0];
	v27 =	vpop (erf)  }
0x289: {  	v2 =	vmul.f32 v20, v2;
	v29 =	vmul.f32 v30, v10;
	v9 =	vsub.f32 $0.0e+00, v12;
	v30 =	vpop (erf)  }
0x28a: {  	v20 =	vld [tilespmem:$0x1FFD0];
	v0 =	vmul.f32 v13, v0;
	v1 =	vmul.f32 v11, v1;
	v10 =	vadd.f32 $1.000000000e+00, v30  }
0x28b: {  	v2 =	vmul.f32 v21, v2;
	v9 =	vmul.f32 $1.442695020e+00, v9  }
0x28c: {  	v0 =	vmul.f32 v14, v0;
	(erf) = vrcp.f32 v10  }
0x28d: {  	v28 =	vld [tilespmem:$0x1FFE0];
	v1 =	vmul.f32 v18, v1;
	(erf) = vpow2.f32 v9  }
0x28e: {  	v2 =	vmul.f32 v22, v2;
	v8 =	vmul.f32 v31, v29  }
0x28f: {  	v0 =	vmul.f32 v16, v0;
	v1 =	vmul.f32 v20, v1  }
0x290: {  	v2 =	vmul.f32 v23, v2;
	v8 =	vmul.f32 v32, v8  }
0x291: {  	v0 =	vmul.f32 v15, v0;
	v3 =	vmul.f32 v27, v3  }
0x292: {  	v1 =	vmul.f32 v28, v1;
	v2 =	vmul.f32 v24, v2  }
0x293: {  	v8 =	vmul.f32 v33, v8;
	v10 =	vmul.f32 v47, v37  }
0x294: {  	v9 =	vmul.f32 v38, v36;
	v38 =	vmul.f32 v55, v54  }
0x295: {  	v0 =	vmul.f32 v17, v0;
	v2 =	vmul.f32 v25, v2;
	v45 =	vpop (erf)  }
0x296: {  	v32 =	vld [tilespmem:$0x1FFF0];
	v10 =	vmul.f32 v48, v10;
	v12 =	vmul.f32 v56, v38;
	v46 =	vpop (erf)  }
0x297: {  	v8 =	vmul.f32 v34, v8;
	v9 =	vmul.f32 v39, v9;
	v47 =	vadd.f32 $1.000000000e+00, v46  }
0x298: {  	v10 =	vmul.f32 v49, v10;
	v12 =	vmul.f32 v57, v12  }
0x299: {  	v9 =	vmul.f32 v40, v9;
	(erf) = vrcp.f32 v47  }
0x29a: {  	v50 =	vmul.f32 v50, v10;
	v49 =	vmul.f32 v58, v12  }
0x29b: {  	v1 =	vmul.f32 v32, v1;
	v48 =	vmul.f32 v41, v9  }
0x29c: {  	v56 =	vmul.f32 v51, v50;
	v55 =	vmul.f32 v59, v49  }
0x29d: {  	v2 =	vmul.f32 v26, v2;
	v54 =	vmul.f32 v42, v48  }
0x29e: {  	[tilespmem:$0xA10] =	vst v0;
	v59 =	vmul.f32 v52, v56;
	v58 =	vmul.f32 v60, v55  }
0x29f: {  	v8 =	vmul.f32 v35, v8;
	[tilespmem:$0xA00] =	vst v1;
	v57 =	vmul.f32 v43, v54  }
0x2a0: {  	[tilespmem:$0xA20] =	vst v2;
	v0 =	vmul.f32 v53, v59;
	v60 =	vmul.f32 v61, v58  }
0x2a1: {  	[tilespmem:$0xA30] =	vst v8;
	v3 =	vmul.f32 v45, v3;
	v1 =	vmul.f32 v44, v57  }
0x2a2: {  	[tilespmem:$0xA50] =	vst v0;
	v61 =	vmul.f32 v62, v60;
	v62 =	vpop (erf)  }
0x2a3: {  	[tilespmem:$0xA40] =	vst v1;
	v63 =	vmul.f32 v62, v3  }
0x2a4: {  	p0 =	sne.s32 s7, $0x1;
	[tilespmem:$0xA60] =	vst v61  }
.Ltmp0:
0x2a5: {  	[tilespmem:$0xA70] =	vst v63;
	(pc) =	sbr.rel @p0 .LBB2_1-.Ltmp0, $4  }
0x2a6: {  	[hbm4b:s6+s2] =	stream.linear.scatter [tilespmem:s30], [sflag:$0x2], $0x80, $0x38;
	[tilespmem:$0xA80] =	vst v63  }
0x2a7: {  	_ =	swait.ge [sflag:s8], $0x80  }
0x2a8: {  	[sflag:s8] =	ssyncset.done $0x0  }
0x2a9: {  	s7 =	sadd.s32 $0xFFFFFFFF, s7;
	[sflag:s8] =	ssyncadd.s32 $0xFFFFFF80  }
0x2aa: {  	_ =	sfence.sel $0x180000  }
0x2ab: {  	[bflag:$0x0] =	sbarrier.arrive $0xFFFF  }
0x2ac: {  	p0 =	sne.s32 s1, $0x0;
	_ =	strace $0x90000047  }
0x2ad: {  	s0 =	sadd.s32 @!p0 $0x100000, s0;
	[bflag:$0x2] =	sbarrier.arrive $0xFFFF  }
0x2ae: {  	[sflag:s0] =	ssyncadd.tile.s32 @!p0 $0x1;
	_ =	shalt  }
.Lfunc_end2:
_tile_overlayer_lowered:
.L_overlay_start_2:
0x2af: {  	(tag) =	ssettag $0x2  }
0x2b0: {  	s0 =	rddreg [dreg:$0x0];
	s2 =	stileid.u32  }
0x2b1: {  	s1 =	rddreg [dreg:$0x1];
	p0 =	sne.s32 s2, $0x0  }
0x2b2: {  	s3 =	rddreg [dreg:$0x2];
	[bflag:$0x3] =	sbarrier.arrive $0xFFFF;
	s2 =	simm.s32 @!p0 $0x1C02  }
0x2b3: {  	[timem:s3], [sflag:s2] =	dma.local @!p0 [hbm:s0], s1  }
0x2b4: {  	s0 =	simm.s32 @!p0 $0x2  }
0x2b5: {  	_ =	swait.ge @!p0 [sflag:s0], s1  }
0x2b6: {  	s1 =	ssub.s32 @!p0 $0x0, s1;
	[sflag:s0] =	ssyncset.done @!p0 $0x0  }
0x2b7: {  	[sflag:s0] =	ssyncadd.s32 @!p0 s1  }
0x2b8: {  	[bflag:$0x3] =	sbarrier.arrive $0xFFFF  }
0x2b9: {  	_ =	shalt  }

</sc_bundles>
